<compile_context>
chip_gen: v7x
topology: tpu7x:2x2x1
jax: 0.10.2.dev20260603
libtpu: 0.0.44.dev20260713+nightly
codegen_flags: <defaults>
</compile_context>

<pallas_src>
import functools

import jax
import jax.numpy as jnp
from jax import lax
from jax.experimental import pallas as pl
from jax.experimental.pallas import tpu as pltpu
from jax.experimental.pallas import tpu_sc as plsc

N = 64000
E = 2048000
NC = 2
NS = 16
NW = NC * NS
EPW = E // NW
CH = 8000
H = CH // 2
NCHUNK = EPW // CH
SL = N // NS


def _combine_body(x_ref, err_ref, pp_ref, sp_ref, pred_ref, dx_ref):
    pred_ref[...] = pp_ref[0] + pp_ref[1]
    st = sp_ref[0] + sp_ref[1]
    t = jnp.tanh(x_ref[...])
    dx_ref[...] = -err_ref[...] + (1.0 - t * t) * st


def _sc_body(x_hbm, e_hbm, ei_hbm, w_hbm,
             pred_out, sum_out,
             te_spm, pacc, sacc,
             srcv, dstv, wv, gp, mp, me,
             semL0, semL1, semG0, semG1, semS0, semS1,
             semG20, semG21, semS20, semS21):
    c = lax.axis_index("c")
    s = lax.axis_index("s")
    wid = c * NS + s
    seg = pl.ds(s * SL, SL)
    semL = (semL0, semL1)
    semG = (semG0, semG1)
    semS = (semS0, semS1)
    semG2 = (semG20, semG21)
    semS2 = (semS20, semS21)

    xbuf = wv.at[0].at[pl.ds(0, SL)]
    ebuf = me.at[0].at[pl.ds(0, SL)]
    tpk = gp.at[0].at[pl.ds(0, SL)]
    zbuf = mp.at[0].at[pl.ds(0, SL)]
    pltpu.sync_copy(x_hbm.at[seg], xbuf)
    pltpu.sync_copy(e_hbm.at[seg], ebuf)

    def stage_body(u, carry):
        d = pl.ds(u * 16, 16)
        v = xbuf[d]
        t16 = 1.0 - 2.0 / (jnp.exp(v + v) + 1.0)
        packed = plsc.pack(t16, ebuf[d], format=plsc.PackFormat.INTERLEAVED)
        tpk[d] = plsc.bitcast(packed, jnp.float32)
        zbuf[d] = jnp.zeros((16,), jnp.float32)
        return carry

    lax.fori_loop(0, SL // 16, stage_body, 0)
    pltpu.sync_copy(tpk, te_spm.at[seg])
    pltpu.sync_copy(zbuf, pacc.at[seg])
    pltpu.sync_copy(zbuf, sacc.at[seg])
    plsc.subcore_barrier()

    def start_linear(i, b):
        base = wid * EPW + i * CH
        pltpu.async_copy(ei_hbm.at[0].at[pl.ds(base, CH)], srcv.at[b], semL[b])
        pltpu.async_copy(ei_hbm.at[1].at[pl.ds(base, CH)], dstv.at[b], semL[b])
        pltpu.async_copy(w_hbm.at[pl.ds(base, CH)], wv.at[b], semL[b])

    def drain_linear(b):
        pltpu.make_async_copy(
            ei_hbm.at[0].at[pl.ds(0, CH)], srcv.at[b], semL[b]).wait()
        pltpu.make_async_copy(
            ei_hbm.at[1].at[pl.ds(0, CH)], dstv.at[b], semL[b]).wait()
        pltpu.make_async_copy(
            w_hbm.at[pl.ds(0, CH)], wv.at[b], semL[b]).wait()

    def compute_half(b, h):
        def vec_body(u, carry2):
            d = pl.ds(h * H + u * 16, 16)
            pair = plsc.bitcast(gp.at[b][d], jnp.bfloat16)
            t16, e16 = plsc.unpack(pair, format=plsc.PackFormat.INTERLEAVED)
            wvec = wv.at[b][d]
            mp.at[b][d] = t16 * wvec
            me.at[b][d] = e16 * wvec
            return carry2

        lax.fori_loop(0, H // 16, vec_body, 0)

    def do_chunk(b, prefetch_i, ob):
        drain_linear(b)
        g1 = pltpu.async_copy(
            te_spm.at[srcv.at[b].at[pl.ds(0, H)]], gp.at[b].at[pl.ds(0, H)],
            semG[b])
        g2h = pltpu.async_copy(
            te_spm.at[srcv.at[b].at[pl.ds(H, H)]], gp.at[b].at[pl.ds(H, H)],
            semG2[b])
        if prefetch_i is not None:
            start_linear(prefetch_i, ob)
        g1.wait()
        compute_half(b, 0)
        s1p = pltpu.async_copy(
            mp.at[b].at[pl.ds(0, H)], pacc.at[dstv.at[b].at[pl.ds(0, H)]],
            semS[b], add=True)
        s1s = pltpu.async_copy(
            me.at[b].at[pl.ds(0, H)], sacc.at[dstv.at[b].at[pl.ds(0, H)]],
            semS[b], add=True)
        g2h.wait()
        compute_half(b, 1)
        s2p = pltpu.async_copy(
            mp.at[b].at[pl.ds(H, H)], pacc.at[dstv.at[b].at[pl.ds(H, H)]],
            semS2[b], add=True)
        s2s = pltpu.async_copy(
            me.at[b].at[pl.ds(H, H)], sacc.at[dstv.at[b].at[pl.ds(H, H)]],
            semS2[b], add=True)
        s1p.wait()
        s1s.wait()
        s2p.wait()
        s2s.wait()

    start_linear(0, 0)

    def super_body(si, carry):
        do_chunk(0, 2 * si + 1, 1)
        do_chunk(1, 2 * si + 2, 0)
        return carry

    lax.fori_loop(0, NCHUNK // 2 - 1, super_body, 0)
    do_chunk(0, NCHUNK - 1, 1)
    do_chunk(1, None, 0)
    plsc.subcore_barrier()

    pltpu.sync_copy(pacc.at[seg], pred_out.at[pl.ds(c * N + s * SL, SL)])
    pltpu.sync_copy(sacc.at[seg], sum_out.at[pl.ds(c * N + s * SL, SL)])


_sc_edges = pl.kernel(
    _sc_body,
    out_type=(
        jax.ShapeDtypeStruct((NC * N,), jnp.float32),
        jax.ShapeDtypeStruct((NC * N,), jnp.float32),
    ),
    mesh=plsc.VectorSubcoreMesh(
        core_axis_name="c", subcore_axis_name="s", num_cores=NC, num_subcores=NS
    ),
    scratch_types=[
        pltpu.VMEM_SHARED((N,), jnp.float32),
        pltpu.VMEM_SHARED((N,), jnp.float32),
        pltpu.VMEM_SHARED((N,), jnp.float32),
        pltpu.VMEM((2, CH), jnp.int32),
        pltpu.VMEM((2, CH), jnp.int32),
        pltpu.VMEM((2, CH), jnp.float32),
        pltpu.VMEM((2, CH), jnp.float32),
        pltpu.VMEM((2, CH), jnp.float32),
        pltpu.VMEM((2, CH), jnp.float32),
        pltpu.SemaphoreType.DMA,
        pltpu.SemaphoreType.DMA,
        pltpu.SemaphoreType.DMA,
        pltpu.SemaphoreType.DMA,
        pltpu.SemaphoreType.DMA,
        pltpu.SemaphoreType.DMA,
        pltpu.SemaphoreType.DMA,
        pltpu.SemaphoreType.DMA,
        pltpu.SemaphoreType.DMA,
        pltpu.SemaphoreType.DMA,
    ],
    compiler_params=pltpu.CompilerParams(
        use_tc_tiling_on_sc=False, needs_layout_passes=False
    ),
)


@jax.jit
def kernel(x, errors, edge_index, edge_weight):
    xf = x.reshape(N)
    ef = errors.reshape(N)
    ei = edge_index.astype(jnp.int32)
    w = edge_weight.reshape(E)

    pred_parts, sum_parts = _sc_edges(xf, ef, ei, w)

    pred, dx = pl.pallas_call(
        _combine_body,
        out_shape=(
            jax.ShapeDtypeStruct((N // 128, 128), jnp.float32),
            jax.ShapeDtypeStruct((N // 128, 128), jnp.float32),
        ),
    )(
        xf.reshape(N // 128, 128),
        ef.reshape(N // 128, 128),
        pred_parts.reshape(NC, N // 128, 128),
        sum_parts.reshape(NC, N // 128, 128),
    )
    return pred.reshape(N, 1), dx.reshape(N, 1)

# --- scband reference (transcript-rebuilt; emitter-appended) ---
"""Pipeline reference for scband-pc-graph-zwol-pyg-19679540150406 (READ-ONLY COPY).

The authoritative reference and input builder live on the scoring server;
editing this copy changes nothing except your own understanding.
"""

import jax, jax.numpy as jnp
import numpy as np

N = 64000  # batch_size(32) * num_vertices(2000) batched nodes
E = 2048000  # batched edges


def setup_inputs(seed: int = 0) -> dict:
    key = jax.random.key(seed)
    k1, k2, k3, k4, k5 = jax.random.split(key, 5)
    x = jax.random.normal(k1, (N, 1), dtype=jnp.float32)
    errors = jax.random.normal(k2, (N, 1), dtype=jnp.float32) * 0.05
    src = jax.random.randint(k3, (E,), 0, N)
    dst = jax.random.randint(k4, (E,), 0, N)
    edge_index = jnp.stack([src, dst]).astype(jnp.int64)
    # edge weights = gathered entries of the (adj-masked) dense weight matrix,
    # initialized N(0, 0.05) as in _reset_params, one scalar feature per edge
    edge_weight = jax.random.normal(k5, (E, 1), dtype=jnp.float32) * 0.05
    return {"x": x, "errors": errors, "edge_index": edge_index, "edge_weight": edge_weight}


def reference(x, errors, edge_index, edge_weight):
    src = edge_index[0]
    dst = edge_index[1]
    n = x.shape[0]
    # PredictionMessagePassing: message = f(x_j) * edge_weight, aggr='add' at dst
    msg_pred = jnp.tanh(x[src]) * edge_weight
    prediction = jax.ops.segment_sum(msg_pred, dst, num_segments=n)
    # DeltaXUpdate: sum_term = scatter_add(edge_weight * errors_j) at dst
    msg_err = edge_weight * errors[src]
    sum_term = jax.ops.segment_sum(msg_err, dst, num_segments=n)
    # dfdx for f=tanh: 1 - tanh(x)^2
    dfdx = 1.0 - jnp.tanh(x) ** 2
    delta_x = -errors + dfdx * sum_term
    return (prediction, delta_x)

if __name__ == "__main__":
    import jax
    _d = setup_inputs()
    print(jax.jit(kernel)(*tuple(_d.values())))

</pallas_src>

<mosaic_0001>
#map = affine_map<(d0, d1) -> (0)>
#map1 = affine_map<(d0, d1) -> (0, 0)>
module attributes {stable_mosaic.version = 14 : i64} {
  func.func @_sc_body(%arg0: i32, %arg1: i32, %arg2: memref<64000xf32, #tpu.memory_space<hbm>>, %arg3: memref<64000xf32, #tpu.memory_space<hbm>>, %arg4: memref<2x2048000xi32, #tpu.memory_space<hbm>>, %arg5: memref<2048000xf32, #tpu.memory_space<hbm>>, %arg6: memref<128000xf32, #tpu.memory_space<hbm>>, %arg7: memref<128000xf32, #tpu.memory_space<hbm>>, %arg8: memref<64000xf32, #tpu.memory_space<vmem_shared>>, %arg9: memref<64000xf32, #tpu.memory_space<vmem_shared>>, %arg10: memref<64000xf32, #tpu.memory_space<vmem_shared>>, %arg11: memref<2x8000xi32, #tpu.memory_space<vmem>>, %arg12: memref<2x8000xi32, #tpu.memory_space<vmem>>, %arg13: memref<2x8000xf32, #tpu.memory_space<vmem>>, %arg14: memref<2x8000xf32, #tpu.memory_space<vmem>>, %arg15: memref<2x8000xf32, #tpu.memory_space<vmem>>, %arg16: memref<2x8000xf32, #tpu.memory_space<vmem>>, %arg17: memref<!tpu.dma_semaphore, #tpu.memory_space<semaphore_mem>>, %arg18: memref<!tpu.dma_semaphore, #tpu.memory_space<semaphore_mem>>, %arg19: memref<!tpu.dma_semaphore, #tpu.memory_space<semaphore_mem>>, %arg20: memref<!tpu.dma_semaphore, #tpu.memory_space<semaphore_mem>>, %arg21: memref<!tpu.dma_semaphore, #tpu.memory_space<semaphore_mem>>, %arg22: memref<!tpu.dma_semaphore, #tpu.memory_space<semaphore_mem>>, %arg23: memref<!tpu.dma_semaphore, #tpu.memory_space<semaphore_mem>>, %arg24: memref<!tpu.dma_semaphore, #tpu.memory_space<semaphore_mem>>, %arg25: memref<!tpu.dma_semaphore, #tpu.memory_space<semaphore_mem>>, %arg26: memref<!tpu.dma_semaphore, #tpu.memory_space<semaphore_mem>>) attributes {dimension_semantics = [#tpu.dimension_semantics<core_parallel>, #tpu.dimension_semantics<subcore_parallel>], iteration_bounds = array<i64: 2, 16>, scalar_prefetch = 0 : i64, scratch_operands = 19 : i64, tpu.core_type = #tpu.core_type<sc_vector_subcore>, window_params = [{transform_indices = #map}, {transform_indices = #map}, {transform_indices = #map1}, {transform_indices = #map}, {transform_indices = #map}, {transform_indices = #map}]} {
    %mul3A = arith.constant 16 : i32
    %mul3A_0 = arith.muli %arg0, %mul3A : i32
    %add3A = arith.addi %mul3A_0, %arg1 : i32
    %mul3A_1 = arith.constant 4000 : i32
    %mul3A_2 = arith.muli %arg1, %mul3A_1 : i32
    %run_scoped3A = arith.constant 0 : i32
    "tpu.region"() ({
      %run_scoped3A_575 = tpu.sem_alloc : memref<!tpu.dma_semaphore, #tpu.memory_space<semaphore_mem>>
      %dma_start3A_576 = arith.constant 0 : i32
      %dma_start3A_577 = tpu.memref_slice %arg13[%run_scoped3A, %dma_start3A_576] : memref<2x8000xf32, #tpu.memory_space<vmem>> -> memref<1x8000xf32, #tpu.memory_space<vmem>>
      %dma_start3A_578 = tpu.memref_squeeze %dma_start3A_577 : memref<1x8000xf32, #tpu.memory_space<vmem>> -> memref<8000xf32, #tpu.memory_space<vmem>>
      %dma_start3A_579 = arith.constant 0 : i32
      %dma_start3A_580 = tpu.memref_slice %dma_start3A_578[%dma_start3A_579] : memref<8000xf32, #tpu.memory_space<vmem>> -> memref<4000xf32, #tpu.memory_space<vmem>>
      %dma_start3A_581 = tpu.memref_slice %arg2[%mul3A_2] : memref<64000xf32, #tpu.memory_space<hbm>> -> memref<4000xf32, #tpu.memory_space<hbm>>
      %dma_start3A_582 = arith.constant 0 : i32
      %dma_start3A_583 = tpu.memref_slice %arg13[%run_scoped3A, %dma_start3A_582] : memref<2x8000xf32, #tpu.memory_space<vmem>> -> memref<1x8000xf32, #tpu.memory_space<vmem>>
      %dma_start3A_584 = tpu.memref_squeeze %dma_start3A_583 : memref<1x8000xf32, #tpu.memory_space<vmem>> -> memref<8000xf32, #tpu.memory_space<vmem>>
      %dma_start3A_585 = arith.constant 0 : i32
      %dma_start3A_586 = tpu.memref_slice %dma_start3A_584[%dma_start3A_585] : memref<8000xf32, #tpu.memory_space<vmem>> -> memref<4000xf32, #tpu.memory_space<vmem>>
      %dma_start3A_587 = tpu.memref_slice %arg2[%mul3A_2] : memref<64000xf32, #tpu.memory_space<hbm>> -> memref<4000xf32, #tpu.memory_space<hbm>>
      tpu.enqueue_dma source(%dma_start3A_587 : memref<4000xf32, #tpu.memory_space<hbm>>) target(%dma_start3A_586 : memref<4000xf32, #tpu.memory_space<vmem>>) target_semaphore(%run_scoped3A_575 : memref<!tpu.dma_semaphore, #tpu.memory_space<semaphore_mem>>)
      %dma_wait3A_588 = arith.constant 0 : i32
      %dma_wait3A_589 = tpu.memref_slice %arg13[%run_scoped3A, %dma_wait3A_588] : memref<2x8000xf32, #tpu.memory_space<vmem>> -> memref<1x8000xf32, #tpu.memory_space<vmem>>
      %dma_wait3A_590 = tpu.memref_squeeze %dma_wait3A_589 : memref<1x8000xf32, #tpu.memory_space<vmem>> -> memref<8000xf32, #tpu.memory_space<vmem>>
      %dma_wait3A_591 = arith.constant 0 : i32
      %dma_wait3A_592 = tpu.memref_slice %dma_wait3A_590[%dma_wait3A_591] : memref<8000xf32, #tpu.memory_space<vmem>> -> memref<4000xf32, #tpu.memory_space<vmem>>
      %dma_wait3A_593 = tpu.memref_slice %arg2[%mul3A_2] : memref<64000xf32, #tpu.memory_space<hbm>> -> memref<4000xf32, #tpu.memory_space<hbm>>
      %dma_wait3A_594 = arith.constant 0 : i32
      %dma_wait3A_595 = tpu.memref_slice %arg13[%run_scoped3A, %dma_wait3A_594] : memref<2x8000xf32, #tpu.memory_space<vmem>> -> memref<1x8000xf32, #tpu.memory_space<vmem>>
      %dma_wait3A_596 = tpu.memref_squeeze %dma_wait3A_595 : memref<1x8000xf32, #tpu.memory_space<vmem>> -> memref<8000xf32, #tpu.memory_space<vmem>>
      %dma_wait3A_597 = arith.constant 0 : i32
      %dma_wait3A_598 = tpu.memref_slice %dma_wait3A_596[%dma_wait3A_597] : memref<8000xf32, #tpu.memory_space<vmem>> -> memref<4000xf32, #tpu.memory_space<vmem>>
      %dma_wait3A_599 = tpu.memref_slice %arg2[%mul3A_2] : memref<64000xf32, #tpu.memory_space<hbm>> -> memref<4000xf32, #tpu.memory_space<hbm>>
      tpu.wait_dma2 semaphore(%run_scoped3A_575 : memref<!tpu.dma_semaphore, #tpu.memory_space<semaphore_mem>>) src(%dma_wait3A_599 : memref<4000xf32, #tpu.memory_space<hbm>>) dst(%dma_wait3A_598 : memref<4000xf32, #tpu.memory_space<vmem>>)
      tpu.yield
    }) : () -> ()
    %run_scoped3A_3 = arith.constant 0 : i32
    "tpu.region"() ({
      %run_scoped3A_575 = tpu.sem_alloc : memref<!tpu.dma_semaphore, #tpu.memory_space<semaphore_mem>>
      %dma_start3A_576 = arith.constant 0 : i32
      %dma_start3A_577 = tpu.memref_slice %arg16[%run_scoped3A_3, %dma_start3A_576] : memref<2x8000xf32, #tpu.memory_space<vmem>> -> memref<1x8000xf32, #tpu.memory_space<vmem>>
      %dma_start3A_578 = tpu.memref_squeeze %dma_start3A_577 : memref<1x8000xf32, #tpu.memory_space<vmem>> -> memref<8000xf32, #tpu.memory_space<vmem>>
      %dma_start3A_579 = arith.constant 0 : i32
      %dma_start3A_580 = tpu.memref_slice %dma_start3A_578[%dma_start3A_579] : memref<8000xf32, #tpu.memory_space<vmem>> -> memref<4000xf32, #tpu.memory_space<vmem>>
      %dma_start3A_581 = tpu.memref_slice %arg3[%mul3A_2] : memref<64000xf32, #tpu.memory_space<hbm>> -> memref<4000xf32, #tpu.memory_space<hbm>>
      %dma_start3A_582 = arith.constant 0 : i32
      %dma_start3A_583 = tpu.memref_slice %arg16[%run_scoped3A_3, %dma_start3A_582] : memref<2x8000xf32, #tpu.memory_space<vmem>> -> memref<1x8000xf32, #tpu.memory_space<vmem>>
      %dma_start3A_584 = tpu.memref_squeeze %dma_start3A_583 : memref<1x8000xf32, #tpu.memory_space<vmem>> -> memref<8000xf32, #tpu.memory_space<vmem>>
      %dma_start3A_585 = arith.constant 0 : i32
      %dma_start3A_586 = tpu.memref_slice %dma_start3A_584[%dma_start3A_585] : memref<8000xf32, #tpu.memory_space<vmem>> -> memref<4000xf32, #tpu.memory_space<vmem>>
      %dma_start3A_587 = tpu.memref_slice %arg3[%mul3A_2] : memref<64000xf32, #tpu.memory_space<hbm>> -> memref<4000xf32, #tpu.memory_space<hbm>>
      tpu.enqueue_dma source(%dma_start3A_587 : memref<4000xf32, #tpu.memory_space<hbm>>) target(%dma_start3A_586 : memref<4000xf32, #tpu.memory_space<vmem>>) target_semaphore(%run_scoped3A_575 : memref<!tpu.dma_semaphore, #tpu.memory_space<semaphore_mem>>)
      %dma_wait3A_588 = arith.constant 0 : i32
      %dma_wait3A_589 = tpu.memref_slice %arg16[%run_scoped3A_3, %dma_wait3A_588] : memref<2x8000xf32, #tpu.memory_space<vmem>> -> memref<1x8000xf32, #tpu.memory_space<vmem>>
      %dma_wait3A_590 = tpu.memref_squeeze %dma_wait3A_589 : memref<1x8000xf32, #tpu.memory_space<vmem>> -> memref<8000xf32, #tpu.memory_space<vmem>>
      %dma_wait3A_591 = arith.constant 0 : i32
      %dma_wait3A_592 = tpu.memref_slice %dma_wait3A_590[%dma_wait3A_591] : memref<8000xf32, #tpu.memory_space<vmem>> -> memref<4000xf32, #tpu.memory_space<vmem>>
      %dma_wait3A_593 = tpu.memref_slice %arg3[%mul3A_2] : memref<64000xf32, #tpu.memory_space<hbm>> -> memref<4000xf32, #tpu.memory_space<hbm>>
      %dma_wait3A_594 = arith.constant 0 : i32
      %dma_wait3A_595 = tpu.memref_slice %arg16[%run_scoped3A_3, %dma_wait3A_594] : memref<2x8000xf32, #tpu.memory_space<vmem>> -> memref<1x8000xf32, #tpu.memory_space<vmem>>
      %dma_wait3A_596 = tpu.memref_squeeze %dma_wait3A_595 : memref<1x8000xf32, #tpu.memory_space<vmem>> -> memref<8000xf32, #tpu.memory_space<vmem>>
      %dma_wait3A_597 = arith.constant 0 : i32
      %dma_wait3A_598 = tpu.memref_slice %dma_wait3A_596[%dma_wait3A_597] : memref<8000xf32, #tpu.memory_space<vmem>> -> memref<4000xf32, #tpu.memory_space<vmem>>
      %dma_wait3A_599 = tpu.memref_slice %arg3[%mul3A_2] : memref<64000xf32, #tpu.memory_space<hbm>> -> memref<4000xf32, #tpu.memory_space<hbm>>
      tpu.wait_dma2 semaphore(%run_scoped3A_575 : memref<!tpu.dma_semaphore, #tpu.memory_space<semaphore_mem>>) src(%dma_wait3A_599 : memref<4000xf32, #tpu.memory_space<hbm>>) dst(%dma_wait3A_598 : memref<4000xf32, #tpu.memory_space<vmem>>)
      tpu.yield
    }) : () -> ()
    %scan3A = arith.constant 0 : i32
    %scan3A_4 = arith.constant 0 : i32
    %scan3A_5 = arith.constant 0 : i32
    %scan3A_6 = arith.constant 0 : i32
    %scan3A_7 = arith.constant 0 : i32
    %scan3A_8 = arith.constant 0 : i32
    %scan3A_9 = arith.constant 250 : i32
    %scan3A_10 = arith.addi %scan3A_8, %scan3A_9 : i32
    %scan3A_11 = arith.constant 1 : i32
    scf.for %scan3A_575 = %scan3A_8 to %scan3A_10 step %scan3A_11  : i32 {
      %mul3A_576 = arith.constant 16 : i32
      %mul3A_577 = arith.muli %scan3A_575, %mul3A_576 : i32
      %get3A = arith.constant 0 : i32
      %get3A_578 = tpu.memref_slice %arg13[%scan3A_4, %get3A] : memref<2x8000xf32, #tpu.memory_space<vmem>> -> memref<1x8000xf32, #tpu.memory_space<vmem>>
      %get3A_579 = tpu.memref_squeeze %get3A_578 : memref<1x8000xf32, #tpu.memory_space<vmem>> -> memref<8000xf32, #tpu.memory_space<vmem>>
      %get3A_580 = arith.constant 0 : i32
      %get3A_581 = tpu.memref_slice %get3A_579[%get3A_580] : memref<8000xf32, #tpu.memory_space<vmem>> -> memref<4000xf32, #tpu.memory_space<vmem>>
      %get3A_582 = arith.index_cast %mul3A_577 : i32 to index
      %get3A_583 = tpu.vector_load %get3A_581[%get3A_582] {strides = array<i32>} : memref<4000xf32, #tpu.memory_space<vmem>>, vector<16xf32>,
      %add3A_584 = arith.addf %get3A_583, %get3A_583 : vector<16xf32>
      %exp3A = math.exp %add3A_584 : vector<16xf32>
      %add3A_585 = arith.constant 1.000000e+00 : f32
      %add3A_586 = vector.broadcast %add3A_585 : f32 to vector<16xf32>
      %add3A_587 = arith.addf %exp3A, %add3A_586 : vector<16xf32>
      %div3A = arith.constant 2.000000e+00 : f32
      %div3A_588 = vector.broadcast %div3A : f32 to vector<16xf32>
      %div3A_589 = arith.divf %div3A_588, %add3A_587 : vector<16xf32>
      %sub3A = arith.constant 1.000000e+00 : f32
      %sub3A_590 = vector.broadcast %sub3A : f32 to vector<16xf32>
      %sub3A_591 = arith.subf %sub3A_590, %div3A_589 : vector<16xf32>
      %get3A_592 = arith.constant 0 : i32
      %get3A_593 = tpu.memref_slice %arg16[%scan3A_5, %get3A_592] : memref<2x8000xf32, #tpu.memory_space<vmem>> -> memref<1x8000xf32, #tpu.memory_space<vmem>>
      %get3A_594 = tpu.memref_squeeze %get3A_593 : memref<1x8000xf32, #tpu.memory_space<vmem>> -> memref<8000xf32, #tpu.memory_space<vmem>>
      %get3A_595 = arith.constant 0 : i32
      %get3A_596 = tpu.memref_slice %get3A_594[%get3A_595] : memref<8000xf32, #tpu.memory_space<vmem>> -> memref<4000xf32, #tpu.memory_space<vmem>>
      %get3A_597 = arith.index_cast %mul3A_577 : i32 to index
      %get3A_598 = tpu.vector_load %get3A_596[%get3A_597] {strides = array<i32>} : memref<4000xf32, #tpu.memory_space<vmem>>, vector<16xf32>,
      %pack3A = tpu.pack_subelements %sub3A_591, %get3A_598 {pack_format = #tpu.pack_format<interleaved>, positions = array<i32: 0, 1>} : vector<16xf32>, vector<16xf32> -> vector<32xbf16>
      %bitcast3A = vector.bitcast %pack3A : vector<32xbf16> to vector<16xf32>
      %swap3A = arith.constant 0 : i32
      %swap3A_599 = tpu.memref_slice %arg14[%scan3A_6, %swap3A] : memref<2x8000xf32, #tpu.memory_space<vmem>> -> memref<1x8000xf32, #tpu.memory_space<vmem>>
      %swap3A_600 = tpu.memref_squeeze %swap3A_599 : memref<1x8000xf32, #tpu.memory_space<vmem>> -> memref<8000xf32, #tpu.memory_space<vmem>>
      %swap3A_601 = arith.constant 0 : i32
      %swap3A_602 = tpu.memref_slice %swap3A_600[%swap3A_601] : memref<8000xf32, #tpu.memory_space<vmem>> -> memref<4000xf32, #tpu.memory_space<vmem>>
      %swap3A_603 = arith.index_cast %mul3A_577 : i32 to index
      %swap3A_604 = tpu.vector_load %swap3A_602[%swap3A_603] {strides = array<i32>} : memref<4000xf32, #tpu.memory_space<vmem>>, vector<16xf32>,
      tpu.vector_store %swap3A_602[%swap3A_603], %bitcast3A {strides = array<i32>} : memref<4000xf32, #tpu.memory_space<vmem>>, vector<16xf32>,
      %broadcast_in_dim3A = arith.constant 0.000000e+00 : f32
      %broadcast_in_dim3A_605 = vector.broadcast %broadcast_in_dim3A : f32 to vector<16xf32>
      %swap3A_606 = arith.constant 0 : i32
      %swap3A_607 = tpu.memref_slice %arg15[%scan3A_7, %swap3A_606] : memref<2x8000xf32, #tpu.memory_space<vmem>> -> memref<1x8000xf32, #tpu.memory_space<vmem>>
      %swap3A_608 = tpu.memref_squeeze %swap3A_607 : memref<1x8000xf32, #tpu.memory_space<vmem>> -> memref<8000xf32, #tpu.memory_space<vmem>>
      %swap3A_609 = arith.constant 0 : i32
      %swap3A_610 = tpu.memref_slice %swap3A_608[%swap3A_609] : memref<8000xf32, #tpu.memory_space<vmem>> -> memref<4000xf32, #tpu.memory_space<vmem>>
      %swap3A_611 = arith.index_cast %mul3A_577 : i32 to index
      %swap3A_612 = tpu.vector_load %swap3A_610[%swap3A_611] {strides = array<i32>} : memref<4000xf32, #tpu.memory_space<vmem>>, vector<16xf32>,
      tpu.vector_store %swap3A_610[%swap3A_611], %broadcast_in_dim3A_605 {strides = array<i32>} : memref<4000xf32, #tpu.memory_space<vmem>>, vector<16xf32>,
    }
    %scan3A_12 = arith.constant 250 : i32
    %run_scoped3A_13 = arith.constant 0 : i32
    "tpu.region"() ({
      %run_scoped3A_575 = tpu.sem_alloc : memref<!tpu.dma_semaphore, #tpu.memory_space<semaphore_mem>>
      %dma_start3A_576 = arith.constant 0 : i32
      %dma_start3A_577 = tpu.memref_slice %arg14[%run_scoped3A_13, %dma_start3A_576] : memref<2x8000xf32, #tpu.memory_space<vmem>> -> memref<1x8000xf32, #tpu.memory_space<vmem>>
      %dma_start3A_578 = tpu.memref_squeeze %dma_start3A_577 : memref<1x8000xf32, #tpu.memory_space<vmem>> -> memref<8000xf32, #tpu.memory_space<vmem>>
      %dma_start3A_579 = arith.constant 0 : i32
      %dma_start3A_580 = tpu.memref_slice %dma_start3A_578[%dma_start3A_579] : memref<8000xf32, #tpu.memory_space<vmem>> -> memref<4000xf32, #tpu.memory_space<vmem>>
      %dma_start3A_581 = tpu.memref_slice %arg8[%mul3A_2] : memref<64000xf32, #tpu.memory_space<vmem_shared>> -> memref<4000xf32, #tpu.memory_space<vmem_shared>>
      %dma_start3A_582 = tpu.memref_slice %arg8[%mul3A_2] : memref<64000xf32, #tpu.memory_space<vmem_shared>> -> memref<4000xf32, #tpu.memory_space<vmem_shared>>
      %dma_start3A_583 = arith.constant 0 : i32
      %dma_start3A_584 = tpu.memref_slice %arg14[%run_scoped3A_13, %dma_start3A_583] : memref<2x8000xf32, #tpu.memory_space<vmem>> -> memref<1x8000xf32, #tpu.memory_space<vmem>>
      %dma_start3A_585 = tpu.memref_squeeze %dma_start3A_584 : memref<1x8000xf32, #tpu.memory_space<vmem>> -> memref<8000xf32, #tpu.memory_space<vmem>>
      %dma_start3A_586 = arith.constant 0 : i32
      %dma_start3A_587 = tpu.memref_slice %dma_start3A_585[%dma_start3A_586] : memref<8000xf32, #tpu.memory_space<vmem>> -> memref<4000xf32, #tpu.memory_space<vmem>>
      tpu.enqueue_dma source(%dma_start3A_587 : memref<4000xf32, #tpu.memory_space<vmem>>) target(%dma_start3A_582 : memref<4000xf32, #tpu.memory_space<vmem_shared>>) target_semaphore(%run_scoped3A_575 : memref<!tpu.dma_semaphore, #tpu.memory_space<semaphore_mem>>)
      %dma_wait3A_588 = arith.constant 0 : i32
      %dma_wait3A_589 = tpu.memref_slice %arg14[%run_scoped3A_13, %dma_wait3A_588] : memref<2x8000xf32, #tpu.memory_space<vmem>> -> memref<1x8000xf32, #tpu.memory_space<vmem>>
      %dma_wait3A_590 = tpu.memref_squeeze %dma_wait3A_589 : memref<1x8000xf32, #tpu.memory_space<vmem>> -> memref<8000xf32, #tpu.memory_space<vmem>>
      %dma_wait3A_591 = arith.constant 0 : i32
      %dma_wait3A_592 = tpu.memref_slice %dma_wait3A_590[%dma_wait3A_591] : memref<8000xf32, #tpu.memory_space<vmem>> -> memref<4000xf32, #tpu.memory_space<vmem>>
      %dma_wait3A_593 = tpu.memref_slice %arg8[%mul3A_2] : memref<64000xf32, #tpu.memory_space<vmem_shared>> -> memref<4000xf32, #tpu.memory_space<vmem_shared>>
      %dma_wait3A_594 = tpu.memref_slice %arg8[%mul3A_2] : memref<64000xf32, #tpu.memory_space<vmem_shared>> -> memref<4000xf32, #tpu.memory_space<vmem_shared>>
      %dma_wait3A_595 = arith.constant 0 : i32
      %dma_wait3A_596 = tpu.memref_slice %arg14[%run_scoped3A_13, %dma_wait3A_595] : memref<2x8000xf32, #tpu.memory_space<vmem>> -> memref<1x8000xf32, #tpu.memory_space<vmem>>
      %dma_wait3A_597 = tpu.memref_squeeze %dma_wait3A_596 : memref<1x8000xf32, #tpu.memory_space<vmem>> -> memref<8000xf32, #tpu.memory_space<vmem>>
      %dma_wait3A_598 = arith.constant 0 : i32
      %dma_wait3A_599 = tpu.memref_slice %dma_wait3A_597[%dma_wait3A_598] : memref<8000xf32, #tpu.memory_space<vmem>> -> memref<4000xf32, #tpu.memory_space<vmem>>
      tpu.wait_dma2 semaphore(%run_scoped3A_575 : memref<!tpu.dma_semaphore, #tpu.memory_space<semaphore_mem>>) src(%dma_wait3A_599 : memref<4000xf32, #tpu.memory_space<vmem>>) dst(%dma_wait3A_594 : memref<4000xf32, #tpu.memory_space<vmem_shared>>)
      tpu.yield
    }) : () -> ()
    %run_scoped3A_14 = arith.constant 0 : i32
    "tpu.region"() ({
      %run_scoped3A_575 = tpu.sem_alloc : memref<!tpu.dma_semaphore, #tpu.memory_space<semaphore_mem>>
      %dma_start3A_576 = arith.constant 0 : i32
      %dma_start3A_577 = tpu.memref_slice %arg15[%run_scoped3A_14, %dma_start3A_576] : memref<2x8000xf32, #tpu.memory_space<vmem>> -> memref<1x8000xf32, #tpu.memory_space<vmem>>
      %dma_start3A_578 = tpu.memref_squeeze %dma_start3A_577 : memref<1x8000xf32, #tpu.memory_space<vmem>> -> memref<8000xf32, #tpu.memory_space<vmem>>
      %dma_start3A_579 = arith.constant 0 : i32
      %dma_start3A_580 = tpu.memref_slice %dma_start3A_578[%dma_start3A_579] : memref<8000xf32, #tpu.memory_space<vmem>> -> memref<4000xf32, #tpu.memory_space<vmem>>
      %dma_start3A_581 = tpu.memref_slice %arg9[%mul3A_2] : memref<64000xf32, #tpu.memory_space<vmem_shared>> -> memref<4000xf32, #tpu.memory_space<vmem_shared>>
      %dma_start3A_582 = tpu.memref_slice %arg9[%mul3A_2] : memref<64000xf32, #tpu.memory_space<vmem_shared>> -> memref<4000xf32, #tpu.memory_space<vmem_shared>>
      %dma_start3A_583 = arith.constant 0 : i32
      %dma_start3A_584 = tpu.memref_slice %arg15[%run_scoped3A_14, %dma_start3A_583] : memref<2x8000xf32, #tpu.memory_space<vmem>> -> memref<1x8000xf32, #tpu.memory_space<vmem>>
      %dma_start3A_585 = tpu.memref_squeeze %dma_start3A_584 : memref<1x8000xf32, #tpu.memory_space<vmem>> -> memref<8000xf32, #tpu.memory_space<vmem>>
      %dma_start3A_586 = arith.constant 0 : i32
      %dma_start3A_587 = tpu.memref_slice %dma_start3A_585[%dma_start3A_586] : memref<8000xf32, #tpu.memory_space<vmem>> -> memref<4000xf32, #tpu.memory_space<vmem>>
      tpu.enqueue_dma source(%dma_start3A_587 : memref<4000xf32, #tpu.memory_space<vmem>>) target(%dma_start3A_582 : memref<4000xf32, #tpu.memory_space<vmem_shared>>) target_semaphore(%run_scoped3A_575 : memref<!tpu.dma_semaphore, #tpu.memory_space<semaphore_mem>>)
      %dma_wait3A_588 = arith.constant 0 : i32
      %dma_wait3A_589 = tpu.memref_slice %arg15[%run_scoped3A_14, %dma_wait3A_588] : memref<2x8000xf32, #tpu.memory_space<vmem>> -> memref<1x8000xf32, #tpu.memory_space<vmem>>
      %dma_wait3A_590 = tpu.memref_squeeze %dma_wait3A_589 : memref<1x8000xf32, #tpu.memory_space<vmem>> -> memref<8000xf32, #tpu.memory_space<vmem>>
      %dma_wait3A_591 = arith.constant 0 : i32
      %dma_wait3A_592 = tpu.memref_slice %dma_wait3A_590[%dma_wait3A_591] : memref<8000xf32, #tpu.memory_space<vmem>> -> memref<4000xf32, #tpu.memory_space<vmem>>
      %dma_wait3A_593 = tpu.memref_slice %arg9[%mul3A_2] : memref<64000xf32, #tpu.memory_space<vmem_shared>> -> memref<4000xf32, #tpu.memory_space<vmem_shared>>
      %dma_wait3A_594 = tpu.memref_slice %arg9[%mul3A_2] : memref<64000xf32, #tpu.memory_space<vmem_shared>> -> memref<4000xf32, #tpu.memory_space<vmem_shared>>
      %dma_wait3A_595 = arith.constant 0 : i32
      %dma_wait3A_596 = tpu.memref_slice %arg15[%run_scoped3A_14, %dma_wait3A_595] : memref<2x8000xf32, #tpu.memory_space<vmem>> -> memref<1x8000xf32, #tpu.memory_space<vmem>>
      %dma_wait3A_597 = tpu.memref_squeeze %dma_wait3A_596 : memref<1x8000xf32, #tpu.memory_space<vmem>> -> memref<8000xf32, #tpu.memory_space<vmem>>
      %dma_wait3A_598 = arith.constant 0 : i32
      %dma_wait3A_599 = tpu.memref_slice %dma_wait3A_597[%dma_wait3A_598] : memref<8000xf32, #tpu.memory_space<vmem>> -> memref<4000xf32, #tpu.memory_space<vmem>>
      tpu.wait_dma2 semaphore(%run_scoped3A_575 : memref<!tpu.dma_semaphore, #tpu.memory_space<semaphore_mem>>) src(%dma_wait3A_599 : memref<4000xf32, #tpu.memory_space<vmem>>) dst(%dma_wait3A_594 : memref<4000xf32, #tpu.memory_space<vmem_shared>>)
      tpu.yield
    }) : () -> ()
    %run_scoped3A_15 = arith.constant 0 : i32
    "tpu.region"() ({
      %run_scoped3A_575 = tpu.sem_alloc : memref<!tpu.dma_semaphore, #tpu.memory_space<semaphore_mem>>
      %dma_start3A_576 = arith.constant 0 : i32
      %dma_start3A_577 = tpu.memref_slice %arg15[%run_scoped3A_15, %dma_start3A_576] : memref<2x8000xf32, #tpu.memory_space<vmem>> -> memref<1x8000xf32, #tpu.memory_space<vmem>>
      %dma_start3A_578 = tpu.memref_squeeze %dma_start3A_577 : memref<1x8000xf32, #tpu.memory_space<vmem>> -> memref<8000xf32, #tpu.memory_space<vmem>>
      %dma_start3A_579 = arith.constant 0 : i32
      %dma_start3A_580 = tpu.memref_slice %dma_start3A_578[%dma_start3A_579] : memref<8000xf32, #tpu.memory_space<vmem>> -> memref<4000xf32, #tpu.memory_space<vmem>>
      %dma_start3A_581 = tpu.memref_slice %arg10[%mul3A_2] : memref<64000xf32, #tpu.memory_space<vmem_shared>> -> memref<4000xf32, #tpu.memory_space<vmem_shared>>
      %dma_start3A_582 = tpu.memref_slice %arg10[%mul3A_2] : memref<64000xf32, #tpu.memory_space<vmem_shared>> -> memref<4000xf32, #tpu.memory_space<vmem_shared>>
      %dma_start3A_583 = arith.constant 0 : i32
      %dma_start3A_584 = tpu.memref_slice %arg15[%run_scoped3A_15, %dma_start3A_583] : memref<2x8000xf32, #tpu.memory_space<vmem>> -> memref<1x8000xf32, #tpu.memory_space<vmem>>
      %dma_start3A_585 = tpu.memref_squeeze %dma_start3A_584 : memref<1x8000xf32, #tpu.memory_space<vmem>> -> memref<8000xf32, #tpu.memory_space<vmem>>
      %dma_start3A_586 = arith.constant 0 : i32
      %dma_start3A_587 = tpu.memref_slice %dma_start3A_585[%dma_start3A_586] : memref<8000xf32, #tpu.memory_space<vmem>> -> memref<4000xf32, #tpu.memory_space<vmem>>
      tpu.enqueue_dma source(%dma_start3A_587 : memref<4000xf32, #tpu.memory_space<vmem>>) target(%dma_start3A_582 : memref<4000xf32, #tpu.memory_space<vmem_shared>>) target_semaphore(%run_scoped3A_575 : memref<!tpu.dma_semaphore, #tpu.memory_space<semaphore_mem>>)
      %dma_wait3A_588 = arith.constant 0 : i32
      %dma_wait3A_589 = tpu.memref_slice %arg15[%run_scoped3A_15, %dma_wait3A_588] : memref<2x8000xf32, #tpu.memory_space<vmem>> -> memref<1x8000xf32, #tpu.memory_space<vmem>>
      %dma_wait3A_590 = tpu.memref_squeeze %dma_wait3A_589 : memref<1x8000xf32, #tpu.memory_space<vmem>> -> memref<8000xf32, #tpu.memory_space<vmem>>
      %dma_wait3A_591 = arith.constant 0 : i32
      %dma_wait3A_592 = tpu.memref_slice %dma_wait3A_590[%dma_wait3A_591] : memref<8000xf32, #tpu.memory_space<vmem>> -> memref<4000xf32, #tpu.memory_space<vmem>>
      %dma_wait3A_593 = tpu.memref_slice %arg10[%mul3A_2] : memref<64000xf32, #tpu.memory_space<vmem_shared>> -> memref<4000xf32, #tpu.memory_space<vmem_shared>>
      %dma_wait3A_594 = tpu.memref_slice %arg10[%mul3A_2] : memref<64000xf32, #tpu.memory_space<vmem_shared>> -> memref<4000xf32, #tpu.memory_space<vmem_shared>>
      %dma_wait3A_595 = arith.constant 0 : i32
      %dma_wait3A_596 = tpu.memref_slice %arg15[%run_scoped3A_15, %dma_wait3A_595] : memref<2x8000xf32, #tpu.memory_space<vmem>> -> memref<1x8000xf32, #tpu.memory_space<vmem>>
      %dma_wait3A_597 = tpu.memref_squeeze %dma_wait3A_596 : memref<1x8000xf32, #tpu.memory_space<vmem>> -> memref<8000xf32, #tpu.memory_space<vmem>>
      %dma_wait3A_598 = arith.constant 0 : i32
      %dma_wait3A_599 = tpu.memref_slice %dma_wait3A_597[%dma_wait3A_598] : memref<8000xf32, #tpu.memory_space<vmem>> -> memref<4000xf32, #tpu.memory_space<vmem>>
      tpu.wait_dma2 semaphore(%run_scoped3A_575 : memref<!tpu.dma_semaphore, #tpu.memory_space<semaphore_mem>>) src(%dma_wait3A_599 : memref<4000xf32, #tpu.memory_space<vmem>>) dst(%dma_wait3A_594 : memref<4000xf32, #tpu.memory_space<vmem_shared>>)
      tpu.yield
    }) : () -> ()
    %barrier3A = arith.constant 0 : index
    tpu.barrier barrier_id(%barrier3A)
    %mul3A_16 = arith.constant 64000 : i32
    %mul3A_17 = arith.muli %add3A, %mul3A_16 : i32
    %add3A_18 = arith.constant 0 : i32
    %add3A_19 = arith.addi %mul3A_17, %add3A_18 : i32
    %dma_start3A = arith.constant 0 : i32
    %dma_start3A_20 = arith.constant 0 : i32
    %dma_start3A_21 = arith.constant 0 : i32
    %dma_start3A_22 = tpu.memref_slice %arg11[%dma_start3A_20, %dma_start3A_21] : memref<2x8000xi32, #tpu.memory_space<vmem>> -> memref<1x8000xi32, #tpu.memory_space<vmem>>
    %dma_start3A_23 = tpu.memref_squeeze %dma_start3A_22 : memref<1x8000xi32, #tpu.memory_space<vmem>> -> memref<8000xi32, #tpu.memory_space<vmem>>
    %dma_start3A_24 = arith.constant 0 : i32
    %dma_start3A_25 = tpu.memref_slice %arg4[%dma_start3A, %dma_start3A_24] : memref<2x2048000xi32, #tpu.memory_space<hbm>> -> memref<1x2048000xi32, #tpu.memory_space<hbm>>
    %dma_start3A_26 = tpu.memref_squeeze %dma_start3A_25 : memref<1x2048000xi32, #tpu.memory_space<hbm>> -> memref<2048000xi32, #tpu.memory_space<hbm>>
    %dma_start3A_27 = tpu.memref_slice %dma_start3A_26[%add3A_19] : memref<2048000xi32, #tpu.memory_space<hbm>> -> memref<8000xi32, #tpu.memory_space<hbm>>
    %dma_start3A_28 = arith.constant 0 : i32
    %dma_start3A_29 = tpu.memref_slice %arg11[%dma_start3A_20, %dma_start3A_28] : memref<2x8000xi32, #tpu.memory_space<vmem>> -> memref<1x8000xi32, #tpu.memory_space<vmem>>
    %dma_start3A_30 = tpu.memref_squeeze %dma_start3A_29 : memref<1x8000xi32, #tpu.memory_space<vmem>> -> memref<8000xi32, #tpu.memory_space<vmem>>
    %dma_start3A_31 = arith.constant 0 : i32
    %dma_start3A_32 = tpu.memref_slice %arg4[%dma_start3A, %dma_start3A_31] : memref<2x2048000xi32, #tpu.memory_space<hbm>> -> memref<1x2048000xi32, #tpu.memory_space<hbm>>
    %dma_start3A_33 = tpu.memref_squeeze %dma_start3A_32 : memref<1x2048000xi32, #tpu.memory_space<hbm>> -> memref<2048000xi32, #tpu.memory_space<hbm>>
    %dma_start3A_34 = tpu.memref_slice %dma_start3A_33[%add3A_19] : memref<2048000xi32, #tpu.memory_space<hbm>> -> memref<8000xi32, #tpu.memory_space<hbm>>
    tpu.enqueue_dma source(%dma_start3A_34 : memref<8000xi32, #tpu.memory_space<hbm>>) target(%dma_start3A_30 : memref<8000xi32, #tpu.memory_space<vmem>>) target_semaphore(%arg17 : memref<!tpu.dma_semaphore, #tpu.memory_space<semaphore_mem>>)
    %dma_start3A_35 = arith.constant 1 : i32
    %dma_start3A_36 = arith.constant 0 : i32
    %dma_start3A_37 = arith.constant 0 : i32
    %dma_start3A_38 = tpu.memref_slice %arg12[%dma_start3A_36, %dma_start3A_37] : memref<2x8000xi32, #tpu.memory_space<vmem>> -> memref<1x8000xi32, #tpu.memory_space<vmem>>
    %dma_start3A_39 = tpu.memref_squeeze %dma_start3A_38 : memref<1x8000xi32, #tpu.memory_space<vmem>> -> memref<8000xi32, #tpu.memory_space<vmem>>
    %dma_start3A_40 = arith.constant 0 : i32
    %dma_start3A_41 = tpu.memref_slice %arg4[%dma_start3A_35, %dma_start3A_40] : memref<2x2048000xi32, #tpu.memory_space<hbm>> -> memref<1x2048000xi32, #tpu.memory_space<hbm>>
    %dma_start3A_42 = tpu.memref_squeeze %dma_start3A_41 : memref<1x2048000xi32, #tpu.memory_space<hbm>> -> memref<2048000xi32, #tpu.memory_space<hbm>>
    %dma_start3A_43 = tpu.memref_slice %dma_start3A_42[%add3A_19] : memref<2048000xi32, #tpu.memory_space<hbm>> -> memref<8000xi32, #tpu.memory_space<hbm>>
    %dma_start3A_44 = arith.constant 0 : i32
    %dma_start3A_45 = tpu.memref_slice %arg12[%dma_start3A_36, %dma_start3A_44] : memref<2x8000xi32, #tpu.memory_space<vmem>> -> memref<1x8000xi32, #tpu.memory_space<vmem>>
    %dma_start3A_46 = tpu.memref_squeeze %dma_start3A_45 : memref<1x8000xi32, #tpu.memory_space<vmem>> -> memref<8000xi32, #tpu.memory_space<vmem>>
    %dma_start3A_47 = arith.constant 0 : i32
    %dma_start3A_48 = tpu.memref_slice %arg4[%dma_start3A_35, %dma_start3A_47] : memref<2x2048000xi32, #tpu.memory_space<hbm>> -> memref<1x2048000xi32, #tpu.memory_space<hbm>>
    %dma_start3A_49 = tpu.memref_squeeze %dma_start3A_48 : memref<1x2048000xi32, #tpu.memory_space<hbm>> -> memref<2048000xi32, #tpu.memory_space<hbm>>
    %dma_start3A_50 = tpu.memref_slice %dma_start3A_49[%add3A_19] : memref<2048000xi32, #tpu.memory_space<hbm>> -> memref<8000xi32, #tpu.memory_space<hbm>>
    tpu.enqueue_dma source(%dma_start3A_50 : memref<8000xi32, #tpu.memory_space<hbm>>) target(%dma_start3A_46 : memref<8000xi32, #tpu.memory_space<vmem>>) target_semaphore(%arg17 : memref<!tpu.dma_semaphore, #tpu.memory_space<semaphore_mem>>)
    %dma_start3A_51 = arith.constant 0 : i32
    %dma_start3A_52 = arith.constant 0 : i32
    %dma_start3A_53 = tpu.memref_slice %arg13[%dma_start3A_51, %dma_start3A_52] : memref<2x8000xf32, #tpu.memory_space<vmem>> -> memref<1x8000xf32, #tpu.memory_space<vmem>>
    %dma_start3A_54 = tpu.memref_squeeze %dma_start3A_53 : memref<1x8000xf32, #tpu.memory_space<vmem>> -> memref<8000xf32, #tpu.memory_space<vmem>>
    %dma_start3A_55 = tpu.memref_slice %arg5[%add3A_19] : memref<2048000xf32, #tpu.memory_space<hbm>> -> memref<8000xf32, #tpu.memory_space<hbm>>
    %dma_start3A_56 = arith.constant 0 : i32
    %dma_start3A_57 = tpu.memref_slice %arg13[%dma_start3A_51, %dma_start3A_56] : memref<2x8000xf32, #tpu.memory_space<vmem>> -> memref<1x8000xf32, #tpu.memory_space<vmem>>
    %dma_start3A_58 = tpu.memref_squeeze %dma_start3A_57 : memref<1x8000xf32, #tpu.memory_space<vmem>> -> memref<8000xf32, #tpu.memory_space<vmem>>
    %dma_start3A_59 = tpu.memref_slice %arg5[%add3A_19] : memref<2048000xf32, #tpu.memory_space<hbm>> -> memref<8000xf32, #tpu.memory_space<hbm>>
    tpu.enqueue_dma source(%dma_start3A_59 : memref<8000xf32, #tpu.memory_space<hbm>>) target(%dma_start3A_58 : memref<8000xf32, #tpu.memory_space<vmem>>) target_semaphore(%arg17 : memref<!tpu.dma_semaphore, #tpu.memory_space<semaphore_mem>>)
    %scan3A_60 = arith.constant 0 : i32
    %scan3A_61 = arith.constant 0 : i32
    %scan3A_62 = arith.constant 3 : i32
    %scan3A_63 = arith.addi %scan3A_61, %scan3A_62 : i32
    %scan3A_64 = arith.constant 1 : i32
    scf.for %scan3A_575 = %scan3A_61 to %scan3A_63 step %scan3A_64  : i32 {
      %mul3A_576 = arith.constant 2 : i32
      %mul3A_577 = arith.muli %mul3A_576, %scan3A_575 : i32
      %add3A_578 = arith.constant 1 : i32
      %add3A_579 = arith.addi %mul3A_577, %add3A_578 : i32
      %dma_wait3A_580 = arith.constant 0 : i32
      %dma_wait3A_581 = arith.constant 0 : i32
      %dma_wait3A_582 = arith.constant 0 : i32
      %dma_wait3A_583 = tpu.memref_slice %arg11[%dma_wait3A_581, %dma_wait3A_582] : memref<2x8000xi32, #tpu.memory_space<vmem>> -> memref<1x8000xi32, #tpu.memory_space<vmem>>
      %dma_wait3A_584 = tpu.memref_squeeze %dma_wait3A_583 : memref<1x8000xi32, #tpu.memory_space<vmem>> -> memref<8000xi32, #tpu.memory_space<vmem>>
      %dma_wait3A_585 = arith.constant 0 : i32
      %dma_wait3A_586 = tpu.memref_slice %arg4[%dma_wait3A_580, %dma_wait3A_585] : memref<2x2048000xi32, #tpu.memory_space<hbm>> -> memref<1x2048000xi32, #tpu.memory_space<hbm>>
      %dma_wait3A_587 = tpu.memref_squeeze %dma_wait3A_586 : memref<1x2048000xi32, #tpu.memory_space<hbm>> -> memref<2048000xi32, #tpu.memory_space<hbm>>
      %dma_wait3A_588 = arith.constant 0 : i32
      %dma_wait3A_589 = tpu.memref_slice %dma_wait3A_587[%dma_wait3A_588] : memref<2048000xi32, #tpu.memory_space<hbm>> -> memref<8000xi32, #tpu.memory_space<hbm>>
      %dma_wait3A_590 = arith.constant 0 : i32
      %dma_wait3A_591 = tpu.memref_slice %arg11[%dma_wait3A_581, %dma_wait3A_590] : memref<2x8000xi32, #tpu.memory_space<vmem>> -> memref<1x8000xi32, #tpu.memory_space<vmem>>
      %dma_wait3A_592 = tpu.memref_squeeze %dma_wait3A_591 : memref<1x8000xi32, #tpu.memory_space<vmem>> -> memref<8000xi32, #tpu.memory_space<vmem>>
      %dma_wait3A_593 = arith.constant 0 : i32
      %dma_wait3A_594 = tpu.memref_slice %arg4[%dma_wait3A_580, %dma_wait3A_593] : memref<2x2048000xi32, #tpu.memory_space<hbm>> -> memref<1x2048000xi32, #tpu.memory_space<hbm>>
      %dma_wait3A_595 = tpu.memref_squeeze %dma_wait3A_594 : memref<1x2048000xi32, #tpu.memory_space<hbm>> -> memref<2048000xi32, #tpu.memory_space<hbm>>
      %dma_wait3A_596 = arith.constant 0 : i32
      %dma_wait3A_597 = tpu.memref_slice %dma_wait3A_595[%dma_wait3A_596] : memref<2048000xi32, #tpu.memory_space<hbm>> -> memref<8000xi32, #tpu.memory_space<hbm>>
      tpu.wait_dma2 semaphore(%arg17 : memref<!tpu.dma_semaphore, #tpu.memory_space<semaphore_mem>>) src(%dma_wait3A_597 : memref<8000xi32, #tpu.memory_space<hbm>>) dst(%dma_wait3A_592 : memref<8000xi32, #tpu.memory_space<vmem>>)
      %dma_wait3A_598 = arith.constant 1 : i32
      %dma_wait3A_599 = arith.constant 0 : i32
      %dma_wait3A_600 = arith.constant 0 : i32
      %dma_wait3A_601 = tpu.memref_slice %arg12[%dma_wait3A_599, %dma_wait3A_600] : memref<2x8000xi32, #tpu.memory_space<vmem>> -> memref<1x8000xi32, #tpu.memory_space<vmem>>
      %dma_wait3A_602 = tpu.memref_squeeze %dma_wait3A_601 : memref<1x8000xi32, #tpu.memory_space<vmem>> -> memref<8000xi32, #tpu.memory_space<vmem>>
      %dma_wait3A_603 = arith.constant 0 : i32
      %dma_wait3A_604 = tpu.memref_slice %arg4[%dma_wait3A_598, %dma_wait3A_603] : memref<2x2048000xi32, #tpu.memory_space<hbm>> -> memref<1x2048000xi32, #tpu.memory_space<hbm>>
      %dma_wait3A_605 = tpu.memref_squeeze %dma_wait3A_604 : memref<1x2048000xi32, #tpu.memory_space<hbm>> -> memref<2048000xi32, #tpu.memory_space<hbm>>
      %dma_wait3A_606 = arith.constant 0 : i32
      %dma_wait3A_607 = tpu.memref_slice %dma_wait3A_605[%dma_wait3A_606] : memref<2048000xi32, #tpu.memory_space<hbm>> -> memref<8000xi32, #tpu.memory_space<hbm>>
      %dma_wait3A_608 = arith.constant 0 : i32
      %dma_wait3A_609 = tpu.memref_slice %arg12[%dma_wait3A_599, %dma_wait3A_608] : memref<2x8000xi32, #tpu.memory_space<vmem>> -> memref<1x8000xi32, #tpu.memory_space<vmem>>
      %dma_wait3A_610 = tpu.memref_squeeze %dma_wait3A_609 : memref<1x8000xi32, #tpu.memory_space<vmem>> -> memref<8000xi32, #tpu.memory_space<vmem>>
      %dma_wait3A_611 = arith.constant 0 : i32
      %dma_wait3A_612 = tpu.memref_slice %arg4[%dma_wait3A_598, %dma_wait3A_611] : memref<2x2048000xi32, #tpu.memory_space<hbm>> -> memref<1x2048000xi32, #tpu.memory_space<hbm>>
      %dma_wait3A_613 = tpu.memref_squeeze %dma_wait3A_612 : memref<1x2048000xi32, #tpu.memory_space<hbm>> -> memref<2048000xi32, #tpu.memory_space<hbm>>
      %dma_wait3A_614 = arith.constant 0 : i32
      %dma_wait3A_615 = tpu.memref_slice %dma_wait3A_613[%dma_wait3A_614] : memref<2048000xi32, #tpu.memory_space<hbm>> -> memref<8000xi32, #tpu.memory_space<hbm>>
      tpu.wait_dma2 semaphore(%arg17 : memref<!tpu.dma_semaphore, #tpu.memory_space<semaphore_mem>>) src(%dma_wait3A_615 : memref<8000xi32, #tpu.memory_space<hbm>>) dst(%dma_wait3A_610 : memref<8000xi32, #tpu.memory_space<vmem>>)
      %dma_wait3A_616 = arith.constant 0 : i32
      %dma_wait3A_617 = arith.constant 0 : i32
      %dma_wait3A_618 = tpu.memref_slice %arg13[%dma_wait3A_616, %dma_wait3A_617] : memref<2x8000xf32, #tpu.memory_space<vmem>> -> memref<1x8000xf32, #tpu.memory_space<vmem>>
      %dma_wait3A_619 = tpu.memref_squeeze %dma_wait3A_618 : memref<1x8000xf32, #tpu.memory_space<vmem>> -> memref<8000xf32, #tpu.memory_space<vmem>>
      %dma_wait3A_620 = arith.constant 0 : i32
      %dma_wait3A_621 = tpu.memref_slice %arg5[%dma_wait3A_620] : memref<2048000xf32, #tpu.memory_space<hbm>> -> memref<8000xf32, #tpu.memory_space<hbm>>
      %dma_wait3A_622 = arith.constant 0 : i32
      %dma_wait3A_623 = tpu.memref_slice %arg13[%dma_wait3A_616, %dma_wait3A_622] : memref<2x8000xf32, #tpu.memory_space<vmem>> -> memref<1x8000xf32, #tpu.memory_space<vmem>>
      %dma_wait3A_624 = tpu.memref_squeeze %dma_wait3A_623 : memref<1x8000xf32, #tpu.memory_space<vmem>> -> memref<8000xf32, #tpu.memory_space<vmem>>
      %dma_wait3A_625 = arith.constant 0 : i32
      %dma_wait3A_626 = tpu.memref_slice %arg5[%dma_wait3A_625] : memref<2048000xf32, #tpu.memory_space<hbm>> -> memref<8000xf32, #tpu.memory_space<hbm>>
      tpu.wait_dma2 semaphore(%arg17 : memref<!tpu.dma_semaphore, #tpu.memory_space<semaphore_mem>>) src(%dma_wait3A_626 : memref<8000xf32, #tpu.memory_space<hbm>>) dst(%dma_wait3A_624 : memref<8000xf32, #tpu.memory_space<vmem>>)
      %dma_start3A_627 = arith.constant 0 : i32
      %dma_start3A_628 = arith.constant 0 : i32
      %dma_start3A_629 = arith.constant 0 : i32
      %dma_start3A_630 = tpu.memref_slice %arg14[%dma_start3A_628, %dma_start3A_629] : memref<2x8000xf32, #tpu.memory_space<vmem>> -> memref<1x8000xf32, #tpu.memory_space<vmem>>
      %dma_start3A_631 = tpu.memref_squeeze %dma_start3A_630 : memref<1x8000xf32, #tpu.memory_space<vmem>> -> memref<8000xf32, #tpu.memory_space<vmem>>
      %dma_start3A_632 = arith.constant 0 : i32
      %dma_start3A_633 = tpu.memref_slice %dma_start3A_631[%dma_start3A_632] : memref<8000xf32, #tpu.memory_space<vmem>> -> memref<4000xf32, #tpu.memory_space<vmem>>
      %dma_start3A_634 = arith.constant 0 : i32
      %dma_start3A_635 = tpu.memref_slice %arg11[%dma_start3A_627, %dma_start3A_634] : memref<2x8000xi32, #tpu.memory_space<vmem>> -> memref<1x8000xi32, #tpu.memory_space<vmem>>
      %dma_start3A_636 = tpu.memref_squeeze %dma_start3A_635 : memref<1x8000xi32, #tpu.memory_space<vmem>> -> memref<8000xi32, #tpu.memory_space<vmem>>
      %dma_start3A_637 = arith.constant 0 : i32
      %dma_start3A_638 = tpu.memref_slice %dma_start3A_636[%dma_start3A_637] : memref<8000xi32, #tpu.memory_space<vmem>> -> memref<4000xi32, #tpu.memory_space<vmem>>
      %dma_start3A_639 = arith.constant 0 : i32
      %dma_start3A_640 = tpu.memref_slice %arg8[%dma_start3A_639] : memref<64000xf32, #tpu.memory_space<vmem_shared>> -> memref<64000xf32, #tpu.memory_space<vmem_shared>>
      tpu.enqueue_indirect_dma source(%dma_start3A_640 : memref<64000xf32, #tpu.memory_space<vmem_shared>>) target(%dma_start3A_633 : memref<4000xf32, #tpu.memory_space<vmem>>) offsets(%dma_start3A_638 : memref<4000xi32, #tpu.memory_space<vmem>>) semaphore(%arg19 : memref<!tpu.dma_semaphore, #tpu.memory_space<semaphore_mem>>)
      %dma_start3A_641 = arith.constant 0 : i32
      %dma_start3A_642 = arith.constant 0 : i32
      %dma_start3A_643 = arith.constant 0 : i32
      %dma_start3A_644 = tpu.memref_slice %arg14[%dma_start3A_642, %dma_start3A_643] : memref<2x8000xf32, #tpu.memory_space<vmem>> -> memref<1x8000xf32, #tpu.memory_space<vmem>>
      %dma_start3A_645 = tpu.memref_squeeze %dma_start3A_644 : memref<1x8000xf32, #tpu.memory_space<vmem>> -> memref<8000xf32, #tpu.memory_space<vmem>>
      %dma_start3A_646 = arith.constant 4000 : i32
      %dma_start3A_647 = tpu.memref_slice %dma_start3A_645[%dma_start3A_646] : memref<8000xf32, #tpu.memory_space<vmem>> -> memref<4000xf32, #tpu.memory_space<vmem>>
      %dma_start3A_648 = arith.constant 0 : i32
      %dma_start3A_649 = tpu.memref_slice %arg11[%dma_start3A_641, %dma_start3A_648] : memref<2x8000xi32, #tpu.memory_space<vmem>> -> memref<1x8000xi32, #tpu.memory_space<vmem>>
      %dma_start3A_650 = tpu.memref_squeeze %dma_start3A_649 : memref<1x8000xi32, #tpu.memory_space<vmem>> -> memref<8000xi32, #tpu.memory_space<vmem>>
      %dma_start3A_651 = arith.constant 4000 : i32
      %dma_start3A_652 = tpu.memref_slice %dma_start3A_650[%dma_start3A_651] : memref<8000xi32, #tpu.memory_space<vmem>> -> memref<4000xi32, #tpu.memory_space<vmem>>
      %dma_start3A_653 = arith.constant 0 : i32
      %dma_start3A_654 = tpu.memref_slice %arg8[%dma_start3A_653] : memref<64000xf32, #tpu.memory_space<vmem_shared>> -> memref<64000xf32, #tpu.memory_space<vmem_shared>>
      tpu.enqueue_indirect_dma source(%dma_start3A_654 : memref<64000xf32, #tpu.memory_space<vmem_shared>>) target(%dma_start3A_647 : memref<4000xf32, #tpu.memory_space<vmem>>) offsets(%dma_start3A_652 : memref<4000xi32, #tpu.memory_space<vmem>>) semaphore(%arg23 : memref<!tpu.dma_semaphore, #tpu.memory_space<semaphore_mem>>)
      %mul3A_655 = arith.constant 64000 : i32
      %mul3A_656 = arith.muli %add3A, %mul3A_655 : i32
      %mul3A_657 = arith.constant 8000 : i32
      %mul3A_658 = arith.muli %add3A_579, %mul3A_657 : i32
      %add3A_659 = arith.addi %mul3A_656, %mul3A_658 : i32
      %dma_start3A_660 = arith.constant 0 : i32
      %dma_start3A_661 = arith.constant 1 : i32
      %dma_start3A_662 = arith.constant 0 : i32
      %dma_start3A_663 = tpu.memref_slice %arg11[%dma_start3A_661, %dma_start3A_662] : memref<2x8000xi32, #tpu.memory_space<vmem>> -> memref<1x8000xi32, #tpu.memory_space<vmem>>
      %dma_start3A_664 = tpu.memref_squeeze %dma_start3A_663 : memref<1x8000xi32, #tpu.memory_space<vmem>> -> memref<8000xi32, #tpu.memory_space<vmem>>
      %dma_start3A_665 = arith.constant 0 : i32
      %dma_start3A_666 = tpu.memref_slice %arg4[%dma_start3A_660, %dma_start3A_665] : memref<2x2048000xi32, #tpu.memory_space<hbm>> -> memref<1x2048000xi32, #tpu.memory_space<hbm>>
      %dma_start3A_667 = tpu.memref_squeeze %dma_start3A_666 : memref<1x2048000xi32, #tpu.memory_space<hbm>> -> memref<2048000xi32, #tpu.memory_space<hbm>>
      %dma_start3A_668 = tpu.memref_slice %dma_start3A_667[%add3A_659] : memref<2048000xi32, #tpu.memory_space<hbm>> -> memref<8000xi32, #tpu.memory_space<hbm>>
      %dma_start3A_669 = arith.constant 0 : i32
      %dma_start3A_670 = tpu.memref_slice %arg11[%dma_start3A_661, %dma_start3A_669] : memref<2x8000xi32, #tpu.memory_space<vmem>> -> memref<1x8000xi32, #tpu.memory_space<vmem>>
      %dma_start3A_671 = tpu.memref_squeeze %dma_start3A_670 : memref<1x8000xi32, #tpu.memory_space<vmem>> -> memref<8000xi32, #tpu.memory_space<vmem>>
      %dma_start3A_672 = arith.constant 0 : i32
      %dma_start3A_673 = tpu.memref_slice %arg4[%dma_start3A_660, %dma_start3A_672] : memref<2x2048000xi32, #tpu.memory_space<hbm>> -> memref<1x2048000xi32, #tpu.memory_space<hbm>>
      %dma_start3A_674 = tpu.memref_squeeze %dma_start3A_673 : memref<1x2048000xi32, #tpu.memory_space<hbm>> -> memref<2048000xi32, #tpu.memory_space<hbm>>
      %dma_start3A_675 = tpu.memref_slice %dma_start3A_674[%add3A_659] : memref<2048000xi32, #tpu.memory_space<hbm>> -> memref<8000xi32, #tpu.memory_space<hbm>>
      tpu.enqueue_dma source(%dma_start3A_675 : memref<8000xi32, #tpu.memory_space<hbm>>) target(%dma_start3A_671 : memref<8000xi32, #tpu.memory_space<vmem>>) target_semaphore(%arg18 : memref<!tpu.dma_semaphore, #tpu.memory_space<semaphore_mem>>)
      %dma_start3A_676 = arith.constant 1 : i32
      %dma_start3A_677 = arith.constant 1 : i32
      %dma_start3A_678 = arith.constant 0 : i32
      %dma_start3A_679 = tpu.memref_slice %arg12[%dma_start3A_677, %dma_start3A_678] : memref<2x8000xi32, #tpu.memory_space<vmem>> -> memref<1x8000xi32, #tpu.memory_space<vmem>>
      %dma_start3A_680 = tpu.memref_squeeze %dma_start3A_679 : memref<1x8000xi32, #tpu.memory_space<vmem>> -> memref<8000xi32, #tpu.memory_space<vmem>>
      %dma_start3A_681 = arith.constant 0 : i32
      %dma_start3A_682 = tpu.memref_slice %arg4[%dma_start3A_676, %dma_start3A_681] : memref<2x2048000xi32, #tpu.memory_space<hbm>> -> memref<1x2048000xi32, #tpu.memory_space<hbm>>
      %dma_start3A_683 = tpu.memref_squeeze %dma_start3A_682 : memref<1x2048000xi32, #tpu.memory_space<hbm>> -> memref<2048000xi32, #tpu.memory_space<hbm>>
      %dma_start3A_684 = tpu.memref_slice %dma_start3A_683[%add3A_659] : memref<2048000xi32, #tpu.memory_space<hbm>> -> memref<8000xi32, #tpu.memory_space<hbm>>
      %dma_start3A_685 = arith.constant 0 : i32
      %dma_start3A_686 = tpu.memref_slice %arg12[%dma_start3A_677, %dma_start3A_685] : memref<2x8000xi32, #tpu.memory_space<vmem>> -> memref<1x8000xi32, #tpu.memory_space<vmem>>
      %dma_start3A_687 = tpu.memref_squeeze %dma_start3A_686 : memref<1x8000xi32, #tpu.memory_space<vmem>> -> memref<8000xi32, #tpu.memory_space<vmem>>
      %dma_start3A_688 = arith.constant 0 : i32
      %dma_start3A_689 = tpu.memref_slice %arg4[%dma_start3A_676, %dma_start3A_688] : memref<2x2048000xi32, #tpu.memory_space<hbm>> -> memref<1x2048000xi32, #tpu.memory_space<hbm>>
      %dma_start3A_690 = tpu.memref_squeeze %dma_start3A_689 : memref<1x2048000xi32, #tpu.memory_space<hbm>> -> memref<2048000xi32, #tpu.memory_space<hbm>>
      %dma_start3A_691 = tpu.memref_slice %dma_start3A_690[%add3A_659] : memref<2048000xi32, #tpu.memory_space<hbm>> -> memref<8000xi32, #tpu.memory_space<hbm>>
      tpu.enqueue_dma source(%dma_start3A_691 : memref<8000xi32, #tpu.memory_space<hbm>>) target(%dma_start3A_687 : memref<8000xi32, #tpu.memory_space<vmem>>) target_semaphore(%arg18 : memref<!tpu.dma_semaphore, #tpu.memory_space<semaphore_mem>>)
      %dma_start3A_692 = arith.constant 1 : i32
      %dma_start3A_693 = arith.constant 0 : i32
      %dma_start3A_694 = tpu.memref_slice %arg13[%dma_start3A_692, %dma_start3A_693] : memref<2x8000xf32, #tpu.memory_space<vmem>> -> memref<1x8000xf32, #tpu.memory_space<vmem>>
      %dma_start3A_695 = tpu.memref_squeeze %dma_start3A_694 : memref<1x8000xf32, #tpu.memory_space<vmem>> -> memref<8000xf32, #tpu.memory_space<vmem>>
      %dma_start3A_696 = tpu.memref_slice %arg5[%add3A_659] : memref<2048000xf32, #tpu.memory_space<hbm>> -> memref<8000xf32, #tpu.memory_space<hbm>>
      %dma_start3A_697 = arith.constant 0 : i32
      %dma_start3A_698 = tpu.memref_slice %arg13[%dma_start3A_692, %dma_start3A_697] : memref<2x8000xf32, #tpu.memory_space<vmem>> -> memref<1x8000xf32, #tpu.memory_space<vmem>>
      %dma_start3A_699 = tpu.memref_squeeze %dma_start3A_698 : memref<1x8000xf32, #tpu.memory_space<vmem>> -> memref<8000xf32, #tpu.memory_space<vmem>>
      %dma_start3A_700 = tpu.memref_slice %arg5[%add3A_659] : memref<2048000xf32, #tpu.memory_space<hbm>> -> memref<8000xf32, #tpu.memory_space<hbm>>
      tpu.enqueue_dma source(%dma_start3A_700 : memref<8000xf32, #tpu.memory_space<hbm>>) target(%dma_start3A_699 : memref<8000xf32, #tpu.memory_space<vmem>>) target_semaphore(%arg18 : memref<!tpu.dma_semaphore, #tpu.memory_space<semaphore_mem>>)
      %dma_wait3A_701 = arith.constant 0 : i32
      %dma_wait3A_702 = arith.constant 0 : i32
      %dma_wait3A_703 = arith.constant 0 : i32
      %dma_wait3A_704 = tpu.memref_slice %arg14[%dma_wait3A_702, %dma_wait3A_703] : memref<2x8000xf32, #tpu.memory_space<vmem>> -> memref<1x8000xf32, #tpu.memory_space<vmem>>
      %dma_wait3A_705 = tpu.memref_squeeze %dma_wait3A_704 : memref<1x8000xf32, #tpu.memory_space<vmem>> -> memref<8000xf32, #tpu.memory_space<vmem>>
      %dma_wait3A_706 = arith.constant 0 : i32
      %dma_wait3A_707 = tpu.memref_slice %dma_wait3A_705[%dma_wait3A_706] : memref<8000xf32, #tpu.memory_space<vmem>> -> memref<4000xf32, #tpu.memory_space<vmem>>
      %dma_wait3A_708 = arith.constant 0 : i32
      %dma_wait3A_709 = tpu.memref_slice %arg11[%dma_wait3A_701, %dma_wait3A_708] : memref<2x8000xi32, #tpu.memory_space<vmem>> -> memref<1x8000xi32, #tpu.memory_space<vmem>>
      %dma_wait3A_710 = tpu.memref_squeeze %dma_wait3A_709 : memref<1x8000xi32, #tpu.memory_space<vmem>> -> memref<8000xi32, #tpu.memory_space<vmem>>
      %dma_wait3A_711 = arith.constant 0 : i32
      %dma_wait3A_712 = tpu.memref_slice %dma_wait3A_710[%dma_wait3A_711] : memref<8000xi32, #tpu.memory_space<vmem>> -> memref<4000xi32, #tpu.memory_space<vmem>>
      %dma_wait3A_713 = arith.constant 0 : i32
      %dma_wait3A_714 = tpu.memref_slice %arg8[%dma_wait3A_713] : memref<64000xf32, #tpu.memory_space<vmem_shared>> -> memref<64000xf32, #tpu.memory_space<vmem_shared>>
      tpu.wait_indirect_dma semaphore(%arg19 : memref<!tpu.dma_semaphore, #tpu.memory_space<semaphore_mem>>) src(%dma_wait3A_714 : memref<64000xf32, #tpu.memory_space<vmem_shared>>) dst(%dma_wait3A_707 : memref<4000xf32, #tpu.memory_space<vmem>>)
      %scan3A_715 = arith.constant 0 : i32
      %scan3A_716 = arith.constant 0 : i32
      %scan3A_717 = arith.constant 250 : i32
      %scan3A_718 = arith.addi %scan3A_716, %scan3A_717 : i32
      %scan3A_719 = arith.constant 1 : i32
      scf.for %scan3A_1130 = %scan3A_716 to %scan3A_718 step %scan3A_719  : i32 {
        %mul3A_1131 = arith.constant 16 : i32
        %mul3A_1132 = arith.muli %scan3A_1130, %mul3A_1131 : i32
        %add3A_1133 = arith.constant 0 : i32
        %add3A_1134 = arith.addi %add3A_1133, %mul3A_1132 : i32
        %get3A = arith.constant 0 : i32
        %get3A_1135 = arith.constant 0 : i32
        %get3A_1136 = tpu.memref_slice %arg14[%get3A, %get3A_1135] : memref<2x8000xf32, #tpu.memory_space<vmem>> -> memref<1x8000xf32, #tpu.memory_space<vmem>>
        %get3A_1137 = tpu.memref_squeeze %get3A_1136 : memref<1x8000xf32, #tpu.memory_space<vmem>> -> memref<8000xf32, #tpu.memory_space<vmem>>
        %get3A_1138 = arith.index_cast %add3A_1134 : i32 to index
        %get3A_1139 = tpu.vector_load %get3A_1137[%get3A_1138] {strides = array<i32>} : memref<8000xf32, #tpu.memory_space<vmem>>, vector<16xf32>,
        %bitcast3A = vector.bitcast %get3A_1139 : vector<16xf32> to vector<32xbf16>
        %unpack3A = tpu.unpack_subelements %bitcast3A, 0 {pack_format = #tpu.pack_format<interleaved>} : vector<32xbf16> -> vector<16xf32>
        %unpack3A_1140 = tpu.unpack_subelements %bitcast3A, 1 {pack_format = #tpu.pack_format<interleaved>} : vector<32xbf16> -> vector<16xf32>
        %get3A_1141 = arith.constant 0 : i32
        %get3A_1142 = arith.constant 0 : i32
        %get3A_1143 = tpu.memref_slice %arg13[%get3A_1141, %get3A_1142] : memref<2x8000xf32, #tpu.memory_space<vmem>> -> memref<1x8000xf32, #tpu.memory_space<vmem>>
        %get3A_1144 = tpu.memref_squeeze %get3A_1143 : memref<1x8000xf32, #tpu.memory_space<vmem>> -> memref<8000xf32, #tpu.memory_space<vmem>>
        %get3A_1145 = arith.index_cast %add3A_1134 : i32 to index
        %get3A_1146 = tpu.vector_load %get3A_1144[%get3A_1145] {strides = array<i32>} : memref<8000xf32, #tpu.memory_space<vmem>>, vector<16xf32>,
        %mul3A_1147 = arith.mulf %unpack3A, %get3A_1146 : vector<16xf32>
        %swap3A = arith.constant 0 : i32
        %swap3A_1148 = arith.constant 0 : i32
        %swap3A_1149 = tpu.memref_slice %arg15[%swap3A, %swap3A_1148] : memref<2x8000xf32, #tpu.memory_space<vmem>> -> memref<1x8000xf32, #tpu.memory_space<vmem>>
        %swap3A_1150 = tpu.memref_squeeze %swap3A_1149 : memref<1x8000xf32, #tpu.memory_space<vmem>> -> memref<8000xf32, #tpu.memory_space<vmem>>
        %swap3A_1151 = arith.index_cast %add3A_1134 : i32 to index
        %swap3A_1152 = tpu.vector_load %swap3A_1150[%swap3A_1151] {strides = array<i32>} : memref<8000xf32, #tpu.memory_space<vmem>>, vector<16xf32>,
        tpu.vector_store %swap3A_1150[%swap3A_1151], %mul3A_1147 {strides = array<i32>} : memref<8000xf32, #tpu.memory_space<vmem>>, vector<16xf32>,
        %mul3A_1153 = arith.mulf %unpack3A_1140, %get3A_1146 : vector<16xf32>
        %swap3A_1154 = arith.constant 0 : i32
        %swap3A_1155 = arith.constant 0 : i32
        %swap3A_1156 = tpu.memref_slice %arg16[%swap3A_1154, %swap3A_1155] : memref<2x8000xf32, #tpu.memory_space<vmem>> -> memref<1x8000xf32, #tpu.memory_space<vmem>>
        %swap3A_1157 = tpu.memref_squeeze %swap3A_1156 : memref<1x8000xf32, #tpu.memory_space<vmem>> -> memref<8000xf32, #tpu.memory_space<vmem>>
        %swap3A_1158 = arith.index_cast %add3A_1134 : i32 to index
        %swap3A_1159 = tpu.vector_load %swap3A_1157[%swap3A_1158] {strides = array<i32>} : memref<8000xf32, #tpu.memory_space<vmem>>, vector<16xf32>,
        tpu.vector_store %swap3A_1157[%swap3A_1158], %mul3A_1153 {strides = array<i32>} : memref<8000xf32, #tpu.memory_space<vmem>>, vector<16xf32>,
      }
      %scan3A_720 = arith.constant 250 : i32
      %dma_start3A_721 = arith.constant 0 : i32
      %dma_start3A_722 = arith.constant 0 : i32
      %dma_start3A_723 = arith.constant 0 : i32
      %dma_start3A_724 = tpu.memref_slice %arg15[%dma_start3A_721, %dma_start3A_723] : memref<2x8000xf32, #tpu.memory_space<vmem>> -> memref<1x8000xf32, #tpu.memory_space<vmem>>
      %dma_start3A_725 = tpu.memref_squeeze %dma_start3A_724 : memref<1x8000xf32, #tpu.memory_space<vmem>> -> memref<8000xf32, #tpu.memory_space<vmem>>
      %dma_start3A_726 = arith.constant 0 : i32
      %dma_start3A_727 = tpu.memref_slice %dma_start3A_725[%dma_start3A_726] : memref<8000xf32, #tpu.memory_space<vmem>> -> memref<4000xf32, #tpu.memory_space<vmem>>
      %dma_start3A_728 = arith.constant 0 : i32
      %dma_start3A_729 = tpu.memref_slice %arg12[%dma_start3A_722, %dma_start3A_728] : memref<2x8000xi32, #tpu.memory_space<vmem>> -> memref<1x8000xi32, #tpu.memory_space<vmem>>
      %dma_start3A_730 = tpu.memref_squeeze %dma_start3A_729 : memref<1x8000xi32, #tpu.memory_space<vmem>> -> memref<8000xi32, #tpu.memory_space<vmem>>
      %dma_start3A_731 = arith.constant 0 : i32
      %dma_start3A_732 = tpu.memref_slice %dma_start3A_730[%dma_start3A_731] : memref<8000xi32, #tpu.memory_space<vmem>> -> memref<4000xi32, #tpu.memory_space<vmem>>
      %dma_start3A_733 = arith.constant 0 : i32
      %dma_start3A_734 = tpu.memref_slice %arg9[%dma_start3A_733] : memref<64000xf32, #tpu.memory_space<vmem_shared>> -> memref<64000xf32, #tpu.memory_space<vmem_shared>>
      tpu.enqueue_indirect_dma source(%dma_start3A_727 : memref<4000xf32, #tpu.memory_space<vmem>>) target(%dma_start3A_734 : memref<64000xf32, #tpu.memory_space<vmem_shared>>) offsets(%dma_start3A_732 : memref<4000xi32, #tpu.memory_space<vmem>>) semaphore(%arg21 : memref<!tpu.dma_semaphore, #tpu.memory_space<semaphore_mem>>) {add = true}
      %dma_start3A_735 = arith.constant 0 : i32
      %dma_start3A_736 = arith.constant 0 : i32
      %dma_start3A_737 = arith.constant 0 : i32
      %dma_start3A_738 = tpu.memref_slice %arg16[%dma_start3A_735, %dma_start3A_737] : memref<2x8000xf32, #tpu.memory_space<vmem>> -> memref<1x8000xf32, #tpu.memory_space<vmem>>
      %dma_start3A_739 = tpu.memref_squeeze %dma_start3A_738 : memref<1x8000xf32, #tpu.memory_space<vmem>> -> memref<8000xf32, #tpu.memory_space<vmem>>
      %dma_start3A_740 = arith.constant 0 : i32
      %dma_start3A_741 = tpu.memref_slice %dma_start3A_739[%dma_start3A_740] : memref<8000xf32, #tpu.memory_space<vmem>> -> memref<4000xf32, #tpu.memory_space<vmem>>
      %dma_start3A_742 = arith.constant 0 : i32
      %dma_start3A_743 = tpu.memref_slice %arg12[%dma_start3A_736, %dma_start3A_742] : memref<2x8000xi32, #tpu.memory_space<vmem>> -> memref<1x8000xi32, #tpu.memory_space<vmem>>
      %dma_start3A_744 = tpu.memref_squeeze %dma_start3A_743 : memref<1x8000xi32, #tpu.memory_space<vmem>> -> memref<8000xi32, #tpu.memory_space<vmem>>
      %dma_start3A_745 = arith.constant 0 : i32
      %dma_start3A_746 = tpu.memref_slice %dma_start3A_744[%dma_start3A_745] : memref<8000xi32, #tpu.memory_space<vmem>> -> memref<4000xi32, #tpu.memory_space<vmem>>
      %dma_start3A_747 = arith.constant 0 : i32
      %dma_start3A_748 = tpu.memref_slice %arg10[%dma_start3A_747] : memref<64000xf32, #tpu.memory_space<vmem_shared>> -> memref<64000xf32, #tpu.memory_space<vmem_shared>>
      tpu.enqueue_indirect_dma source(%dma_start3A_741 : memref<4000xf32, #tpu.memory_space<vmem>>) target(%dma_start3A_748 : memref<64000xf32, #tpu.memory_space<vmem_shared>>) offsets(%dma_start3A_746 : memref<4000xi32, #tpu.memory_space<vmem>>) semaphore(%arg21 : memref<!tpu.dma_semaphore, #tpu.memory_space<semaphore_mem>>) {add = true}
      %dma_wait3A_749 = arith.constant 0 : i32
      %dma_wait3A_750 = arith.constant 0 : i32
      %dma_wait3A_751 = arith.constant 0 : i32
      %dma_wait3A_752 = tpu.memref_slice %arg14[%dma_wait3A_750, %dma_wait3A_751] : memref<2x8000xf32, #tpu.memory_space<vmem>> -> memref<1x8000xf32, #tpu.memory_space<vmem>>
      %dma_wait3A_753 = tpu.memref_squeeze %dma_wait3A_752 : memref<1x8000xf32, #tpu.memory_space<vmem>> -> memref<8000xf32, #tpu.memory_space<vmem>>
      %dma_wait3A_754 = arith.constant 4000 : i32
      %dma_wait3A_755 = tpu.memref_slice %dma_wait3A_753[%dma_wait3A_754] : memref<8000xf32, #tpu.memory_space<vmem>> -> memref<4000xf32, #tpu.memory_space<vmem>>
      %dma_wait3A_756 = arith.constant 0 : i32
      %dma_wait3A_757 = tpu.memref_slice %arg11[%dma_wait3A_749, %dma_wait3A_756] : memref<2x8000xi32, #tpu.memory_space<vmem>> -> memref<1x8000xi32, #tpu.memory_space<vmem>>
      %dma_wait3A_758 = tpu.memref_squeeze %dma_wait3A_757 : memref<1x8000xi32, #tpu.memory_space<vmem>> -> memref<8000xi32, #tpu.memory_space<vmem>>
      %dma_wait3A_759 = arith.constant 4000 : i32
      %dma_wait3A_760 = tpu.memref_slice %dma_wait3A_758[%dma_wait3A_759] : memref<8000xi32, #tpu.memory_space<vmem>> -> memref<4000xi32, #tpu.memory_space<vmem>>
      %dma_wait3A_761 = arith.constant 0 : i32
      %dma_wait3A_762 = tpu.memref_slice %arg8[%dma_wait3A_761] : memref<64000xf32, #tpu.memory_space<vmem_shared>> -> memref<64000xf32, #tpu.memory_space<vmem_shared>>
      tpu.wait_indirect_dma semaphore(%arg23 : memref<!tpu.dma_semaphore, #tpu.memory_space<semaphore_mem>>) src(%dma_wait3A_762 : memref<64000xf32, #tpu.memory_space<vmem_shared>>) dst(%dma_wait3A_755 : memref<4000xf32, #tpu.memory_space<vmem>>)
      %scan3A_763 = arith.constant 0 : i32
      %scan3A_764 = arith.constant 0 : i32
      %scan3A_765 = arith.constant 250 : i32
      %scan3A_766 = arith.addi %scan3A_764, %scan3A_765 : i32
      %scan3A_767 = arith.constant 1 : i32
      scf.for %scan3A_1130 = %scan3A_764 to %scan3A_766 step %scan3A_767  : i32 {
        %mul3A_1131 = arith.constant 16 : i32
        %mul3A_1132 = arith.muli %scan3A_1130, %mul3A_1131 : i32
        %add3A_1133 = arith.constant 4000 : i32
        %add3A_1134 = arith.addi %add3A_1133, %mul3A_1132 : i32
        %get3A = arith.constant 0 : i32
        %get3A_1135 = arith.constant 0 : i32
        %get3A_1136 = tpu.memref_slice %arg14[%get3A, %get3A_1135] : memref<2x8000xf32, #tpu.memory_space<vmem>> -> memref<1x8000xf32, #tpu.memory_space<vmem>>
        %get3A_1137 = tpu.memref_squeeze %get3A_1136 : memref<1x8000xf32, #tpu.memory_space<vmem>> -> memref<8000xf32, #tpu.memory_space<vmem>>
        %get3A_1138 = arith.index_cast %add3A_1134 : i32 to index
        %get3A_1139 = tpu.vector_load %get3A_1137[%get3A_1138] {strides = array<i32>} : memref<8000xf32, #tpu.memory_space<vmem>>, vector<16xf32>,
        %bitcast3A = vector.bitcast %get3A_1139 : vector<16xf32> to vector<32xbf16>
        %unpack3A = tpu.unpack_subelements %bitcast3A, 0 {pack_format = #tpu.pack_format<interleaved>} : vector<32xbf16> -> vector<16xf32>
        %unpack3A_1140 = tpu.unpack_subelements %bitcast3A, 1 {pack_format = #tpu.pack_format<interleaved>} : vector<32xbf16> -> vector<16xf32>
        %get3A_1141 = arith.constant 0 : i32
        %get3A_1142 = arith.constant 0 : i32
        %get3A_1143 = tpu.memref_slice %arg13[%get3A_1141, %get3A_1142] : memref<2x8000xf32, #tpu.memory_space<vmem>> -> memref<1x8000xf32, #tpu.memory_space<vmem>>
        %get3A_1144 = tpu.memref_squeeze %get3A_1143 : memref<1x8000xf32, #tpu.memory_space<vmem>> -> memref<8000xf32, #tpu.memory_space<vmem>>
        %get3A_1145 = arith.index_cast %add3A_1134 : i32 to index
        %get3A_1146 = tpu.vector_load %get3A_1144[%get3A_1145] {strides = array<i32>} : memref<8000xf32, #tpu.memory_space<vmem>>, vector<16xf32>,
        %mul3A_1147 = arith.mulf %unpack3A, %get3A_1146 : vector<16xf32>
        %swap3A = arith.constant 0 : i32
        %swap3A_1148 = arith.constant 0 : i32
        %swap3A_1149 = tpu.memref_slice %arg15[%swap3A, %swap3A_1148] : memref<2x8000xf32, #tpu.memory_space<vmem>> -> memref<1x8000xf32, #tpu.memory_space<vmem>>
        %swap3A_1150 = tpu.memref_squeeze %swap3A_1149 : memref<1x8000xf32, #tpu.memory_space<vmem>> -> memref<8000xf32, #tpu.memory_space<vmem>>
        %swap3A_1151 = arith.index_cast %add3A_1134 : i32 to index
        %swap3A_1152 = tpu.vector_load %swap3A_1150[%swap3A_1151] {strides = array<i32>} : memref<8000xf32, #tpu.memory_space<vmem>>, vector<16xf32>,
        tpu.vector_store %swap3A_1150[%swap3A_1151], %mul3A_1147 {strides = array<i32>} : memref<8000xf32, #tpu.memory_space<vmem>>, vector<16xf32>,
        %mul3A_1153 = arith.mulf %unpack3A_1140, %get3A_1146 : vector<16xf32>
        %swap3A_1154 = arith.constant 0 : i32
        %swap3A_1155 = arith.constant 0 : i32
        %swap3A_1156 = tpu.memref_slice %arg16[%swap3A_1154, %swap3A_1155] : memref<2x8000xf32, #tpu.memory_space<vmem>> -> memref<1x8000xf32, #tpu.memory_space<vmem>>
        %swap3A_1157 = tpu.memref_squeeze %swap3A_1156 : memref<1x8000xf32, #tpu.memory_space<vmem>> -> memref<8000xf32, #tpu.memory_space<vmem>>
        %swap3A_1158 = arith.index_cast %add3A_1134 : i32 to index
        %swap3A_1159 = tpu.vector_load %swap3A_1157[%swap3A_1158] {strides = array<i32>} : memref<8000xf32, #tpu.memory_space<vmem>>, vector<16xf32>,
        tpu.vector_store %swap3A_1157[%swap3A_1158], %mul3A_1153 {strides = array<i32>} : memref<8000xf32, #tpu.memory_space<vmem>>, vector<16xf32>,
      }
      %scan3A_768 = arith.constant 250 : i32
      %dma_start3A_769 = arith.constant 0 : i32
      %dma_start3A_770 = arith.constant 0 : i32
      %dma_start3A_771 = arith.constant 0 : i32
      %dma_start3A_772 = tpu.memref_slice %arg15[%dma_start3A_769, %dma_start3A_771] : memref<2x8000xf32, #tpu.memory_space<vmem>> -> memref<1x8000xf32, #tpu.memory_space<vmem>>
      %dma_start3A_773 = tpu.memref_squeeze %dma_start3A_772 : memref<1x8000xf32, #tpu.memory_space<vmem>> -> memref<8000xf32, #tpu.memory_space<vmem>>
      %dma_start3A_774 = arith.constant 4000 : i32
      %dma_start3A_775 = tpu.memref_slice %dma_start3A_773[%dma_start3A_774] : memref<8000xf32, #tpu.memory_space<vmem>> -> memref<4000xf32, #tpu.memory_space<vmem>>
      %dma_start3A_776 = arith.constant 0 : i32
      %dma_start3A_777 = tpu.memref_slice %arg12[%dma_start3A_770, %dma_start3A_776] : memref<2x8000xi32, #tpu.memory_space<vmem>> -> memref<1x8000xi32, #tpu.memory_space<vmem>>
      %dma_start3A_778 = tpu.memref_squeeze %dma_start3A_777 : memref<1x8000xi32, #tpu.memory_space<vmem>> -> memref<8000xi32, #tpu.memory_space<vmem>>
      %dma_start3A_779 = arith.constant 4000 : i32
      %dma_start3A_780 = tpu.memref_slice %dma_start3A_778[%dma_start3A_779] : memref<8000xi32, #tpu.memory_space<vmem>> -> memref<4000xi32, #tpu.memory_space<vmem>>
      %dma_start3A_781 = arith.constant 0 : i32
      %dma_start3A_782 = tpu.memref_slice %arg9[%dma_start3A_781] : memref<64000xf32, #tpu.memory_space<vmem_shared>> -> memref<64000xf32, #tpu.memory_space<vmem_shared>>
      tpu.enqueue_indirect_dma source(%dma_start3A_775 : memref<4000xf32, #tpu.memory_space<vmem>>) target(%dma_start3A_782 : memref<64000xf32, #tpu.memory_space<vmem_shared>>) offsets(%dma_start3A_780 : memref<4000xi32, #tpu.memory_space<vmem>>) semaphore(%arg25 : memref<!tpu.dma_semaphore, #tpu.memory_space<semaphore_mem>>) {add = true}
      %dma_start3A_783 = arith.constant 0 : i32
      %dma_start3A_784 = arith.constant 0 : i32
      %dma_start3A_785 = arith.constant 0 : i32
      %dma_start3A_786 = tpu.memref_slice %arg16[%dma_start3A_783, %dma_start3A_785] : memref<2x8000xf32, #tpu.memory_space<vmem>> -> memref<1x8000xf32, #tpu.memory_space<vmem>>
      %dma_start3A_787 = tpu.memref_squeeze %dma_start3A_786 : memref<1x8000xf32, #tpu.memory_space<vmem>> -> memref<8000xf32, #tpu.memory_space<vmem>>
      %dma_start3A_788 = arith.constant 4000 : i32
      %dma_start3A_789 = tpu.memref_slice %dma_start3A_787[%dma_start3A_788] : memref<8000xf32, #tpu.memory_space<vmem>> -> memref<4000xf32, #tpu.memory_space<vmem>>
      %dma_start3A_790 = arith.constant 0 : i32
      %dma_start3A_791 = tpu.memref_slice %arg12[%dma_start3A_784, %dma_start3A_790] : memref<2x8000xi32, #tpu.memory_space<vmem>> -> memref<1x8000xi32, #tpu.memory_space<vmem>>
      %dma_start3A_792 = tpu.memref_squeeze %dma_start3A_791 : memref<1x8000xi32, #tpu.memory_space<vmem>> -> memref<8000xi32, #tpu.memory_space<vmem>>
      %dma_start3A_793 = arith.constant 4000 : i32
      %dma_start3A_794 = tpu.memref_slice %dma_start3A_792[%dma_start3A_793] : memref<8000xi32, #tpu.memory_space<vmem>> -> memref<4000xi32, #tpu.memory_space<vmem>>
      %dma_start3A_795 = arith.constant 0 : i32
      %dma_start3A_796 = tpu.memref_slice %arg10[%dma_start3A_795] : memref<64000xf32, #tpu.memory_space<vmem_shared>> -> memref<64000xf32, #tpu.memory_space<vmem_shared>>
      tpu.enqueue_indirect_dma source(%dma_start3A_789 : memref<4000xf32, #tpu.memory_space<vmem>>) target(%dma_start3A_796 : memref<64000xf32, #tpu.memory_space<vmem_shared>>) offsets(%dma_start3A_794 : memref<4000xi32, #tpu.memory_space<vmem>>) semaphore(%arg25 : memref<!tpu.dma_semaphore, #tpu.memory_space<semaphore_mem>>) {add = true}
      %dma_wait3A_797 = arith.constant 0 : i32
      %dma_wait3A_798 = arith.constant 0 : i32
      %dma_wait3A_799 = arith.constant 0 : i32
      %dma_wait3A_800 = tpu.memref_slice %arg15[%dma_wait3A_797, %dma_wait3A_799] : memref<2x8000xf32, #tpu.memory_space<vmem>> -> memref<1x8000xf32, #tpu.memory_space<vmem>>
      %dma_wait3A_801 = tpu.memref_squeeze %dma_wait3A_800 : memref<1x8000xf32, #tpu.memory_space<vmem>> -> memref<8000xf32, #tpu.memory_space<vmem>>
      %dma_wait3A_802 = arith.constant 0 : i32
      %dma_wait3A_803 = tpu.memref_slice %dma_wait3A_801[%dma_wait3A_802] : memref<8000xf32, #tpu.memory_space<vmem>> -> memref<4000xf32, #tpu.memory_space<vmem>>
      %dma_wait3A_804 = arith.constant 0 : i32
      %dma_wait3A_805 = tpu.memref_slice %arg12[%dma_wait3A_798, %dma_wait3A_804] : memref<2x8000xi32, #tpu.memory_space<vmem>> -> memref<1x8000xi32, #tpu.memory_space<vmem>>
      %dma_wait3A_806 = tpu.memref_squeeze %dma_wait3A_805 : memref<1x8000xi32, #tpu.memory_space<vmem>> -> memref<8000xi32, #tpu.memory_space<vmem>>
      %dma_wait3A_807 = arith.constant 0 : i32
      %dma_wait3A_808 = tpu.memref_slice %dma_wait3A_806[%dma_wait3A_807] : memref<8000xi32, #tpu.memory_space<vmem>> -> memref<4000xi32, #tpu.memory_space<vmem>>
      %dma_wait3A_809 = arith.constant 0 : i32
      %dma_wait3A_810 = tpu.memref_slice %arg9[%dma_wait3A_809] : memref<64000xf32, #tpu.memory_space<vmem_shared>> -> memref<64000xf32, #tpu.memory_space<vmem_shared>>
      tpu.wait_indirect_dma semaphore(%arg21 : memref<!tpu.dma_semaphore, #tpu.memory_space<semaphore_mem>>) src(%dma_wait3A_803 : memref<4000xf32, #tpu.memory_space<vmem>>) dst(%dma_wait3A_810 : memref<64000xf32, #tpu.memory_space<vmem_shared>>)
      %dma_wait3A_811 = arith.constant 0 : i32
      %dma_wait3A_812 = arith.constant 0 : i32
      %dma_wait3A_813 = arith.constant 0 : i32
      %dma_wait3A_814 = tpu.memref_slice %arg16[%dma_wait3A_811, %dma_wait3A_813] : memref<2x8000xf32, #tpu.memory_space<vmem>> -> memref<1x8000xf32, #tpu.memory_space<vmem>>
      %dma_wait3A_815 = tpu.memref_squeeze %dma_wait3A_814 : memref<1x8000xf32, #tpu.memory_space<vmem>> -> memref<8000xf32, #tpu.memory_space<vmem>>
      %dma_wait3A_816 = arith.constant 0 : i32
      %dma_wait3A_817 = tpu.memref_slice %dma_wait3A_815[%dma_wait3A_816] : memref<8000xf32, #tpu.memory_space<vmem>> -> memref<4000xf32, #tpu.memory_space<vmem>>
      %dma_wait3A_818 = arith.constant 0 : i32
      %dma_wait3A_819 = tpu.memref_slice %arg12[%dma_wait3A_812, %dma_wait3A_818] : memref<2x8000xi32, #tpu.memory_space<vmem>> -> memref<1x8000xi32, #tpu.memory_space<vmem>>
      %dma_wait3A_820 = tpu.memref_squeeze %dma_wait3A_819 : memref<1x8000xi32, #tpu.memory_space<vmem>> -> memref<8000xi32, #tpu.memory_space<vmem>>
      %dma_wait3A_821 = arith.constant 0 : i32
      %dma_wait3A_822 = tpu.memref_slice %dma_wait3A_820[%dma_wait3A_821] : memref<8000xi32, #tpu.memory_space<vmem>> -> memref<4000xi32, #tpu.memory_space<vmem>>
      %dma_wait3A_823 = arith.constant 0 : i32
      %dma_wait3A_824 = tpu.memref_slice %arg10[%dma_wait3A_823] : memref<64000xf32, #tpu.memory_space<vmem_shared>> -> memref<64000xf32, #tpu.memory_space<vmem_shared>>
      tpu.wait_indirect_dma semaphore(%arg21 : memref<!tpu.dma_semaphore, #tpu.memory_space<semaphore_mem>>) src(%dma_wait3A_817 : memref<4000xf32, #tpu.memory_space<vmem>>) dst(%dma_wait3A_824 : memref<64000xf32, #tpu.memory_space<vmem_shared>>)
      %dma_wait3A_825 = arith.constant 0 : i32
      %dma_wait3A_826 = arith.constant 0 : i32
      %dma_wait3A_827 = arith.constant 0 : i32
      %dma_wait3A_828 = tpu.memref_slice %arg15[%dma_wait3A_825, %dma_wait3A_827] : memref<2x8000xf32, #tpu.memory_space<vmem>> -> memref<1x8000xf32, #tpu.memory_space<vmem>>
      %dma_wait3A_829 = tpu.memref_squeeze %dma_wait3A_828 : memref<1x8000xf32, #tpu.memory_space<vmem>> -> memref<8000xf32, #tpu.memory_space<vmem>>
      %dma_wait3A_830 = arith.constant 4000 : i32
      %dma_wait3A_831 = tpu.memref_slice %dma_wait3A_829[%dma_wait3A_830] : memref<8000xf32, #tpu.memory_space<vmem>> -> memref<4000xf32, #tpu.memory_space<vmem>>
      %dma_wait3A_832 = arith.constant 0 : i32
      %dma_wait3A_833 = tpu.memref_slice %arg12[%dma_wait3A_826, %dma_wait3A_832] : memref<2x8000xi32, #tpu.memory_space<vmem>> -> memref<1x8000xi32, #tpu.memory_space<vmem>>
      %dma_wait3A_834 = tpu.memref_squeeze %dma_wait3A_833 : memref<1x8000xi32, #tpu.memory_space<vmem>> -> memref<8000xi32, #tpu.memory_space<vmem>>
      %dma_wait3A_835 = arith.constant 4000 : i32
      %dma_wait3A_836 = tpu.memref_slice %dma_wait3A_834[%dma_wait3A_835] : memref<8000xi32, #tpu.memory_space<vmem>> -> memref<4000xi32, #tpu.memory_space<vmem>>
      %dma_wait3A_837 = arith.constant 0 : i32
      %dma_wait3A_838 = tpu.memref_slice %arg9[%dma_wait3A_837] : memref<64000xf32, #tpu.memory_space<vmem_shared>> -> memref<64000xf32, #tpu.memory_space<vmem_shared>>
      tpu.wait_indirect_dma semaphore(%arg25 : memref<!tpu.dma_semaphore, #tpu.memory_space<semaphore_mem>>) src(%dma_wait3A_831 : memref<4000xf32, #tpu.memory_space<vmem>>) dst(%dma_wait3A_838 : memref<64000xf32, #tpu.memory_space<vmem_shared>>)
      %dma_wait3A_839 = arith.constant 0 : i32
      %dma_wait3A_840 = arith.constant 0 : i32
      %dma_wait3A_841 = arith.constant 0 : i32
      %dma_wait3A_842 = tpu.memref_slice %arg16[%dma_wait3A_839, %dma_wait3A_841] : memref<2x8000xf32, #tpu.memory_space<vmem>> -> memref<1x8000xf32, #tpu.memory_space<vmem>>
      %dma_wait3A_843 = tpu.memref_squeeze %dma_wait3A_842 : memref<1x8000xf32, #tpu.memory_space<vmem>> -> memref<8000xf32, #tpu.memory_space<vmem>>
      %dma_wait3A_844 = arith.constant 4000 : i32
      %dma_wait3A_845 = tpu.memref_slice %dma_wait3A_843[%dma_wait3A_844] : memref<8000xf32, #tpu.memory_space<vmem>> -> memref<4000xf32, #tpu.memory_space<vmem>>
      %dma_wait3A_846 = arith.constant 0 : i32
      %dma_wait3A_847 = tpu.memref_slice %arg12[%dma_wait3A_840, %dma_wait3A_846] : memref<2x8000xi32, #tpu.memory_space<vmem>> -> memref<1x8000xi32, #tpu.memory_space<vmem>>
      %dma_wait3A_848 = tpu.memref_squeeze %dma_wait3A_847 : memref<1x8000xi32, #tpu.memory_space<vmem>> -> memref<8000xi32, #tpu.memory_space<vmem>>
      %dma_wait3A_849 = arith.constant 4000 : i32
      %dma_wait3A_850 = tpu.memref_slice %dma_wait3A_848[%dma_wait3A_849] : memref<8000xi32, #tpu.memory_space<vmem>> -> memref<4000xi32, #tpu.memory_space<vmem>>
      %dma_wait3A_851 = arith.constant 0 : i32
      %dma_wait3A_852 = tpu.memref_slice %arg10[%dma_wait3A_851] : memref<64000xf32, #tpu.memory_space<vmem_shared>> -> memref<64000xf32, #tpu.memory_space<vmem_shared>>
      tpu.wait_indirect_dma semaphore(%arg25 : memref<!tpu.dma_semaphore, #tpu.memory_space<semaphore_mem>>) src(%dma_wait3A_845 : memref<4000xf32, #tpu.memory_space<vmem>>) dst(%dma_wait3A_852 : memref<64000xf32, #tpu.memory_space<vmem_shared>>)
      %mul3A_853 = arith.constant 2 : i32
      %mul3A_854 = arith.muli %mul3A_853, %scan3A_575 : i32
      %add3A_855 = arith.constant 2 : i32
      %add3A_856 = arith.addi %mul3A_854, %add3A_855 : i32
      %dma_wait3A_857 = arith.constant 0 : i32
      %dma_wait3A_858 = arith.constant 1 : i32
      %dma_wait3A_859 = arith.constant 0 : i32
      %dma_wait3A_860 = tpu.memref_slice %arg11[%dma_wait3A_858, %dma_wait3A_859] : memref<2x8000xi32, #tpu.memory_space<vmem>> -> memref<1x8000xi32, #tpu.memory_space<vmem>>
      %dma_wait3A_861 = tpu.memref_squeeze %dma_wait3A_860 : memref<1x8000xi32, #tpu.memory_space<vmem>> -> memref<8000xi32, #tpu.memory_space<vmem>>
      %dma_wait3A_862 = arith.constant 0 : i32
      %dma_wait3A_863 = tpu.memref_slice %arg4[%dma_wait3A_857, %dma_wait3A_862] : memref<2x2048000xi32, #tpu.memory_space<hbm>> -> memref<1x2048000xi32, #tpu.memory_space<hbm>>
      %dma_wait3A_864 = tpu.memref_squeeze %dma_wait3A_863 : memref<1x2048000xi32, #tpu.memory_space<hbm>> -> memref<2048000xi32, #tpu.memory_space<hbm>>
      %dma_wait3A_865 = arith.constant 0 : i32
      %dma_wait3A_866 = tpu.memref_slice %dma_wait3A_864[%dma_wait3A_865] : memref<2048000xi32, #tpu.memory_space<hbm>> -> memref<8000xi32, #tpu.memory_space<hbm>>
      %dma_wait3A_867 = arith.constant 0 : i32
      %dma_wait3A_868 = tpu.memref_slice %arg11[%dma_wait3A_858, %dma_wait3A_867] : memref<2x8000xi32, #tpu.memory_space<vmem>> -> memref<1x8000xi32, #tpu.memory_space<vmem>>
      %dma_wait3A_869 = tpu.memref_squeeze %dma_wait3A_868 : memref<1x8000xi32, #tpu.memory_space<vmem>> -> memref<8000xi32, #tpu.memory_space<vmem>>
      %dma_wait3A_870 = arith.constant 0 : i32
      %dma_wait3A_871 = tpu.memref_slice %arg4[%dma_wait3A_857, %dma_wait3A_870] : memref<2x2048000xi32, #tpu.memory_space<hbm>> -> memref<1x2048000xi32, #tpu.memory_space<hbm>>
      %dma_wait3A_872 = tpu.memref_squeeze %dma_wait3A_871 : memref<1x2048000xi32, #tpu.memory_space<hbm>> -> memref<2048000xi32, #tpu.memory_space<hbm>>
      %dma_wait3A_873 = arith.constant 0 : i32
      %dma_wait3A_874 = tpu.memref_slice %dma_wait3A_872[%dma_wait3A_873] : memref<2048000xi32, #tpu.memory_space<hbm>> -> memref<8000xi32, #tpu.memory_space<hbm>>
      tpu.wait_dma2 semaphore(%arg18 : memref<!tpu.dma_semaphore, #tpu.memory_space<semaphore_mem>>) src(%dma_wait3A_874 : memref<8000xi32, #tpu.memory_space<hbm>>) dst(%dma_wait3A_869 : memref<8000xi32, #tpu.memory_space<vmem>>)
      %dma_wait3A_875 = arith.constant 1 : i32
      %dma_wait3A_876 = arith.constant 1 : i32
      %dma_wait3A_877 = arith.constant 0 : i32
      %dma_wait3A_878 = tpu.memref_slice %arg12[%dma_wait3A_876, %dma_wait3A_877] : memref<2x8000xi32, #tpu.memory_space<vmem>> -> memref<1x8000xi32, #tpu.memory_space<vmem>>
      %dma_wait3A_879 = tpu.memref_squeeze %dma_wait3A_878 : memref<1x8000xi32, #tpu.memory_space<vmem>> -> memref<8000xi32, #tpu.memory_space<vmem>>
      %dma_wait3A_880 = arith.constant 0 : i32
      %dma_wait3A_881 = tpu.memref_slice %arg4[%dma_wait3A_875, %dma_wait3A_880] : memref<2x2048000xi32, #tpu.memory_space<hbm>> -> memref<1x2048000xi32, #tpu.memory_space<hbm>>
      %dma_wait3A_882 = tpu.memref_squeeze %dma_wait3A_881 : memref<1x2048000xi32, #tpu.memory_space<hbm>> -> memref<2048000xi32, #tpu.memory_space<hbm>>
      %dma_wait3A_883 = arith.constant 0 : i32
      %dma_wait3A_884 = tpu.memref_slice %dma_wait3A_882[%dma_wait3A_883] : memref<2048000xi32, #tpu.memory_space<hbm>> -> memref<8000xi32, #tpu.memory_space<hbm>>
      %dma_wait3A_885 = arith.constant 0 : i32
      %dma_wait3A_886 = tpu.memref_slice %arg12[%dma_wait3A_876, %dma_wait3A_885] : memref<2x8000xi32, #tpu.memory_space<vmem>> -> memref<1x8000xi32, #tpu.memory_space<vmem>>
      %dma_wait3A_887 = tpu.memref_squeeze %dma_wait3A_886 : memref<1x8000xi32, #tpu.memory_space<vmem>> -> memref<8000xi32, #tpu.memory_space<vmem>>
      %dma_wait3A_888 = arith.constant 0 : i32
      %dma_wait3A_889 = tpu.memref_slice %arg4[%dma_wait3A_875, %dma_wait3A_888] : memref<2x2048000xi32, #tpu.memory_space<hbm>> -> memref<1x2048000xi32, #tpu.memory_space<hbm>>
      %dma_wait3A_890 = tpu.memref_squeeze %dma_wait3A_889 : memref<1x2048000xi32, #tpu.memory_space<hbm>> -> memref<2048000xi32, #tpu.memory_space<hbm>>
      %dma_wait3A_891 = arith.constant 0 : i32
      %dma_wait3A_892 = tpu.memref_slice %dma_wait3A_890[%dma_wait3A_891] : memref<2048000xi32, #tpu.memory_space<hbm>> -> memref<8000xi32, #tpu.memory_space<hbm>>
      tpu.wait_dma2 semaphore(%arg18 : memref<!tpu.dma_semaphore, #tpu.memory_space<semaphore_mem>>) src(%dma_wait3A_892 : memref<8000xi32, #tpu.memory_space<hbm>>) dst(%dma_wait3A_887 : memref<8000xi32, #tpu.memory_space<vmem>>)
      %dma_wait3A_893 = arith.constant 1 : i32
      %dma_wait3A_894 = arith.constant 0 : i32
      %dma_wait3A_895 = tpu.memref_slice %arg13[%dma_wait3A_893, %dma_wait3A_894] : memref<2x8000xf32, #tpu.memory_space<vmem>> -> memref<1x8000xf32, #tpu.memory_space<vmem>>
      %dma_wait3A_896 = tpu.memref_squeeze %dma_wait3A_895 : memref<1x8000xf32, #tpu.memory_space<vmem>> -> memref<8000xf32, #tpu.memory_space<vmem>>
      %dma_wait3A_897 = arith.constant 0 : i32
      %dma_wait3A_898 = tpu.memref_slice %arg5[%dma_wait3A_897] : memref<2048000xf32, #tpu.memory_space<hbm>> -> memref<8000xf32, #tpu.memory_space<hbm>>
      %dma_wait3A_899 = arith.constant 0 : i32
      %dma_wait3A_900 = tpu.memref_slice %arg13[%dma_wait3A_893, %dma_wait3A_899] : memref<2x8000xf32, #tpu.memory_space<vmem>> -> memref<1x8000xf32, #tpu.memory_space<vmem>>
      %dma_wait3A_901 = tpu.memref_squeeze %dma_wait3A_900 : memref<1x8000xf32, #tpu.memory_space<vmem>> -> memref<8000xf32, #tpu.memory_space<vmem>>
      %dma_wait3A_902 = arith.constant 0 : i32
      %dma_wait3A_903 = tpu.memref_slice %arg5[%dma_wait3A_902] : memref<2048000xf32, #tpu.memory_space<hbm>> -> memref<8000xf32, #tpu.memory_space<hbm>>
      tpu.wait_dma2 semaphore(%arg18 : memref<!tpu.dma_semaphore, #tpu.memory_space<semaphore_mem>>) src(%dma_wait3A_903 : memref<8000xf32, #tpu.memory_space<hbm>>) dst(%dma_wait3A_901 : memref<8000xf32, #tpu.memory_space<vmem>>)
      %dma_start3A_904 = arith.constant 1 : i32
      %dma_start3A_905 = arith.constant 1 : i32
      %dma_start3A_906 = arith.constant 0 : i32
      %dma_start3A_907 = tpu.memref_slice %arg14[%dma_start3A_905, %dma_start3A_906] : memref<2x8000xf32, #tpu.memory_space<vmem>> -> memref<1x8000xf32, #tpu.memory_space<vmem>>
      %dma_start3A_908 = tpu.memref_squeeze %dma_start3A_907 : memref<1x8000xf32, #tpu.memory_space<vmem>> -> memref<8000xf32, #tpu.memory_space<vmem>>
      %dma_start3A_909 = arith.constant 0 : i32
      %dma_start3A_910 = tpu.memref_slice %dma_start3A_908[%dma_start3A_909] : memref<8000xf32, #tpu.memory_space<vmem>> -> memref<4000xf32, #tpu.memory_space<vmem>>
      %dma_start3A_911 = arith.constant 0 : i32
      %dma_start3A_912 = tpu.memref_slice %arg11[%dma_start3A_904, %dma_start3A_911] : memref<2x8000xi32, #tpu.memory_space<vmem>> -> memref<1x8000xi32, #tpu.memory_space<vmem>>
      %dma_start3A_913 = tpu.memref_squeeze %dma_start3A_912 : memref<1x8000xi32, #tpu.memory_space<vmem>> -> memref<8000xi32, #tpu.memory_space<vmem>>
      %dma_start3A_914 = arith.constant 0 : i32
      %dma_start3A_915 = tpu.memref_slice %dma_start3A_913[%dma_start3A_914] : memref<8000xi32, #tpu.memory_space<vmem>> -> memref<4000xi32, #tpu.memory_space<vmem>>
      %dma_start3A_916 = arith.constant 0 : i32
      %dma_start3A_917 = tpu.memref_slice %arg8[%dma_start3A_916] : memref<64000xf32, #tpu.memory_space<vmem_shared>> -> memref<64000xf32, #tpu.memory_space<vmem_shared>>
      tpu.enqueue_indirect_dma source(%dma_start3A_917 : memref<64000xf32, #tpu.memory_space<vmem_shared>>) target(%dma_start3A_910 : memref<4000xf32, #tpu.memory_space<vmem>>) offsets(%dma_start3A_915 : memref<4000xi32, #tpu.memory_space<vmem>>) semaphore(%arg20 : memref<!tpu.dma_semaphore, #tpu.memory_space<semaphore_mem>>)
      %dma_start3A_918 = arith.constant 1 : i32
      %dma_start3A_919 = arith.constant 1 : i32
      %dma_start3A_920 = arith.constant 0 : i32
      %dma_start3A_921 = tpu.memref_slice %arg14[%dma_start3A_919, %dma_start3A_920] : memref<2x8000xf32, #tpu.memory_space<vmem>> -> memref<1x8000xf32, #tpu.memory_space<vmem>>
      %dma_start3A_922 = tpu.memref_squeeze %dma_start3A_921 : memref<1x8000xf32, #tpu.memory_space<vmem>> -> memref<8000xf32, #tpu.memory_space<vmem>>
      %dma_start3A_923 = arith.constant 4000 : i32
      %dma_start3A_924 = tpu.memref_slice %dma_start3A_922[%dma_start3A_923] : memref<8000xf32, #tpu.memory_space<vmem>> -> memref<4000xf32, #tpu.memory_space<vmem>>
      %dma_start3A_925 = arith.constant 0 : i32
      %dma_start3A_926 = tpu.memref_slice %arg11[%dma_start3A_918, %dma_start3A_925] : memref<2x8000xi32, #tpu.memory_space<vmem>> -> memref<1x8000xi32, #tpu.memory_space<vmem>>
      %dma_start3A_927 = tpu.memref_squeeze %dma_start3A_926 : memref<1x8000xi32, #tpu.memory_space<vmem>> -> memref<8000xi32, #tpu.memory_space<vmem>>
      %dma_start3A_928 = arith.constant 4000 : i32
      %dma_start3A_929 = tpu.memref_slice %dma_start3A_927[%dma_start3A_928] : memref<8000xi32, #tpu.memory_space<vmem>> -> memref<4000xi32, #tpu.memory_space<vmem>>
      %dma_start3A_930 = arith.constant 0 : i32
      %dma_start3A_931 = tpu.memref_slice %arg8[%dma_start3A_930] : memref<64000xf32, #tpu.memory_space<vmem_shared>> -> memref<64000xf32, #tpu.memory_space<vmem_shared>>
      tpu.enqueue_indirect_dma source(%dma_start3A_931 : memref<64000xf32, #tpu.memory_space<vmem_shared>>) target(%dma_start3A_924 : memref<4000xf32, #tpu.memory_space<vmem>>) offsets(%dma_start3A_929 : memref<4000xi32, #tpu.memory_space<vmem>>) semaphore(%arg24 : memref<!tpu.dma_semaphore, #tpu.memory_space<semaphore_mem>>)
      %mul3A_932 = arith.constant 64000 : i32
      %mul3A_933 = arith.muli %add3A, %mul3A_932 : i32
      %mul3A_934 = arith.constant 8000 : i32
      %mul3A_935 = arith.muli %add3A_856, %mul3A_934 : i32
      %add3A_936 = arith.addi %mul3A_933, %mul3A_935 : i32
      %dma_start3A_937 = arith.constant 0 : i32
      %dma_start3A_938 = arith.constant 0 : i32
      %dma_start3A_939 = arith.constant 0 : i32
      %dma_start3A_940 = tpu.memref_slice %arg11[%dma_start3A_938, %dma_start3A_939] : memref<2x8000xi32, #tpu.memory_space<vmem>> -> memref<1x8000xi32, #tpu.memory_space<vmem>>
      %dma_start3A_941 = tpu.memref_squeeze %dma_start3A_940 : memref<1x8000xi32, #tpu.memory_space<vmem>> -> memref<8000xi32, #tpu.memory_space<vmem>>
      %dma_start3A_942 = arith.constant 0 : i32
      %dma_start3A_943 = tpu.memref_slice %arg4[%dma_start3A_937, %dma_start3A_942] : memref<2x2048000xi32, #tpu.memory_space<hbm>> -> memref<1x2048000xi32, #tpu.memory_space<hbm>>
      %dma_start3A_944 = tpu.memref_squeeze %dma_start3A_943 : memref<1x2048000xi32, #tpu.memory_space<hbm>> -> memref<2048000xi32, #tpu.memory_space<hbm>>
      %dma_start3A_945 = tpu.memref_slice %dma_start3A_944[%add3A_936] : memref<2048000xi32, #tpu.memory_space<hbm>> -> memref<8000xi32, #tpu.memory_space<hbm>>
      %dma_start3A_946 = arith.constant 0 : i32
      %dma_start3A_947 = tpu.memref_slice %arg11[%dma_start3A_938, %dma_start3A_946] : memref<2x8000xi32, #tpu.memory_space<vmem>> -> memref<1x8000xi32, #tpu.memory_space<vmem>>
      %dma_start3A_948 = tpu.memref_squeeze %dma_start3A_947 : memref<1x8000xi32, #tpu.memory_space<vmem>> -> memref<8000xi32, #tpu.memory_space<vmem>>
      %dma_start3A_949 = arith.constant 0 : i32
      %dma_start3A_950 = tpu.memref_slice %arg4[%dma_start3A_937, %dma_start3A_949] : memref<2x2048000xi32, #tpu.memory_space<hbm>> -> memref<1x2048000xi32, #tpu.memory_space<hbm>>
      %dma_start3A_951 = tpu.memref_squeeze %dma_start3A_950 : memref<1x2048000xi32, #tpu.memory_space<hbm>> -> memref<2048000xi32, #tpu.memory_space<hbm>>
      %dma_start3A_952 = tpu.memref_slice %dma_start3A_951[%add3A_936] : memref<2048000xi32, #tpu.memory_space<hbm>> -> memref<8000xi32, #tpu.memory_space<hbm>>
      tpu.enqueue_dma source(%dma_start3A_952 : memref<8000xi32, #tpu.memory_space<hbm>>) target(%dma_start3A_948 : memref<8000xi32, #tpu.memory_space<vmem>>) target_semaphore(%arg17 : memref<!tpu.dma_semaphore, #tpu.memory_space<semaphore_mem>>)
      %dma_start3A_953 = arith.constant 1 : i32
      %dma_start3A_954 = arith.constant 0 : i32
      %dma_start3A_955 = arith.constant 0 : i32
      %dma_start3A_956 = tpu.memref_slice %arg12[%dma_start3A_954, %dma_start3A_955] : memref<2x8000xi32, #tpu.memory_space<vmem>> -> memref<1x8000xi32, #tpu.memory_space<vmem>>
      %dma_start3A_957 = tpu.memref_squeeze %dma_start3A_956 : memref<1x8000xi32, #tpu.memory_space<vmem>> -> memref<8000xi32, #tpu.memory_space<vmem>>
      %dma_start3A_958 = arith.constant 0 : i32
      %dma_start3A_959 = tpu.memref_slice %arg4[%dma_start3A_953, %dma_start3A_958] : memref<2x2048000xi32, #tpu.memory_space<hbm>> -> memref<1x2048000xi32, #tpu.memory_space<hbm>>
      %dma_start3A_960 = tpu.memref_squeeze %dma_start3A_959 : memref<1x2048000xi32, #tpu.memory_space<hbm>> -> memref<2048000xi32, #tpu.memory_space<hbm>>
      %dma_start3A_961 = tpu.memref_slice %dma_start3A_960[%add3A_936] : memref<2048000xi32, #tpu.memory_space<hbm>> -> memref<8000xi32, #tpu.memory_space<hbm>>
      %dma_start3A_962 = arith.constant 0 : i32
      %dma_start3A_963 = tpu.memref_slice %arg12[%dma_start3A_954, %dma_start3A_962] : memref<2x8000xi32, #tpu.memory_space<vmem>> -> memref<1x8000xi32, #tpu.memory_space<vmem>>
      %dma_start3A_964 = tpu.memref_squeeze %dma_start3A_963 : memref<1x8000xi32, #tpu.memory_space<vmem>> -> memref<8000xi32, #tpu.memory_space<vmem>>
      %dma_start3A_965 = arith.constant 0 : i32
      %dma_start3A_966 = tpu.memref_slice %arg4[%dma_start3A_953, %dma_start3A_965] : memref<2x2048000xi32, #tpu.memory_space<hbm>> -> memref<1x2048000xi32, #tpu.memory_space<hbm>>
      %dma_start3A_967 = tpu.memref_squeeze %dma_start3A_966 : memref<1x2048000xi32, #tpu.memory_space<hbm>> -> memref<2048000xi32, #tpu.memory_space<hbm>>
      %dma_start3A_968 = tpu.memref_slice %dma_start3A_967[%add3A_936] : memref<2048000xi32, #tpu.memory_space<hbm>> -> memref<8000xi32, #tpu.memory_space<hbm>>
      tpu.enqueue_dma source(%dma_start3A_968 : memref<8000xi32, #tpu.memory_space<hbm>>) target(%dma_start3A_964 : memref<8000xi32, #tpu.memory_space<vmem>>) target_semaphore(%arg17 : memref<!tpu.dma_semaphore, #tpu.memory_space<semaphore_mem>>)
      %dma_start3A_969 = arith.constant 0 : i32
      %dma_start3A_970 = arith.constant 0 : i32
      %dma_start3A_971 = tpu.memref_slice %arg13[%dma_start3A_969, %dma_start3A_970] : memref<2x8000xf32, #tpu.memory_space<vmem>> -> memref<1x8000xf32, #tpu.memory_space<vmem>>
      %dma_start3A_972 = tpu.memref_squeeze %dma_start3A_971 : memref<1x8000xf32, #tpu.memory_space<vmem>> -> memref<8000xf32, #tpu.memory_space<vmem>>
      %dma_start3A_973 = tpu.memref_slice %arg5[%add3A_936] : memref<2048000xf32, #tpu.memory_space<hbm>> -> memref<8000xf32, #tpu.memory_space<hbm>>
      %dma_start3A_974 = arith.constant 0 : i32
      %dma_start3A_975 = tpu.memref_slice %arg13[%dma_start3A_969, %dma_start3A_974] : memref<2x8000xf32, #tpu.memory_space<vmem>> -> memref<1x8000xf32, #tpu.memory_space<vmem>>
      %dma_start3A_976 = tpu.memref_squeeze %dma_start3A_975 : memref<1x8000xf32, #tpu.memory_space<vmem>> -> memref<8000xf32, #tpu.memory_space<vmem>>
      %dma_start3A_977 = tpu.memref_slice %arg5[%add3A_936] : memref<2048000xf32, #tpu.memory_space<hbm>> -> memref<8000xf32, #tpu.memory_space<hbm>>
      tpu.enqueue_dma source(%dma_start3A_977 : memref<8000xf32, #tpu.memory_space<hbm>>) target(%dma_start3A_976 : memref<8000xf32, #tpu.memory_space<vmem>>) target_semaphore(%arg17 : memref<!tpu.dma_semaphore, #tpu.memory_space<semaphore_mem>>)
      %dma_wait3A_978 = arith.constant 1 : i32
      %dma_wait3A_979 = arith.constant 1 : i32
      %dma_wait3A_980 = arith.constant 0 : i32
      %dma_wait3A_981 = tpu.memref_slice %arg14[%dma_wait3A_979, %dma_wait3A_980] : memref<2x8000xf32, #tpu.memory_space<vmem>> -> memref<1x8000xf32, #tpu.memory_space<vmem>>
      %dma_wait3A_982 = tpu.memref_squeeze %dma_wait3A_981 : memref<1x8000xf32, #tpu.memory_space<vmem>> -> memref<8000xf32, #tpu.memory_space<vmem>>
      %dma_wait3A_983 = arith.constant 0 : i32
      %dma_wait3A_984 = tpu.memref_slice %dma_wait3A_982[%dma_wait3A_983] : memref<8000xf32, #tpu.memory_space<vmem>> -> memref<4000xf32, #tpu.memory_space<vmem>>
      %dma_wait3A_985 = arith.constant 0 : i32
      %dma_wait3A_986 = tpu.memref_slice %arg11[%dma_wait3A_978, %dma_wait3A_985] : memref<2x8000xi32, #tpu.memory_space<vmem>> -> memref<1x8000xi32, #tpu.memory_space<vmem>>
      %dma_wait3A_987 = tpu.memref_squeeze %dma_wait3A_986 : memref<1x8000xi32, #tpu.memory_space<vmem>> -> memref<8000xi32, #tpu.memory_space<vmem>>
      %dma_wait3A_988 = arith.constant 0 : i32
      %dma_wait3A_989 = tpu.memref_slice %dma_wait3A_987[%dma_wait3A_988] : memref<8000xi32, #tpu.memory_space<vmem>> -> memref<4000xi32, #tpu.memory_space<vmem>>
      %dma_wait3A_990 = arith.constant 0 : i32
      %dma_wait3A_991 = tpu.memref_slice %arg8[%dma_wait3A_990] : memref<64000xf32, #tpu.memory_space<vmem_shared>> -> memref<64000xf32, #tpu.memory_space<vmem_shared>>
      tpu.wait_indirect_dma semaphore(%arg20 : memref<!tpu.dma_semaphore, #tpu.memory_space<semaphore_mem>>) src(%dma_wait3A_991 : memref<64000xf32, #tpu.memory_space<vmem_shared>>) dst(%dma_wait3A_984 : memref<4000xf32, #tpu.memory_space<vmem>>)
      %scan3A_992 = arith.constant 0 : i32
      %scan3A_993 = arith.constant 0 : i32
      %scan3A_994 = arith.constant 250 : i32
      %scan3A_995 = arith.addi %scan3A_993, %scan3A_994 : i32
      %scan3A_996 = arith.constant 1 : i32
      scf.for %scan3A_1130 = %scan3A_993 to %scan3A_995 step %scan3A_996  : i32 {
        %mul3A_1131 = arith.constant 16 : i32
        %mul3A_1132 = arith.muli %scan3A_1130, %mul3A_1131 : i32
        %add3A_1133 = arith.constant 0 : i32
        %add3A_1134 = arith.addi %add3A_1133, %mul3A_1132 : i32
        %get3A = arith.constant 1 : i32
        %get3A_1135 = arith.constant 0 : i32
        %get3A_1136 = tpu.memref_slice %arg14[%get3A, %get3A_1135] : memref<2x8000xf32, #tpu.memory_space<vmem>> -> memref<1x8000xf32, #tpu.memory_space<vmem>>
        %get3A_1137 = tpu.memref_squeeze %get3A_1136 : memref<1x8000xf32, #tpu.memory_space<vmem>> -> memref<8000xf32, #tpu.memory_space<vmem>>
        %get3A_1138 = arith.index_cast %add3A_1134 : i32 to index
        %get3A_1139 = tpu.vector_load %get3A_1137[%get3A_1138] {strides = array<i32>} : memref<8000xf32, #tpu.memory_space<vmem>>, vector<16xf32>,
        %bitcast3A = vector.bitcast %get3A_1139 : vector<16xf32> to vector<32xbf16>
        %unpack3A = tpu.unpack_subelements %bitcast3A, 0 {pack_format = #tpu.pack_format<interleaved>} : vector<32xbf16> -> vector<16xf32>
        %unpack3A_1140 = tpu.unpack_subelements %bitcast3A, 1 {pack_format = #tpu.pack_format<interleaved>} : vector<32xbf16> -> vector<16xf32>
        %get3A_1141 = arith.constant 1 : i32
        %get3A_1142 = arith.constant 0 : i32
        %get3A_1143 = tpu.memref_slice %arg13[%get3A_1141, %get3A_1142] : memref<2x8000xf32, #tpu.memory_space<vmem>> -> memref<1x8000xf32, #tpu.memory_space<vmem>>
        %get3A_1144 = tpu.memref_squeeze %get3A_1143 : memref<1x8000xf32, #tpu.memory_space<vmem>> -> memref<8000xf32, #tpu.memory_space<vmem>>
        %get3A_1145 = arith.index_cast %add3A_1134 : i32 to index
        %get3A_1146 = tpu.vector_load %get3A_1144[%get3A_1145] {strides = array<i32>} : memref<8000xf32, #tpu.memory_space<vmem>>, vector<16xf32>,
        %mul3A_1147 = arith.mulf %unpack3A, %get3A_1146 : vector<16xf32>
        %swap3A = arith.constant 1 : i32
        %swap3A_1148 = arith.constant 0 : i32
        %swap3A_1149 = tpu.memref_slice %arg15[%swap3A, %swap3A_1148] : memref<2x8000xf32, #tpu.memory_space<vmem>> -> memref<1x8000xf32, #tpu.memory_space<vmem>>
        %swap3A_1150 = tpu.memref_squeeze %swap3A_1149 : memref<1x8000xf32, #tpu.memory_space<vmem>> -> memref<8000xf32, #tpu.memory_space<vmem>>
        %swap3A_1151 = arith.index_cast %add3A_1134 : i32 to index
        %swap3A_1152 = tpu.vector_load %swap3A_1150[%swap3A_1151] {strides = array<i32>} : memref<8000xf32, #tpu.memory_space<vmem>>, vector<16xf32>,
        tpu.vector_store %swap3A_1150[%swap3A_1151], %mul3A_1147 {strides = array<i32>} : memref<8000xf32, #tpu.memory_space<vmem>>, vector<16xf32>,
        %mul3A_1153 = arith.mulf %unpack3A_1140, %get3A_1146 : vector<16xf32>
        %swap3A_1154 = arith.constant 1 : i32
        %swap3A_1155 = arith.constant 0 : i32
        %swap3A_1156 = tpu.memref_slice %arg16[%swap3A_1154, %swap3A_1155] : memref<2x8000xf32, #tpu.memory_space<vmem>> -> memref<1x8000xf32, #tpu.memory_space<vmem>>
        %swap3A_1157 = tpu.memref_squeeze %swap3A_1156 : memref<1x8000xf32, #tpu.memory_space<vmem>> -> memref<8000xf32, #tpu.memory_space<vmem>>
        %swap3A_1158 = arith.index_cast %add3A_1134 : i32 to index
        %swap3A_1159 = tpu.vector_load %swap3A_1157[%swap3A_1158] {strides = array<i32>} : memref<8000xf32, #tpu.memory_space<vmem>>, vector<16xf32>,
        tpu.vector_store %swap3A_1157[%swap3A_1158], %mul3A_1153 {strides = array<i32>} : memref<8000xf32, #tpu.memory_space<vmem>>, vector<16xf32>,
      }
      %scan3A_997 = arith.constant 250 : i32
      %dma_start3A_998 = arith.constant 1 : i32
      %dma_start3A_999 = arith.constant 1 : i32
      %dma_start3A_1000 = arith.constant 0 : i32
      %dma_start3A_1001 = tpu.memref_slice %arg15[%dma_start3A_998, %dma_start3A_1000] : memref<2x8000xf32, #tpu.memory_space<vmem>> -> memref<1x8000xf32, #tpu.memory_space<vmem>>
      %dma_start3A_1002 = tpu.memref_squeeze %dma_start3A_1001 : memref<1x8000xf32, #tpu.memory_space<vmem>> -> memref<8000xf32, #tpu.memory_space<vmem>>
      %dma_start3A_1003 = arith.constant 0 : i32
      %dma_start3A_1004 = tpu.memref_slice %dma_start3A_1002[%dma_start3A_1003] : memref<8000xf32, #tpu.memory_space<vmem>> -> memref<4000xf32, #tpu.memory_space<vmem>>
      %dma_start3A_1005 = arith.constant 0 : i32
      %dma_start3A_1006 = tpu.memref_slice %arg12[%dma_start3A_999, %dma_start3A_1005] : memref<2x8000xi32, #tpu.memory_space<vmem>> -> memref<1x8000xi32, #tpu.memory_space<vmem>>
      %dma_start3A_1007 = tpu.memref_squeeze %dma_start3A_1006 : memref<1x8000xi32, #tpu.memory_space<vmem>> -> memref<8000xi32, #tpu.memory_space<vmem>>
      %dma_start3A_1008 = arith.constant 0 : i32
      %dma_start3A_1009 = tpu.memref_slice %dma_start3A_1007[%dma_start3A_1008] : memref<8000xi32, #tpu.memory_space<vmem>> -> memref<4000xi32, #tpu.memory_space<vmem>>
      %dma_start3A_1010 = arith.constant 0 : i32
      %dma_start3A_1011 = tpu.memref_slice %arg9[%dma_start3A_1010] : memref<64000xf32, #tpu.memory_space<vmem_shared>> -> memref<64000xf32, #tpu.memory_space<vmem_shared>>
      tpu.enqueue_indirect_dma source(%dma_start3A_1004 : memref<4000xf32, #tpu.memory_space<vmem>>) target(%dma_start3A_1011 : memref<64000xf32, #tpu.memory_space<vmem_shared>>) offsets(%dma_start3A_1009 : memref<4000xi32, #tpu.memory_space<vmem>>) semaphore(%arg22 : memref<!tpu.dma_semaphore, #tpu.memory_space<semaphore_mem>>) {add = true}
      %dma_start3A_1012 = arith.constant 1 : i32
      %dma_start3A_1013 = arith.constant 1 : i32
      %dma_start3A_1014 = arith.constant 0 : i32
      %dma_start3A_1015 = tpu.memref_slice %arg16[%dma_start3A_1012, %dma_start3A_1014] : memref<2x8000xf32, #tpu.memory_space<vmem>> -> memref<1x8000xf32, #tpu.memory_space<vmem>>
      %dma_start3A_1016 = tpu.memref_squeeze %dma_start3A_1015 : memref<1x8000xf32, #tpu.memory_space<vmem>> -> memref<8000xf32, #tpu.memory_space<vmem>>
      %dma_start3A_1017 = arith.constant 0 : i32
      %dma_start3A_1018 = tpu.memref_slice %dma_start3A_1016[%dma_start3A_1017] : memref<8000xf32, #tpu.memory_space<vmem>> -> memref<4000xf32, #tpu.memory_space<vmem>>
      %dma_start3A_1019 = arith.constant 0 : i32
      %dma_start3A_1020 = tpu.memref_slice %arg12[%dma_start3A_1013, %dma_start3A_1019] : memref<2x8000xi32, #tpu.memory_space<vmem>> -> memref<1x8000xi32, #tpu.memory_space<vmem>>
      %dma_start3A_1021 = tpu.memref_squeeze %dma_start3A_1020 : memref<1x8000xi32, #tpu.memory_space<vmem>> -> memref<8000xi32, #tpu.memory_space<vmem>>
      %dma_start3A_1022 = arith.constant 0 : i32
      %dma_start3A_1023 = tpu.memref_slice %dma_start3A_1021[%dma_start3A_1022] : memref<8000xi32, #tpu.memory_space<vmem>> -> memref<4000xi32, #tpu.memory_space<vmem>>
      %dma_start3A_1024 = arith.constant 0 : i32
      %dma_start3A_1025 = tpu.memref_slice %arg10[%dma_start3A_1024] : memref<64000xf32, #tpu.memory_space<vmem_shared>> -> memref<64000xf32, #tpu.memory_space<vmem_shared>>
      tpu.enqueue_indirect_dma source(%dma_start3A_1018 : memref<4000xf32, #tpu.memory_space<vmem>>) target(%dma_start3A_1025 : memref<64000xf32, #tpu.memory_space<vmem_shared>>) offsets(%dma_start3A_1023 : memref<4000xi32, #tpu.memory_space<vmem>>) semaphore(%arg22 : memref<!tpu.dma_semaphore, #tpu.memory_space<semaphore_mem>>) {add = true}
      %dma_wait3A_1026 = arith.constant 1 : i32
      %dma_wait3A_1027 = arith.constant 1 : i32
      %dma_wait3A_1028 = arith.constant 0 : i32
      %dma_wait3A_1029 = tpu.memref_slice %arg14[%dma_wait3A_1027, %dma_wait3A_1028] : memref<2x8000xf32, #tpu.memory_space<vmem>> -> memref<1x8000xf32, #tpu.memory_space<vmem>>
      %dma_wait3A_1030 = tpu.memref_squeeze %dma_wait3A_1029 : memref<1x8000xf32, #tpu.memory_space<vmem>> -> memref<8000xf32, #tpu.memory_space<vmem>>
      %dma_wait3A_1031 = arith.constant 4000 : i32
      %dma_wait3A_1032 = tpu.memref_slice %dma_wait3A_1030[%dma_wait3A_1031] : memref<8000xf32, #tpu.memory_space<vmem>> -> memref<4000xf32, #tpu.memory_space<vmem>>
      %dma_wait3A_1033 = arith.constant 0 : i32
      %dma_wait3A_1034 = tpu.memref_slice %arg11[%dma_wait3A_1026, %dma_wait3A_1033] : memref<2x8000xi32, #tpu.memory_space<vmem>> -> memref<1x8000xi32, #tpu.memory_space<vmem>>
      %dma_wait3A_1035 = tpu.memref_squeeze %dma_wait3A_1034 : memref<1x8000xi32, #tpu.memory_space<vmem>> -> memref<8000xi32, #tpu.memory_space<vmem>>
      %dma_wait3A_1036 = arith.constant 4000 : i32
      %dma_wait3A_1037 = tpu.memref_slice %dma_wait3A_1035[%dma_wait3A_1036] : memref<8000xi32, #tpu.memory_space<vmem>> -> memref<4000xi32, #tpu.memory_space<vmem>>
      %dma_wait3A_1038 = arith.constant 0 : i32
      %dma_wait3A_1039 = tpu.memref_slice %arg8[%dma_wait3A_1038] : memref<64000xf32, #tpu.memory_space<vmem_shared>> -> memref<64000xf32, #tpu.memory_space<vmem_shared>>
      tpu.wait_indirect_dma semaphore(%arg24 : memref<!tpu.dma_semaphore, #tpu.memory_space<semaphore_mem>>) src(%dma_wait3A_1039 : memref<64000xf32, #tpu.memory_space<vmem_shared>>) dst(%dma_wait3A_1032 : memref<4000xf32, #tpu.memory_space<vmem>>)
      %scan3A_1040 = arith.constant 0 : i32
      %scan3A_1041 = arith.constant 0 : i32
      %scan3A_1042 = arith.constant 250 : i32
      %scan3A_1043 = arith.addi %scan3A_1041, %scan3A_1042 : i32
      %scan3A_1044 = arith.constant 1 : i32
      scf.for %scan3A_1130 = %scan3A_1041 to %scan3A_1043 step %scan3A_1044  : i32 {
        %mul3A_1131 = arith.constant 16 : i32
        %mul3A_1132 = arith.muli %scan3A_1130, %mul3A_1131 : i32
        %add3A_1133 = arith.constant 4000 : i32
        %add3A_1134 = arith.addi %add3A_1133, %mul3A_1132 : i32
        %get3A = arith.constant 1 : i32
        %get3A_1135 = arith.constant 0 : i32
        %get3A_1136 = tpu.memref_slice %arg14[%get3A, %get3A_1135] : memref<2x8000xf32, #tpu.memory_space<vmem>> -> memref<1x8000xf32, #tpu.memory_space<vmem>>
        %get3A_1137 = tpu.memref_squeeze %get3A_1136 : memref<1x8000xf32, #tpu.memory_space<vmem>> -> memref<8000xf32, #tpu.memory_space<vmem>>
        %get3A_1138 = arith.index_cast %add3A_1134 : i32 to index
        %get3A_1139 = tpu.vector_load %get3A_1137[%get3A_1138] {strides = array<i32>} : memref<8000xf32, #tpu.memory_space<vmem>>, vector<16xf32>,
        %bitcast3A = vector.bitcast %get3A_1139 : vector<16xf32> to vector<32xbf16>
        %unpack3A = tpu.unpack_subelements %bitcast3A, 0 {pack_format = #tpu.pack_format<interleaved>} : vector<32xbf16> -> vector<16xf32>
        %unpack3A_1140 = tpu.unpack_subelements %bitcast3A, 1 {pack_format = #tpu.pack_format<interleaved>} : vector<32xbf16> -> vector<16xf32>
        %get3A_1141 = arith.constant 1 : i32
        %get3A_1142 = arith.constant 0 : i32
        %get3A_1143 = tpu.memref_slice %arg13[%get3A_1141, %get3A_1142] : memref<2x8000xf32, #tpu.memory_space<vmem>> -> memref<1x8000xf32, #tpu.memory_space<vmem>>
        %get3A_1144 = tpu.memref_squeeze %get3A_1143 : memref<1x8000xf32, #tpu.memory_space<vmem>> -> memref<8000xf32, #tpu.memory_space<vmem>>
        %get3A_1145 = arith.index_cast %add3A_1134 : i32 to index
        %get3A_1146 = tpu.vector_load %get3A_1144[%get3A_1145] {strides = array<i32>} : memref<8000xf32, #tpu.memory_space<vmem>>, vector<16xf32>,
        %mul3A_1147 = arith.mulf %unpack3A, %get3A_1146 : vector<16xf32>
        %swap3A = arith.constant 1 : i32
        %swap3A_1148 = arith.constant 0 : i32
        %swap3A_1149 = tpu.memref_slice %arg15[%swap3A, %swap3A_1148] : memref<2x8000xf32, #tpu.memory_space<vmem>> -> memref<1x8000xf32, #tpu.memory_space<vmem>>
        %swap3A_1150 = tpu.memref_squeeze %swap3A_1149 : memref<1x8000xf32, #tpu.memory_space<vmem>> -> memref<8000xf32, #tpu.memory_space<vmem>>
        %swap3A_1151 = arith.index_cast %add3A_1134 : i32 to index
        %swap3A_1152 = tpu.vector_load %swap3A_1150[%swap3A_1151] {strides = array<i32>} : memref<8000xf32, #tpu.memory_space<vmem>>, vector<16xf32>,
        tpu.vector_store %swap3A_1150[%swap3A_1151], %mul3A_1147 {strides = array<i32>} : memref<8000xf32, #tpu.memory_space<vmem>>, vector<16xf32>,
        %mul3A_1153 = arith.mulf %unpack3A_1140, %get3A_1146 : vector<16xf32>
        %swap3A_1154 = arith.constant 1 : i32
        %swap3A_1155 = arith.constant 0 : i32
        %swap3A_1156 = tpu.memref_slice %arg16[%swap3A_1154, %swap3A_1155] : memref<2x8000xf32, #tpu.memory_space<vmem>> -> memref<1x8000xf32, #tpu.memory_space<vmem>>
        %swap3A_1157 = tpu.memref_squeeze %swap3A_1156 : memref<1x8000xf32, #tpu.memory_space<vmem>> -> memref<8000xf32, #tpu.memory_space<vmem>>
        %swap3A_1158 = arith.index_cast %add3A_1134 : i32 to index
        %swap3A_1159 = tpu.vector_load %swap3A_1157[%swap3A_1158] {strides = array<i32>} : memref<8000xf32, #tpu.memory_space<vmem>>, vector<16xf32>,
        tpu.vector_store %swap3A_1157[%swap3A_1158], %mul3A_1153 {strides = array<i32>} : memref<8000xf32, #tpu.memory_space<vmem>>, vector<16xf32>,
      }
      %scan3A_1045 = arith.constant 250 : i32
      %dma_start3A_1046 = arith.constant 1 : i32
      %dma_start3A_1047 = arith.constant 1 : i32
      %dma_start3A_1048 = arith.constant 0 : i32
      %dma_start3A_1049 = tpu.memref_slice %arg15[%dma_start3A_1046, %dma_start3A_1048] : memref<2x8000xf32, #tpu.memory_space<vmem>> -> memref<1x8000xf32, #tpu.memory_space<vmem>>
      %dma_start3A_1050 = tpu.memref_squeeze %dma_start3A_1049 : memref<1x8000xf32, #tpu.memory_space<vmem>> -> memref<8000xf32, #tpu.memory_space<vmem>>
      %dma_start3A_1051 = arith.constant 4000 : i32
      %dma_start3A_1052 = tpu.memref_slice %dma_start3A_1050[%dma_start3A_1051] : memref<8000xf32, #tpu.memory_space<vmem>> -> memref<4000xf32, #tpu.memory_space<vmem>>
      %dma_start3A_1053 = arith.constant 0 : i32
      %dma_start3A_1054 = tpu.memref_slice %arg12[%dma_start3A_1047, %dma_start3A_1053] : memref<2x8000xi32, #tpu.memory_space<vmem>> -> memref<1x8000xi32, #tpu.memory_space<vmem>>
      %dma_start3A_1055 = tpu.memref_squeeze %dma_start3A_1054 : memref<1x8000xi32, #tpu.memory_space<vmem>> -> memref<8000xi32, #tpu.memory_space<vmem>>
      %dma_start3A_1056 = arith.constant 4000 : i32
      %dma_start3A_1057 = tpu.memref_slice %dma_start3A_1055[%dma_start3A_1056] : memref<8000xi32, #tpu.memory_space<vmem>> -> memref<4000xi32, #tpu.memory_space<vmem>>
      %dma_start3A_1058 = arith.constant 0 : i32
      %dma_start3A_1059 = tpu.memref_slice %arg9[%dma_start3A_1058] : memref<64000xf32, #tpu.memory_space<vmem_shared>> -> memref<64000xf32, #tpu.memory_space<vmem_shared>>
      tpu.enqueue_indirect_dma source(%dma_start3A_1052 : memref<4000xf32, #tpu.memory_space<vmem>>) target(%dma_start3A_1059 : memref<64000xf32, #tpu.memory_space<vmem_shared>>) offsets(%dma_start3A_1057 : memref<4000xi32, #tpu.memory_space<vmem>>) semaphore(%arg26 : memref<!tpu.dma_semaphore, #tpu.memory_space<semaphore_mem>>) {add = true}
      %dma_start3A_1060 = arith.constant 1 : i32
      %dma_start3A_1061 = arith.constant 1 : i32
      %dma_start3A_1062 = arith.constant 0 : i32
      %dma_start3A_1063 = tpu.memref_slice %arg16[%dma_start3A_1060, %dma_start3A_1062] : memref<2x8000xf32, #tpu.memory_space<vmem>> -> memref<1x8000xf32, #tpu.memory_space<vmem>>
      %dma_start3A_1064 = tpu.memref_squeeze %dma_start3A_1063 : memref<1x8000xf32, #tpu.memory_space<vmem>> -> memref<8000xf32, #tpu.memory_space<vmem>>
      %dma_start3A_1065 = arith.constant 4000 : i32
      %dma_start3A_1066 = tpu.memref_slice %dma_start3A_1064[%dma_start3A_1065] : memref<8000xf32, #tpu.memory_space<vmem>> -> memref<4000xf32, #tpu.memory_space<vmem>>
      %dma_start3A_1067 = arith.constant 0 : i32
      %dma_start3A_1068 = tpu.memref_slice %arg12[%dma_start3A_1061, %dma_start3A_1067] : memref<2x8000xi32, #tpu.memory_space<vmem>> -> memref<1x8000xi32, #tpu.memory_space<vmem>>
      %dma_start3A_1069 = tpu.memref_squeeze %dma_start3A_1068 : memref<1x8000xi32, #tpu.memory_space<vmem>> -> memref<8000xi32, #tpu.memory_space<vmem>>
      %dma_start3A_1070 = arith.constant 4000 : i32
      %dma_start3A_1071 = tpu.memref_slice %dma_start3A_1069[%dma_start3A_1070] : memref<8000xi32, #tpu.memory_space<vmem>> -> memref<4000xi32, #tpu.memory_space<vmem>>
      %dma_start3A_1072 = arith.constant 0 : i32
      %dma_start3A_1073 = tpu.memref_slice %arg10[%dma_start3A_1072] : memref<64000xf32, #tpu.memory_space<vmem_shared>> -> memref<64000xf32, #tpu.memory_space<vmem_shared>>
      tpu.enqueue_indirect_dma source(%dma_start3A_1066 : memref<4000xf32, #tpu.memory_space<vmem>>) target(%dma_start3A_1073 : memref<64000xf32, #tpu.memory_space<vmem_shared>>) offsets(%dma_start3A_1071 : memref<4000xi32, #tpu.memory_space<vmem>>) semaphore(%arg26 : memref<!tpu.dma_semaphore, #tpu.memory_space<semaphore_mem>>) {add = true}
      %dma_wait3A_1074 = arith.constant 1 : i32
      %dma_wait3A_1075 = arith.constant 1 : i32
      %dma_wait3A_1076 = arith.constant 0 : i32
      %dma_wait3A_1077 = tpu.memref_slice %arg15[%dma_wait3A_1074, %dma_wait3A_1076] : memref<2x8000xf32, #tpu.memory_space<vmem>> -> memref<1x8000xf32, #tpu.memory_space<vmem>>
      %dma_wait3A_1078 = tpu.memref_squeeze %dma_wait3A_1077 : memref<1x8000xf32, #tpu.memory_space<vmem>> -> memref<8000xf32, #tpu.memory_space<vmem>>
      %dma_wait3A_1079 = arith.constant 0 : i32
      %dma_wait3A_1080 = tpu.memref_slice %dma_wait3A_1078[%dma_wait3A_1079] : memref<8000xf32, #tpu.memory_space<vmem>> -> memref<4000xf32, #tpu.memory_space<vmem>>
      %dma_wait3A_1081 = arith.constant 0 : i32
      %dma_wait3A_1082 = tpu.memref_slice %arg12[%dma_wait3A_1075, %dma_wait3A_1081] : memref<2x8000xi32, #tpu.memory_space<vmem>> -> memref<1x8000xi32, #tpu.memory_space<vmem>>
      %dma_wait3A_1083 = tpu.memref_squeeze %dma_wait3A_1082 : memref<1x8000xi32, #tpu.memory_space<vmem>> -> memref<8000xi32, #tpu.memory_space<vmem>>
      %dma_wait3A_1084 = arith.constant 0 : i32
      %dma_wait3A_1085 = tpu.memref_slice %dma_wait3A_1083[%dma_wait3A_1084] : memref<8000xi32, #tpu.memory_space<vmem>> -> memref<4000xi32, #tpu.memory_space<vmem>>
      %dma_wait3A_1086 = arith.constant 0 : i32
      %dma_wait3A_1087 = tpu.memref_slice %arg9[%dma_wait3A_1086] : memref<64000xf32, #tpu.memory_space<vmem_shared>> -> memref<64000xf32, #tpu.memory_space<vmem_shared>>
      tpu.wait_indirect_dma semaphore(%arg22 : memref<!tpu.dma_semaphore, #tpu.memory_space<semaphore_mem>>) src(%dma_wait3A_1080 : memref<4000xf32, #tpu.memory_space<vmem>>) dst(%dma_wait3A_1087 : memref<64000xf32, #tpu.memory_space<vmem_shared>>)
      %dma_wait3A_1088 = arith.constant 1 : i32
      %dma_wait3A_1089 = arith.constant 1 : i32
      %dma_wait3A_1090 = arith.constant 0 : i32
      %dma_wait3A_1091 = tpu.memref_slice %arg16[%dma_wait3A_1088, %dma_wait3A_1090] : memref<2x8000xf32, #tpu.memory_space<vmem>> -> memref<1x8000xf32, #tpu.memory_space<vmem>>
      %dma_wait3A_1092 = tpu.memref_squeeze %dma_wait3A_1091 : memref<1x8000xf32, #tpu.memory_space<vmem>> -> memref<8000xf32, #tpu.memory_space<vmem>>
      %dma_wait3A_1093 = arith.constant 0 : i32
      %dma_wait3A_1094 = tpu.memref_slice %dma_wait3A_1092[%dma_wait3A_1093] : memref<8000xf32, #tpu.memory_space<vmem>> -> memref<4000xf32, #tpu.memory_space<vmem>>
      %dma_wait3A_1095 = arith.constant 0 : i32
      %dma_wait3A_1096 = tpu.memref_slice %arg12[%dma_wait3A_1089, %dma_wait3A_1095] : memref<2x8000xi32, #tpu.memory_space<vmem>> -> memref<1x8000xi32, #tpu.memory_space<vmem>>
      %dma_wait3A_1097 = tpu.memref_squeeze %dma_wait3A_1096 : memref<1x8000xi32, #tpu.memory_space<vmem>> -> memref<8000xi32, #tpu.memory_space<vmem>>
      %dma_wait3A_1098 = arith.constant 0 : i32
      %dma_wait3A_1099 = tpu.memref_slice %dma_wait3A_1097[%dma_wait3A_1098] : memref<8000xi32, #tpu.memory_space<vmem>> -> memref<4000xi32, #tpu.memory_space<vmem>>
      %dma_wait3A_1100 = arith.constant 0 : i32
      %dma_wait3A_1101 = tpu.memref_slice %arg10[%dma_wait3A_1100] : memref<64000xf32, #tpu.memory_space<vmem_shared>> -> memref<64000xf32, #tpu.memory_space<vmem_shared>>
      tpu.wait_indirect_dma semaphore(%arg22 : memref<!tpu.dma_semaphore, #tpu.memory_space<semaphore_mem>>) src(%dma_wait3A_1094 : memref<4000xf32, #tpu.memory_space<vmem>>) dst(%dma_wait3A_1101 : memref<64000xf32, #tpu.memory_space<vmem_shared>>)
      %dma_wait3A_1102 = arith.constant 1 : i32
      %dma_wait3A_1103 = arith.constant 1 : i32
      %dma_wait3A_1104 = arith.constant 0 : i32
      %dma_wait3A_1105 = tpu.memref_slice %arg15[%dma_wait3A_1102, %dma_wait3A_1104] : memref<2x8000xf32, #tpu.memory_space<vmem>> -> memref<1x8000xf32, #tpu.memory_space<vmem>>
      %dma_wait3A_1106 = tpu.memref_squeeze %dma_wait3A_1105 : memref<1x8000xf32, #tpu.memory_space<vmem>> -> memref<8000xf32, #tpu.memory_space<vmem>>
      %dma_wait3A_1107 = arith.constant 4000 : i32
      %dma_wait3A_1108 = tpu.memref_slice %dma_wait3A_1106[%dma_wait3A_1107] : memref<8000xf32, #tpu.memory_space<vmem>> -> memref<4000xf32, #tpu.memory_space<vmem>>
      %dma_wait3A_1109 = arith.constant 0 : i32
      %dma_wait3A_1110 = tpu.memref_slice %arg12[%dma_wait3A_1103, %dma_wait3A_1109] : memref<2x8000xi32, #tpu.memory_space<vmem>> -> memref<1x8000xi32, #tpu.memory_space<vmem>>
      %dma_wait3A_1111 = tpu.memref_squeeze %dma_wait3A_1110 : memref<1x8000xi32, #tpu.memory_space<vmem>> -> memref<8000xi32, #tpu.memory_space<vmem>>
      %dma_wait3A_1112 = arith.constant 4000 : i32
      %dma_wait3A_1113 = tpu.memref_slice %dma_wait3A_1111[%dma_wait3A_1112] : memref<8000xi32, #tpu.memory_space<vmem>> -> memref<4000xi32, #tpu.memory_space<vmem>>
      %dma_wait3A_1114 = arith.constant 0 : i32
      %dma_wait3A_1115 = tpu.memref_slice %arg9[%dma_wait3A_1114] : memref<64000xf32, #tpu.memory_space<vmem_shared>> -> memref<64000xf32, #tpu.memory_space<vmem_shared>>
      tpu.wait_indirect_dma semaphore(%arg26 : memref<!tpu.dma_semaphore, #tpu.memory_space<semaphore_mem>>) src(%dma_wait3A_1108 : memref<4000xf32, #tpu.memory_space<vmem>>) dst(%dma_wait3A_1115 : memref<64000xf32, #tpu.memory_space<vmem_shared>>)
      %dma_wait3A_1116 = arith.constant 1 : i32
      %dma_wait3A_1117 = arith.constant 1 : i32
      %dma_wait3A_1118 = arith.constant 0 : i32
      %dma_wait3A_1119 = tpu.memref_slice %arg16[%dma_wait3A_1116, %dma_wait3A_1118] : memref<2x8000xf32, #tpu.memory_space<vmem>> -> memref<1x8000xf32, #tpu.memory_space<vmem>>
      %dma_wait3A_1120 = tpu.memref_squeeze %dma_wait3A_1119 : memref<1x8000xf32, #tpu.memory_space<vmem>> -> memref<8000xf32, #tpu.memory_space<vmem>>
      %dma_wait3A_1121 = arith.constant 4000 : i32
      %dma_wait3A_1122 = tpu.memref_slice %dma_wait3A_1120[%dma_wait3A_1121] : memref<8000xf32, #tpu.memory_space<vmem>> -> memref<4000xf32, #tpu.memory_space<vmem>>
      %dma_wait3A_1123 = arith.constant 0 : i32
      %dma_wait3A_1124 = tpu.memref_slice %arg12[%dma_wait3A_1117, %dma_wait3A_1123] : memref<2x8000xi32, #tpu.memory_space<vmem>> -> memref<1x8000xi32, #tpu.memory_space<vmem>>
      %dma_wait3A_1125 = tpu.memref_squeeze %dma_wait3A_1124 : memref<1x8000xi32, #tpu.memory_space<vmem>> -> memref<8000xi32, #tpu.memory_space<vmem>>
      %dma_wait3A_1126 = arith.constant 4000 : i32
      %dma_wait3A_1127 = tpu.memref_slice %dma_wait3A_1125[%dma_wait3A_1126] : memref<8000xi32, #tpu.memory_space<vmem>> -> memref<4000xi32, #tpu.memory_space<vmem>>
      %dma_wait3A_1128 = arith.constant 0 : i32
      %dma_wait3A_1129 = tpu.memref_slice %arg10[%dma_wait3A_1128] : memref<64000xf32, #tpu.memory_space<vmem_shared>> -> memref<64000xf32, #tpu.memory_space<vmem_shared>>
      tpu.wait_indirect_dma semaphore(%arg26 : memref<!tpu.dma_semaphore, #tpu.memory_space<semaphore_mem>>) src(%dma_wait3A_1122 : memref<4000xf32, #tpu.memory_space<vmem>>) dst(%dma_wait3A_1129 : memref<64000xf32, #tpu.memory_space<vmem_shared>>)
    }
    %scan3A_65 = arith.constant 3 : i32
    %dma_wait3A = arith.constant 0 : i32
    %dma_wait3A_66 = arith.constant 0 : i32
    %dma_wait3A_67 = arith.constant 0 : i32
    %dma_wait3A_68 = tpu.memref_slice %arg11[%dma_wait3A_66, %dma_wait3A_67] : memref<2x8000xi32, #tpu.memory_space<vmem>> -> memref<1x8000xi32, #tpu.memory_space<vmem>>
    %dma_wait3A_69 = tpu.memref_squeeze %dma_wait3A_68 : memref<1x8000xi32, #tpu.memory_space<vmem>> -> memref<8000xi32, #tpu.memory_space<vmem>>
    %dma_wait3A_70 = arith.constant 0 : i32
    %dma_wait3A_71 = tpu.memref_slice %arg4[%dma_wait3A, %dma_wait3A_70] : memref<2x2048000xi32, #tpu.memory_space<hbm>> -> memref<1x2048000xi32, #tpu.memory_space<hbm>>
    %dma_wait3A_72 = tpu.memref_squeeze %dma_wait3A_71 : memref<1x2048000xi32, #tpu.memory_space<hbm>> -> memref<2048000xi32, #tpu.memory_space<hbm>>
    %dma_wait3A_73 = arith.constant 0 : i32
    %dma_wait3A_74 = tpu.memref_slice %dma_wait3A_72[%dma_wait3A_73] : memref<2048000xi32, #tpu.memory_space<hbm>> -> memref<8000xi32, #tpu.memory_space<hbm>>
    %dma_wait3A_75 = arith.constant 0 : i32
    %dma_wait3A_76 = tpu.memref_slice %arg11[%dma_wait3A_66, %dma_wait3A_75] : memref<2x8000xi32, #tpu.memory_space<vmem>> -> memref<1x8000xi32, #tpu.memory_space<vmem>>
    %dma_wait3A_77 = tpu.memref_squeeze %dma_wait3A_76 : memref<1x8000xi32, #tpu.memory_space<vmem>> -> memref<8000xi32, #tpu.memory_space<vmem>>
    %dma_wait3A_78 = arith.constant 0 : i32
    %dma_wait3A_79 = tpu.memref_slice %arg4[%dma_wait3A, %dma_wait3A_78] : memref<2x2048000xi32, #tpu.memory_space<hbm>> -> memref<1x2048000xi32, #tpu.memory_space<hbm>>
    %dma_wait3A_80 = tpu.memref_squeeze %dma_wait3A_79 : memref<1x2048000xi32, #tpu.memory_space<hbm>> -> memref<2048000xi32, #tpu.memory_space<hbm>>
    %dma_wait3A_81 = arith.constant 0 : i32
    %dma_wait3A_82 = tpu.memref_slice %dma_wait3A_80[%dma_wait3A_81] : memref<2048000xi32, #tpu.memory_space<hbm>> -> memref<8000xi32, #tpu.memory_space<hbm>>
    tpu.wait_dma2 semaphore(%arg17 : memref<!tpu.dma_semaphore, #tpu.memory_space<semaphore_mem>>) src(%dma_wait3A_82 : memref<8000xi32, #tpu.memory_space<hbm>>) dst(%dma_wait3A_77 : memref<8000xi32, #tpu.memory_space<vmem>>)
    %dma_wait3A_83 = arith.constant 1 : i32
    %dma_wait3A_84 = arith.constant 0 : i32
    %dma_wait3A_85 = arith.constant 0 : i32
    %dma_wait3A_86 = tpu.memref_slice %arg12[%dma_wait3A_84, %dma_wait3A_85] : memref<2x8000xi32, #tpu.memory_space<vmem>> -> memref<1x8000xi32, #tpu.memory_space<vmem>>
    %dma_wait3A_87 = tpu.memref_squeeze %dma_wait3A_86 : memref<1x8000xi32, #tpu.memory_space<vmem>> -> memref<8000xi32, #tpu.memory_space<vmem>>
    %dma_wait3A_88 = arith.constant 0 : i32
    %dma_wait3A_89 = tpu.memref_slice %arg4[%dma_wait3A_83, %dma_wait3A_88] : memref<2x2048000xi32, #tpu.memory_space<hbm>> -> memref<1x2048000xi32, #tpu.memory_space<hbm>>
    %dma_wait3A_90 = tpu.memref_squeeze %dma_wait3A_89 : memref<1x2048000xi32, #tpu.memory_space<hbm>> -> memref<2048000xi32, #tpu.memory_space<hbm>>
    %dma_wait3A_91 = arith.constant 0 : i32
    %dma_wait3A_92 = tpu.memref_slice %dma_wait3A_90[%dma_wait3A_91] : memref<2048000xi32, #tpu.memory_space<hbm>> -> memref<8000xi32, #tpu.memory_space<hbm>>
    %dma_wait3A_93 = arith.constant 0 : i32
    %dma_wait3A_94 = tpu.memref_slice %arg12[%dma_wait3A_84, %dma_wait3A_93] : memref<2x8000xi32, #tpu.memory_space<vmem>> -> memref<1x8000xi32, #tpu.memory_space<vmem>>
    %dma_wait3A_95 = tpu.memref_squeeze %dma_wait3A_94 : memref<1x8000xi32, #tpu.memory_space<vmem>> -> memref<8000xi32, #tpu.memory_space<vmem>>
    %dma_wait3A_96 = arith.constant 0 : i32
    %dma_wait3A_97 = tpu.memref_slice %arg4[%dma_wait3A_83, %dma_wait3A_96] : memref<2x2048000xi32, #tpu.memory_space<hbm>> -> memref<1x2048000xi32, #tpu.memory_space<hbm>>
    %dma_wait3A_98 = tpu.memref_squeeze %dma_wait3A_97 : memref<1x2048000xi32, #tpu.memory_space<hbm>> -> memref<2048000xi32, #tpu.memory_space<hbm>>
    %dma_wait3A_99 = arith.constant 0 : i32
    %dma_wait3A_100 = tpu.memref_slice %dma_wait3A_98[%dma_wait3A_99] : memref<2048000xi32, #tpu.memory_space<hbm>> -> memref<8000xi32, #tpu.memory_space<hbm>>
    tpu.wait_dma2 semaphore(%arg17 : memref<!tpu.dma_semaphore, #tpu.memory_space<semaphore_mem>>) src(%dma_wait3A_100 : memref<8000xi32, #tpu.memory_space<hbm>>) dst(%dma_wait3A_95 : memref<8000xi32, #tpu.memory_space<vmem>>)
    %dma_wait3A_101 = arith.constant 0 : i32
    %dma_wait3A_102 = arith.constant 0 : i32
    %dma_wait3A_103 = tpu.memref_slice %arg13[%dma_wait3A_101, %dma_wait3A_102] : memref<2x8000xf32, #tpu.memory_space<vmem>> -> memref<1x8000xf32, #tpu.memory_space<vmem>>
    %dma_wait3A_104 = tpu.memref_squeeze %dma_wait3A_103 : memref<1x8000xf32, #tpu.memory_space<vmem>> -> memref<8000xf32, #tpu.memory_space<vmem>>
    %dma_wait3A_105 = arith.constant 0 : i32
    %dma_wait3A_106 = tpu.memref_slice %arg5[%dma_wait3A_105] : memref<2048000xf32, #tpu.memory_space<hbm>> -> memref<8000xf32, #tpu.memory_space<hbm>>
    %dma_wait3A_107 = arith.constant 0 : i32
    %dma_wait3A_108 = tpu.memref_slice %arg13[%dma_wait3A_101, %dma_wait3A_107] : memref<2x8000xf32, #tpu.memory_space<vmem>> -> memref<1x8000xf32, #tpu.memory_space<vmem>>
    %dma_wait3A_109 = tpu.memref_squeeze %dma_wait3A_108 : memref<1x8000xf32, #tpu.memory_space<vmem>> -> memref<8000xf32, #tpu.memory_space<vmem>>
    %dma_wait3A_110 = arith.constant 0 : i32
    %dma_wait3A_111 = tpu.memref_slice %arg5[%dma_wait3A_110] : memref<2048000xf32, #tpu.memory_space<hbm>> -> memref<8000xf32, #tpu.memory_space<hbm>>
    tpu.wait_dma2 semaphore(%arg17 : memref<!tpu.dma_semaphore, #tpu.memory_space<semaphore_mem>>) src(%dma_wait3A_111 : memref<8000xf32, #tpu.memory_space<hbm>>) dst(%dma_wait3A_109 : memref<8000xf32, #tpu.memory_space<vmem>>)
    %dma_start3A_112 = arith.constant 0 : i32
    %dma_start3A_113 = arith.constant 0 : i32
    %dma_start3A_114 = arith.constant 0 : i32
    %dma_start3A_115 = tpu.memref_slice %arg14[%dma_start3A_113, %dma_start3A_114] : memref<2x8000xf32, #tpu.memory_space<vmem>> -> memref<1x8000xf32, #tpu.memory_space<vmem>>
    %dma_start3A_116 = tpu.memref_squeeze %dma_start3A_115 : memref<1x8000xf32, #tpu.memory_space<vmem>> -> memref<8000xf32, #tpu.memory_space<vmem>>
    %dma_start3A_117 = arith.constant 0 : i32
    %dma_start3A_118 = tpu.memref_slice %dma_start3A_116[%dma_start3A_117] : memref<8000xf32, #tpu.memory_space<vmem>> -> memref<4000xf32, #tpu.memory_space<vmem>>
    %dma_start3A_119 = arith.constant 0 : i32
    %dma_start3A_120 = tpu.memref_slice %arg11[%dma_start3A_112, %dma_start3A_119] : memref<2x8000xi32, #tpu.memory_space<vmem>> -> memref<1x8000xi32, #tpu.memory_space<vmem>>
    %dma_start3A_121 = tpu.memref_squeeze %dma_start3A_120 : memref<1x8000xi32, #tpu.memory_space<vmem>> -> memref<8000xi32, #tpu.memory_space<vmem>>
    %dma_start3A_122 = arith.constant 0 : i32
    %dma_start3A_123 = tpu.memref_slice %dma_start3A_121[%dma_start3A_122] : memref<8000xi32, #tpu.memory_space<vmem>> -> memref<4000xi32, #tpu.memory_space<vmem>>
    %dma_start3A_124 = arith.constant 0 : i32
    %dma_start3A_125 = tpu.memref_slice %arg8[%dma_start3A_124] : memref<64000xf32, #tpu.memory_space<vmem_shared>> -> memref<64000xf32, #tpu.memory_space<vmem_shared>>
    tpu.enqueue_indirect_dma source(%dma_start3A_125 : memref<64000xf32, #tpu.memory_space<vmem_shared>>) target(%dma_start3A_118 : memref<4000xf32, #tpu.memory_space<vmem>>) offsets(%dma_start3A_123 : memref<4000xi32, #tpu.memory_space<vmem>>) semaphore(%arg19 : memref<!tpu.dma_semaphore, #tpu.memory_space<semaphore_mem>>)
    %dma_start3A_126 = arith.constant 0 : i32
    %dma_start3A_127 = arith.constant 0 : i32
    %dma_start3A_128 = arith.constant 0 : i32
    %dma_start3A_129 = tpu.memref_slice %arg14[%dma_start3A_127, %dma_start3A_128] : memref<2x8000xf32, #tpu.memory_space<vmem>> -> memref<1x8000xf32, #tpu.memory_space<vmem>>
    %dma_start3A_130 = tpu.memref_squeeze %dma_start3A_129 : memref<1x8000xf32, #tpu.memory_space<vmem>> -> memref<8000xf32, #tpu.memory_space<vmem>>
    %dma_start3A_131 = arith.constant 4000 : i32
    %dma_start3A_132 = tpu.memref_slice %dma_start3A_130[%dma_start3A_131] : memref<8000xf32, #tpu.memory_space<vmem>> -> memref<4000xf32, #tpu.memory_space<vmem>>
    %dma_start3A_133 = arith.constant 0 : i32
    %dma_start3A_134 = tpu.memref_slice %arg11[%dma_start3A_126, %dma_start3A_133] : memref<2x8000xi32, #tpu.memory_space<vmem>> -> memref<1x8000xi32, #tpu.memory_space<vmem>>
    %dma_start3A_135 = tpu.memref_squeeze %dma_start3A_134 : memref<1x8000xi32, #tpu.memory_space<vmem>> -> memref<8000xi32, #tpu.memory_space<vmem>>
    %dma_start3A_136 = arith.constant 4000 : i32
    %dma_start3A_137 = tpu.memref_slice %dma_start3A_135[%dma_start3A_136] : memref<8000xi32, #tpu.memory_space<vmem>> -> memref<4000xi32, #tpu.memory_space<vmem>>
    %dma_start3A_138 = arith.constant 0 : i32
    %dma_start3A_139 = tpu.memref_slice %arg8[%dma_start3A_138] : memref<64000xf32, #tpu.memory_space<vmem_shared>> -> memref<64000xf32, #tpu.memory_space<vmem_shared>>
    tpu.enqueue_indirect_dma source(%dma_start3A_139 : memref<64000xf32, #tpu.memory_space<vmem_shared>>) target(%dma_start3A_132 : memref<4000xf32, #tpu.memory_space<vmem>>) offsets(%dma_start3A_137 : memref<4000xi32, #tpu.memory_space<vmem>>) semaphore(%arg23 : memref<!tpu.dma_semaphore, #tpu.memory_space<semaphore_mem>>)
    %mul3A_140 = arith.constant 64000 : i32
    %mul3A_141 = arith.muli %add3A, %mul3A_140 : i32
    %add3A_142 = arith.constant 56000 : i32
    %add3A_143 = arith.addi %mul3A_141, %add3A_142 : i32
    %dma_start3A_144 = arith.constant 0 : i32
    %dma_start3A_145 = arith.constant 1 : i32
    %dma_start3A_146 = arith.constant 0 : i32
    %dma_start3A_147 = tpu.memref_slice %arg11[%dma_start3A_145, %dma_start3A_146] : memref<2x8000xi32, #tpu.memory_space<vmem>> -> memref<1x8000xi32, #tpu.memory_space<vmem>>
    %dma_start3A_148 = tpu.memref_squeeze %dma_start3A_147 : memref<1x8000xi32, #tpu.memory_space<vmem>> -> memref<8000xi32, #tpu.memory_space<vmem>>
    %dma_start3A_149 = arith.constant 0 : i32
    %dma_start3A_150 = tpu.memref_slice %arg4[%dma_start3A_144, %dma_start3A_149] : memref<2x2048000xi32, #tpu.memory_space<hbm>> -> memref<1x2048000xi32, #tpu.memory_space<hbm>>
    %dma_start3A_151 = tpu.memref_squeeze %dma_start3A_150 : memref<1x2048000xi32, #tpu.memory_space<hbm>> -> memref<2048000xi32, #tpu.memory_space<hbm>>
    %dma_start3A_152 = tpu.memref_slice %dma_start3A_151[%add3A_143] : memref<2048000xi32, #tpu.memory_space<hbm>> -> memref<8000xi32, #tpu.memory_space<hbm>>
    %dma_start3A_153 = arith.constant 0 : i32
    %dma_start3A_154 = tpu.memref_slice %arg11[%dma_start3A_145, %dma_start3A_153] : memref<2x8000xi32, #tpu.memory_space<vmem>> -> memref<1x8000xi32, #tpu.memory_space<vmem>>
    %dma_start3A_155 = tpu.memref_squeeze %dma_start3A_154 : memref<1x8000xi32, #tpu.memory_space<vmem>> -> memref<8000xi32, #tpu.memory_space<vmem>>
    %dma_start3A_156 = arith.constant 0 : i32
    %dma_start3A_157 = tpu.memref_slice %arg4[%dma_start3A_144, %dma_start3A_156] : memref<2x2048000xi32, #tpu.memory_space<hbm>> -> memref<1x2048000xi32, #tpu.memory_space<hbm>>
    %dma_start3A_158 = tpu.memref_squeeze %dma_start3A_157 : memref<1x2048000xi32, #tpu.memory_space<hbm>> -> memref<2048000xi32, #tpu.memory_space<hbm>>
    %dma_start3A_159 = tpu.memref_slice %dma_start3A_158[%add3A_143] : memref<2048000xi32, #tpu.memory_space<hbm>> -> memref<8000xi32, #tpu.memory_space<hbm>>
    tpu.enqueue_dma source(%dma_start3A_159 : memref<8000xi32, #tpu.memory_space<hbm>>) target(%dma_start3A_155 : memref<8000xi32, #tpu.memory_space<vmem>>) target_semaphore(%arg18 : memref<!tpu.dma_semaphore, #tpu.memory_space<semaphore_mem>>)
    %dma_start3A_160 = arith.constant 1 : i32
    %dma_start3A_161 = arith.constant 1 : i32
    %dma_start3A_162 = arith.constant 0 : i32
    %dma_start3A_163 = tpu.memref_slice %arg12[%dma_start3A_161, %dma_start3A_162] : memref<2x8000xi32, #tpu.memory_space<vmem>> -> memref<1x8000xi32, #tpu.memory_space<vmem>>
    %dma_start3A_164 = tpu.memref_squeeze %dma_start3A_163 : memref<1x8000xi32, #tpu.memory_space<vmem>> -> memref<8000xi32, #tpu.memory_space<vmem>>
    %dma_start3A_165 = arith.constant 0 : i32
    %dma_start3A_166 = tpu.memref_slice %arg4[%dma_start3A_160, %dma_start3A_165] : memref<2x2048000xi32, #tpu.memory_space<hbm>> -> memref<1x2048000xi32, #tpu.memory_space<hbm>>
    %dma_start3A_167 = tpu.memref_squeeze %dma_start3A_166 : memref<1x2048000xi32, #tpu.memory_space<hbm>> -> memref<2048000xi32, #tpu.memory_space<hbm>>
    %dma_start3A_168 = tpu.memref_slice %dma_start3A_167[%add3A_143] : memref<2048000xi32, #tpu.memory_space<hbm>> -> memref<8000xi32, #tpu.memory_space<hbm>>
    %dma_start3A_169 = arith.constant 0 : i32
    %dma_start3A_170 = tpu.memref_slice %arg12[%dma_start3A_161, %dma_start3A_169] : memref<2x8000xi32, #tpu.memory_space<vmem>> -> memref<1x8000xi32, #tpu.memory_space<vmem>>
    %dma_start3A_171 = tpu.memref_squeeze %dma_start3A_170 : memref<1x8000xi32, #tpu.memory_space<vmem>> -> memref<8000xi32, #tpu.memory_space<vmem>>
    %dma_start3A_172 = arith.constant 0 : i32
    %dma_start3A_173 = tpu.memref_slice %arg4[%dma_start3A_160, %dma_start3A_172] : memref<2x2048000xi32, #tpu.memory_space<hbm>> -> memref<1x2048000xi32, #tpu.memory_space<hbm>>
    %dma_start3A_174 = tpu.memref_squeeze %dma_start3A_173 : memref<1x2048000xi32, #tpu.memory_space<hbm>> -> memref<2048000xi32, #tpu.memory_space<hbm>>
    %dma_start3A_175 = tpu.memref_slice %dma_start3A_174[%add3A_143] : memref<2048000xi32, #tpu.memory_space<hbm>> -> memref<8000xi32, #tpu.memory_space<hbm>>
    tpu.enqueue_dma source(%dma_start3A_175 : memref<8000xi32, #tpu.memory_space<hbm>>) target(%dma_start3A_171 : memref<8000xi32, #tpu.memory_space<vmem>>) target_semaphore(%arg18 : memref<!tpu.dma_semaphore, #tpu.memory_space<semaphore_mem>>)
    %dma_start3A_176 = arith.constant 1 : i32
    %dma_start3A_177 = arith.constant 0 : i32
    %dma_start3A_178 = tpu.memref_slice %arg13[%dma_start3A_176, %dma_start3A_177] : memref<2x8000xf32, #tpu.memory_space<vmem>> -> memref<1x8000xf32, #tpu.memory_space<vmem>>
    %dma_start3A_179 = tpu.memref_squeeze %dma_start3A_178 : memref<1x8000xf32, #tpu.memory_space<vmem>> -> memref<8000xf32, #tpu.memory_space<vmem>>
    %dma_start3A_180 = tpu.memref_slice %arg5[%add3A_143] : memref<2048000xf32, #tpu.memory_space<hbm>> -> memref<8000xf32, #tpu.memory_space<hbm>>
    %dma_start3A_181 = arith.constant 0 : i32
    %dma_start3A_182 = tpu.memref_slice %arg13[%dma_start3A_176, %dma_start3A_181] : memref<2x8000xf32, #tpu.memory_space<vmem>> -> memref<1x8000xf32, #tpu.memory_space<vmem>>
    %dma_start3A_183 = tpu.memref_squeeze %dma_start3A_182 : memref<1x8000xf32, #tpu.memory_space<vmem>> -> memref<8000xf32, #tpu.memory_space<vmem>>
    %dma_start3A_184 = tpu.memref_slice %arg5[%add3A_143] : memref<2048000xf32, #tpu.memory_space<hbm>> -> memref<8000xf32, #tpu.memory_space<hbm>>
    tpu.enqueue_dma source(%dma_start3A_184 : memref<8000xf32, #tpu.memory_space<hbm>>) target(%dma_start3A_183 : memref<8000xf32, #tpu.memory_space<vmem>>) target_semaphore(%arg18 : memref<!tpu.dma_semaphore, #tpu.memory_space<semaphore_mem>>)
    %dma_wait3A_185 = arith.constant 0 : i32
    %dma_wait3A_186 = arith.constant 0 : i32
    %dma_wait3A_187 = arith.constant 0 : i32
    %dma_wait3A_188 = tpu.memref_slice %arg14[%dma_wait3A_186, %dma_wait3A_187] : memref<2x8000xf32, #tpu.memory_space<vmem>> -> memref<1x8000xf32, #tpu.memory_space<vmem>>
    %dma_wait3A_189 = tpu.memref_squeeze %dma_wait3A_188 : memref<1x8000xf32, #tpu.memory_space<vmem>> -> memref<8000xf32, #tpu.memory_space<vmem>>
    %dma_wait3A_190 = arith.constant 0 : i32
    %dma_wait3A_191 = tpu.memref_slice %dma_wait3A_189[%dma_wait3A_190] : memref<8000xf32, #tpu.memory_space<vmem>> -> memref<4000xf32, #tpu.memory_space<vmem>>
    %dma_wait3A_192 = arith.constant 0 : i32
    %dma_wait3A_193 = tpu.memref_slice %arg11[%dma_wait3A_185, %dma_wait3A_192] : memref<2x8000xi32, #tpu.memory_space<vmem>> -> memref<1x8000xi32, #tpu.memory_space<vmem>>
    %dma_wait3A_194 = tpu.memref_squeeze %dma_wait3A_193 : memref<1x8000xi32, #tpu.memory_space<vmem>> -> memref<8000xi32, #tpu.memory_space<vmem>>
    %dma_wait3A_195 = arith.constant 0 : i32
    %dma_wait3A_196 = tpu.memref_slice %dma_wait3A_194[%dma_wait3A_195] : memref<8000xi32, #tpu.memory_space<vmem>> -> memref<4000xi32, #tpu.memory_space<vmem>>
    %dma_wait3A_197 = arith.constant 0 : i32
    %dma_wait3A_198 = tpu.memref_slice %arg8[%dma_wait3A_197] : memref<64000xf32, #tpu.memory_space<vmem_shared>> -> memref<64000xf32, #tpu.memory_space<vmem_shared>>
    tpu.wait_indirect_dma semaphore(%arg19 : memref<!tpu.dma_semaphore, #tpu.memory_space<semaphore_mem>>) src(%dma_wait3A_198 : memref<64000xf32, #tpu.memory_space<vmem_shared>>) dst(%dma_wait3A_191 : memref<4000xf32, #tpu.memory_space<vmem>>)
    %scan3A_199 = arith.constant 0 : i32
    %scan3A_200 = arith.constant 0 : i32
    %scan3A_201 = arith.constant 250 : i32
    %scan3A_202 = arith.addi %scan3A_200, %scan3A_201 : i32
    %scan3A_203 = arith.constant 1 : i32
    scf.for %scan3A_575 = %scan3A_200 to %scan3A_202 step %scan3A_203  : i32 {
      %mul3A_576 = arith.constant 16 : i32
      %mul3A_577 = arith.muli %scan3A_575, %mul3A_576 : i32
      %add3A_578 = arith.constant 0 : i32
      %add3A_579 = arith.addi %add3A_578, %mul3A_577 : i32
      %get3A = arith.constant 0 : i32
      %get3A_580 = arith.constant 0 : i32
      %get3A_581 = tpu.memref_slice %arg14[%get3A, %get3A_580] : memref<2x8000xf32, #tpu.memory_space<vmem>> -> memref<1x8000xf32, #tpu.memory_space<vmem>>
      %get3A_582 = tpu.memref_squeeze %get3A_581 : memref<1x8000xf32, #tpu.memory_space<vmem>> -> memref<8000xf32, #tpu.memory_space<vmem>>
      %get3A_583 = arith.index_cast %add3A_579 : i32 to index
      %get3A_584 = tpu.vector_load %get3A_582[%get3A_583] {strides = array<i32>} : memref<8000xf32, #tpu.memory_space<vmem>>, vector<16xf32>,
      %bitcast3A = vector.bitcast %get3A_584 : vector<16xf32> to vector<32xbf16>
      %unpack3A = tpu.unpack_subelements %bitcast3A, 0 {pack_format = #tpu.pack_format<interleaved>} : vector<32xbf16> -> vector<16xf32>
      %unpack3A_585 = tpu.unpack_subelements %bitcast3A, 1 {pack_format = #tpu.pack_format<interleaved>} : vector<32xbf16> -> vector<16xf32>
      %get3A_586 = arith.constant 0 : i32
      %get3A_587 = arith.constant 0 : i32
      %get3A_588 = tpu.memref_slice %arg13[%get3A_586, %get3A_587] : memref<2x8000xf32, #tpu.memory_space<vmem>> -> memref<1x8000xf32, #tpu.memory_space<vmem>>
      %get3A_589 = tpu.memref_squeeze %get3A_588 : memref<1x8000xf32, #tpu.memory_space<vmem>> -> memref<8000xf32, #tpu.memory_space<vmem>>
      %get3A_590 = arith.index_cast %add3A_579 : i32 to index
      %get3A_591 = tpu.vector_load %get3A_589[%get3A_590] {strides = array<i32>} : memref<8000xf32, #tpu.memory_space<vmem>>, vector<16xf32>,
      %mul3A_592 = arith.mulf %unpack3A, %get3A_591 : vector<16xf32>
      %swap3A = arith.constant 0 : i32
      %swap3A_593 = arith.constant 0 : i32
      %swap3A_594 = tpu.memref_slice %arg15[%swap3A, %swap3A_593] : memref<2x8000xf32, #tpu.memory_space<vmem>> -> memref<1x8000xf32, #tpu.memory_space<vmem>>
      %swap3A_595 = tpu.memref_squeeze %swap3A_594 : memref<1x8000xf32, #tpu.memory_space<vmem>> -> memref<8000xf32, #tpu.memory_space<vmem>>
      %swap3A_596 = arith.index_cast %add3A_579 : i32 to index
      %swap3A_597 = tpu.vector_load %swap3A_595[%swap3A_596] {strides = array<i32>} : memref<8000xf32, #tpu.memory_space<vmem>>, vector<16xf32>,
      tpu.vector_store %swap3A_595[%swap3A_596], %mul3A_592 {strides = array<i32>} : memref<8000xf32, #tpu.memory_space<vmem>>, vector<16xf32>,
      %mul3A_598 = arith.mulf %unpack3A_585, %get3A_591 : vector<16xf32>
      %swap3A_599 = arith.constant 0 : i32
      %swap3A_600 = arith.constant 0 : i32
      %swap3A_601 = tpu.memref_slice %arg16[%swap3A_599, %swap3A_600] : memref<2x8000xf32, #tpu.memory_space<vmem>> -> memref<1x8000xf32, #tpu.memory_space<vmem>>
      %swap3A_602 = tpu.memref_squeeze %swap3A_601 : memref<1x8000xf32, #tpu.memory_space<vmem>> -> memref<8000xf32, #tpu.memory_space<vmem>>
      %swap3A_603 = arith.index_cast %add3A_579 : i32 to index
      %swap3A_604 = tpu.vector_load %swap3A_602[%swap3A_603] {strides = array<i32>} : memref<8000xf32, #tpu.memory_space<vmem>>, vector<16xf32>,
      tpu.vector_store %swap3A_602[%swap3A_603], %mul3A_598 {strides = array<i32>} : memref<8000xf32, #tpu.memory_space<vmem>>, vector<16xf32>,
    }
    %scan3A_204 = arith.constant 250 : i32
    %dma_start3A_205 = arith.constant 0 : i32
    %dma_start3A_206 = arith.constant 0 : i32
    %dma_start3A_207 = arith.constant 0 : i32
    %dma_start3A_208 = tpu.memref_slice %arg15[%dma_start3A_205, %dma_start3A_207] : memref<2x8000xf32, #tpu.memory_space<vmem>> -> memref<1x8000xf32, #tpu.memory_space<vmem>>
    %dma_start3A_209 = tpu.memref_squeeze %dma_start3A_208 : memref<1x8000xf32, #tpu.memory_space<vmem>> -> memref<8000xf32, #tpu.memory_space<vmem>>
    %dma_start3A_210 = arith.constant 0 : i32
    %dma_start3A_211 = tpu.memref_slice %dma_start3A_209[%dma_start3A_210] : memref<8000xf32, #tpu.memory_space<vmem>> -> memref<4000xf32, #tpu.memory_space<vmem>>
    %dma_start3A_212 = arith.constant 0 : i32
    %dma_start3A_213 = tpu.memref_slice %arg12[%dma_start3A_206, %dma_start3A_212] : memref<2x8000xi32, #tpu.memory_space<vmem>> -> memref<1x8000xi32, #tpu.memory_space<vmem>>
    %dma_start3A_214 = tpu.memref_squeeze %dma_start3A_213 : memref<1x8000xi32, #tpu.memory_space<vmem>> -> memref<8000xi32, #tpu.memory_space<vmem>>
    %dma_start3A_215 = arith.constant 0 : i32
    %dma_start3A_216 = tpu.memref_slice %dma_start3A_214[%dma_start3A_215] : memref<8000xi32, #tpu.memory_space<vmem>> -> memref<4000xi32, #tpu.memory_space<vmem>>
    %dma_start3A_217 = arith.constant 0 : i32
    %dma_start3A_218 = tpu.memref_slice %arg9[%dma_start3A_217] : memref<64000xf32, #tpu.memory_space<vmem_shared>> -> memref<64000xf32, #tpu.memory_space<vmem_shared>>
    tpu.enqueue_indirect_dma source(%dma_start3A_211 : memref<4000xf32, #tpu.memory_space<vmem>>) target(%dma_start3A_218 : memref<64000xf32, #tpu.memory_space<vmem_shared>>) offsets(%dma_start3A_216 : memref<4000xi32, #tpu.memory_space<vmem>>) semaphore(%arg21 : memref<!tpu.dma_semaphore, #tpu.memory_space<semaphore_mem>>) {add = true}
    %dma_start3A_219 = arith.constant 0 : i32
    %dma_start3A_220 = arith.constant 0 : i32
    %dma_start3A_221 = arith.constant 0 : i32
    %dma_start3A_222 = tpu.memref_slice %arg16[%dma_start3A_219, %dma_start3A_221] : memref<2x8000xf32, #tpu.memory_space<vmem>> -> memref<1x8000xf32, #tpu.memory_space<vmem>>
    %dma_start3A_223 = tpu.memref_squeeze %dma_start3A_222 : memref<1x8000xf32, #tpu.memory_space<vmem>> -> memref<8000xf32, #tpu.memory_space<vmem>>
    %dma_start3A_224 = arith.constant 0 : i32
    %dma_start3A_225 = tpu.memref_slice %dma_start3A_223[%dma_start3A_224] : memref<8000xf32, #tpu.memory_space<vmem>> -> memref<4000xf32, #tpu.memory_space<vmem>>
    %dma_start3A_226 = arith.constant 0 : i32
    %dma_start3A_227 = tpu.memref_slice %arg12[%dma_start3A_220, %dma_start3A_226] : memref<2x8000xi32, #tpu.memory_space<vmem>> -> memref<1x8000xi32, #tpu.memory_space<vmem>>
    %dma_start3A_228 = tpu.memref_squeeze %dma_start3A_227 : memref<1x8000xi32, #tpu.memory_space<vmem>> -> memref<8000xi32, #tpu.memory_space<vmem>>
    %dma_start3A_229 = arith.constant 0 : i32
    %dma_start3A_230 = tpu.memref_slice %dma_start3A_228[%dma_start3A_229] : memref<8000xi32, #tpu.memory_space<vmem>> -> memref<4000xi32, #tpu.memory_space<vmem>>
    %dma_start3A_231 = arith.constant 0 : i32
    %dma_start3A_232 = tpu.memref_slice %arg10[%dma_start3A_231] : memref<64000xf32, #tpu.memory_space<vmem_shared>> -> memref<64000xf32, #tpu.memory_space<vmem_shared>>
    tpu.enqueue_indirect_dma source(%dma_start3A_225 : memref<4000xf32, #tpu.memory_space<vmem>>) target(%dma_start3A_232 : memref<64000xf32, #tpu.memory_space<vmem_shared>>) offsets(%dma_start3A_230 : memref<4000xi32, #tpu.memory_space<vmem>>) semaphore(%arg21 : memref<!tpu.dma_semaphore, #tpu.memory_space<semaphore_mem>>) {add = true}
    %dma_wait3A_233 = arith.constant 0 : i32
    %dma_wait3A_234 = arith.constant 0 : i32
    %dma_wait3A_235 = arith.constant 0 : i32
    %dma_wait3A_236 = tpu.memref_slice %arg14[%dma_wait3A_234, %dma_wait3A_235] : memref<2x8000xf32, #tpu.memory_space<vmem>> -> memref<1x8000xf32, #tpu.memory_space<vmem>>
    %dma_wait3A_237 = tpu.memref_squeeze %dma_wait3A_236 : memref<1x8000xf32, #tpu.memory_space<vmem>> -> memref<8000xf32, #tpu.memory_space<vmem>>
    %dma_wait3A_238 = arith.constant 4000 : i32
    %dma_wait3A_239 = tpu.memref_slice %dma_wait3A_237[%dma_wait3A_238] : memref<8000xf32, #tpu.memory_space<vmem>> -> memref<4000xf32, #tpu.memory_space<vmem>>
    %dma_wait3A_240 = arith.constant 0 : i32
    %dma_wait3A_241 = tpu.memref_slice %arg11[%dma_wait3A_233, %dma_wait3A_240] : memref<2x8000xi32, #tpu.memory_space<vmem>> -> memref<1x8000xi32, #tpu.memory_space<vmem>>
    %dma_wait3A_242 = tpu.memref_squeeze %dma_wait3A_241 : memref<1x8000xi32, #tpu.memory_space<vmem>> -> memref<8000xi32, #tpu.memory_space<vmem>>
    %dma_wait3A_243 = arith.constant 4000 : i32
    %dma_wait3A_244 = tpu.memref_slice %dma_wait3A_242[%dma_wait3A_243] : memref<8000xi32, #tpu.memory_space<vmem>> -> memref<4000xi32, #tpu.memory_space<vmem>>
    %dma_wait3A_245 = arith.constant 0 : i32
    %dma_wait3A_246 = tpu.memref_slice %arg8[%dma_wait3A_245] : memref<64000xf32, #tpu.memory_space<vmem_shared>> -> memref<64000xf32, #tpu.memory_space<vmem_shared>>
    tpu.wait_indirect_dma semaphore(%arg23 : memref<!tpu.dma_semaphore, #tpu.memory_space<semaphore_mem>>) src(%dma_wait3A_246 : memref<64000xf32, #tpu.memory_space<vmem_shared>>) dst(%dma_wait3A_239 : memref<4000xf32, #tpu.memory_space<vmem>>)
    %scan3A_247 = arith.constant 0 : i32
    %scan3A_248 = arith.constant 0 : i32
    %scan3A_249 = arith.constant 250 : i32
    %scan3A_250 = arith.addi %scan3A_248, %scan3A_249 : i32
    %scan3A_251 = arith.constant 1 : i32
    scf.for %scan3A_575 = %scan3A_248 to %scan3A_250 step %scan3A_251  : i32 {
      %mul3A_576 = arith.constant 16 : i32
      %mul3A_577 = arith.muli %scan3A_575, %mul3A_576 : i32
      %add3A_578 = arith.constant 4000 : i32
      %add3A_579 = arith.addi %add3A_578, %mul3A_577 : i32
      %get3A = arith.constant 0 : i32
      %get3A_580 = arith.constant 0 : i32
      %get3A_581 = tpu.memref_slice %arg14[%get3A, %get3A_580] : memref<2x8000xf32, #tpu.memory_space<vmem>> -> memref<1x8000xf32, #tpu.memory_space<vmem>>
      %get3A_582 = tpu.memref_squeeze %get3A_581 : memref<1x8000xf32, #tpu.memory_space<vmem>> -> memref<8000xf32, #tpu.memory_space<vmem>>
      %get3A_583 = arith.index_cast %add3A_579 : i32 to index
      %get3A_584 = tpu.vector_load %get3A_582[%get3A_583] {strides = array<i32>} : memref<8000xf32, #tpu.memory_space<vmem>>, vector<16xf32>,
      %bitcast3A = vector.bitcast %get3A_584 : vector<16xf32> to vector<32xbf16>
      %unpack3A = tpu.unpack_subelements %bitcast3A, 0 {pack_format = #tpu.pack_format<interleaved>} : vector<32xbf16> -> vector<16xf32>
      %unpack3A_585 = tpu.unpack_subelements %bitcast3A, 1 {pack_format = #tpu.pack_format<interleaved>} : vector<32xbf16> -> vector<16xf32>
      %get3A_586 = arith.constant 0 : i32
      %get3A_587 = arith.constant 0 : i32
      %get3A_588 = tpu.memref_slice %arg13[%get3A_586, %get3A_587] : memref<2x8000xf32, #tpu.memory_space<vmem>> -> memref<1x8000xf32, #tpu.memory_space<vmem>>
      %get3A_589 = tpu.memref_squeeze %get3A_588 : memref<1x8000xf32, #tpu.memory_space<vmem>> -> memref<8000xf32, #tpu.memory_space<vmem>>
      %get3A_590 = arith.index_cast %add3A_579 : i32 to index
      %get3A_591 = tpu.vector_load %get3A_589[%get3A_590] {strides = array<i32>} : memref<8000xf32, #tpu.memory_space<vmem>>, vector<16xf32>,
      %mul3A_592 = arith.mulf %unpack3A, %get3A_591 : vector<16xf32>
      %swap3A = arith.constant 0 : i32
      %swap3A_593 = arith.constant 0 : i32
      %swap3A_594 = tpu.memref_slice %arg15[%swap3A, %swap3A_593] : memref<2x8000xf32, #tpu.memory_space<vmem>> -> memref<1x8000xf32, #tpu.memory_space<vmem>>
      %swap3A_595 = tpu.memref_squeeze %swap3A_594 : memref<1x8000xf32, #tpu.memory_space<vmem>> -> memref<8000xf32, #tpu.memory_space<vmem>>
      %swap3A_596 = arith.index_cast %add3A_579 : i32 to index
      %swap3A_597 = tpu.vector_load %swap3A_595[%swap3A_596] {strides = array<i32>} : memref<8000xf32, #tpu.memory_space<vmem>>, vector<16xf32>,
      tpu.vector_store %swap3A_595[%swap3A_596], %mul3A_592 {strides = array<i32>} : memref<8000xf32, #tpu.memory_space<vmem>>, vector<16xf32>,
      %mul3A_598 = arith.mulf %unpack3A_585, %get3A_591 : vector<16xf32>
      %swap3A_599 = arith.constant 0 : i32
      %swap3A_600 = arith.constant 0 : i32
      %swap3A_601 = tpu.memref_slice %arg16[%swap3A_599, %swap3A_600] : memref<2x8000xf32, #tpu.memory_space<vmem>> -> memref<1x8000xf32, #tpu.memory_space<vmem>>
      %swap3A_602 = tpu.memref_squeeze %swap3A_601 : memref<1x8000xf32, #tpu.memory_space<vmem>> -> memref<8000xf32, #tpu.memory_space<vmem>>
      %swap3A_603 = arith.index_cast %add3A_579 : i32 to index
      %swap3A_604 = tpu.vector_load %swap3A_602[%swap3A_603] {strides = array<i32>} : memref<8000xf32, #tpu.memory_space<vmem>>, vector<16xf32>,
      tpu.vector_store %swap3A_602[%swap3A_603], %mul3A_598 {strides = array<i32>} : memref<8000xf32, #tpu.memory_space<vmem>>, vector<16xf32>,
    }
    %scan3A_252 = arith.constant 250 : i32
    %dma_start3A_253 = arith.constant 0 : i32
    %dma_start3A_254 = arith.constant 0 : i32
    %dma_start3A_255 = arith.constant 0 : i32
    %dma_start3A_256 = tpu.memref_slice %arg15[%dma_start3A_253, %dma_start3A_255] : memref<2x8000xf32, #tpu.memory_space<vmem>> -> memref<1x8000xf32, #tpu.memory_space<vmem>>
    %dma_start3A_257 = tpu.memref_squeeze %dma_start3A_256 : memref<1x8000xf32, #tpu.memory_space<vmem>> -> memref<8000xf32, #tpu.memory_space<vmem>>
    %dma_start3A_258 = arith.constant 4000 : i32
    %dma_start3A_259 = tpu.memref_slice %dma_start3A_257[%dma_start3A_258] : memref<8000xf32, #tpu.memory_space<vmem>> -> memref<4000xf32, #tpu.memory_space<vmem>>
    %dma_start3A_260 = arith.constant 0 : i32
    %dma_start3A_261 = tpu.memref_slice %arg12[%dma_start3A_254, %dma_start3A_260] : memref<2x8000xi32, #tpu.memory_space<vmem>> -> memref<1x8000xi32, #tpu.memory_space<vmem>>
    %dma_start3A_262 = tpu.memref_squeeze %dma_start3A_261 : memref<1x8000xi32, #tpu.memory_space<vmem>> -> memref<8000xi32, #tpu.memory_space<vmem>>
    %dma_start3A_263 = arith.constant 4000 : i32
    %dma_start3A_264 = tpu.memref_slice %dma_start3A_262[%dma_start3A_263] : memref<8000xi32, #tpu.memory_space<vmem>> -> memref<4000xi32, #tpu.memory_space<vmem>>
    %dma_start3A_265 = arith.constant 0 : i32
    %dma_start3A_266 = tpu.memref_slice %arg9[%dma_start3A_265] : memref<64000xf32, #tpu.memory_space<vmem_shared>> -> memref<64000xf32, #tpu.memory_space<vmem_shared>>
    tpu.enqueue_indirect_dma source(%dma_start3A_259 : memref<4000xf32, #tpu.memory_space<vmem>>) target(%dma_start3A_266 : memref<64000xf32, #tpu.memory_space<vmem_shared>>) offsets(%dma_start3A_264 : memref<4000xi32, #tpu.memory_space<vmem>>) semaphore(%arg25 : memref<!tpu.dma_semaphore, #tpu.memory_space<semaphore_mem>>) {add = true}
    %dma_start3A_267 = arith.constant 0 : i32
    %dma_start3A_268 = arith.constant 0 : i32
    %dma_start3A_269 = arith.constant 0 : i32
    %dma_start3A_270 = tpu.memref_slice %arg16[%dma_start3A_267, %dma_start3A_269] : memref<2x8000xf32, #tpu.memory_space<vmem>> -> memref<1x8000xf32, #tpu.memory_space<vmem>>
    %dma_start3A_271 = tpu.memref_squeeze %dma_start3A_270 : memref<1x8000xf32, #tpu.memory_space<vmem>> -> memref<8000xf32, #tpu.memory_space<vmem>>
    %dma_start3A_272 = arith.constant 4000 : i32
    %dma_start3A_273 = tpu.memref_slice %dma_start3A_271[%dma_start3A_272] : memref<8000xf32, #tpu.memory_space<vmem>> -> memref<4000xf32, #tpu.memory_space<vmem>>
    %dma_start3A_274 = arith.constant 0 : i32
    %dma_start3A_275 = tpu.memref_slice %arg12[%dma_start3A_268, %dma_start3A_274] : memref<2x8000xi32, #tpu.memory_space<vmem>> -> memref<1x8000xi32, #tpu.memory_space<vmem>>
    %dma_start3A_276 = tpu.memref_squeeze %dma_start3A_275 : memref<1x8000xi32, #tpu.memory_space<vmem>> -> memref<8000xi32, #tpu.memory_space<vmem>>
    %dma_start3A_277 = arith.constant 4000 : i32
    %dma_start3A_278 = tpu.memref_slice %dma_start3A_276[%dma_start3A_277] : memref<8000xi32, #tpu.memory_space<vmem>> -> memref<4000xi32, #tpu.memory_space<vmem>>
    %dma_start3A_279 = arith.constant 0 : i32
    %dma_start3A_280 = tpu.memref_slice %arg10[%dma_start3A_279] : memref<64000xf32, #tpu.memory_space<vmem_shared>> -> memref<64000xf32, #tpu.memory_space<vmem_shared>>
    tpu.enqueue_indirect_dma source(%dma_start3A_273 : memref<4000xf32, #tpu.memory_space<vmem>>) target(%dma_start3A_280 : memref<64000xf32, #tpu.memory_space<vmem_shared>>) offsets(%dma_start3A_278 : memref<4000xi32, #tpu.memory_space<vmem>>) semaphore(%arg25 : memref<!tpu.dma_semaphore, #tpu.memory_space<semaphore_mem>>) {add = true}
    %dma_wait3A_281 = arith.constant 0 : i32
    %dma_wait3A_282 = arith.constant 0 : i32
    %dma_wait3A_283 = arith.constant 0 : i32
    %dma_wait3A_284 = tpu.memref_slice %arg15[%dma_wait3A_281, %dma_wait3A_283] : memref<2x8000xf32, #tpu.memory_space<vmem>> -> memref<1x8000xf32, #tpu.memory_space<vmem>>
    %dma_wait3A_285 = tpu.memref_squeeze %dma_wait3A_284 : memref<1x8000xf32, #tpu.memory_space<vmem>> -> memref<8000xf32, #tpu.memory_space<vmem>>
    %dma_wait3A_286 = arith.constant 0 : i32
    %dma_wait3A_287 = tpu.memref_slice %dma_wait3A_285[%dma_wait3A_286] : memref<8000xf32, #tpu.memory_space<vmem>> -> memref<4000xf32, #tpu.memory_space<vmem>>
    %dma_wait3A_288 = arith.constant 0 : i32
    %dma_wait3A_289 = tpu.memref_slice %arg12[%dma_wait3A_282, %dma_wait3A_288] : memref<2x8000xi32, #tpu.memory_space<vmem>> -> memref<1x8000xi32, #tpu.memory_space<vmem>>
    %dma_wait3A_290 = tpu.memref_squeeze %dma_wait3A_289 : memref<1x8000xi32, #tpu.memory_space<vmem>> -> memref<8000xi32, #tpu.memory_space<vmem>>
    %dma_wait3A_291 = arith.constant 0 : i32
    %dma_wait3A_292 = tpu.memref_slice %dma_wait3A_290[%dma_wait3A_291] : memref<8000xi32, #tpu.memory_space<vmem>> -> memref<4000xi32, #tpu.memory_space<vmem>>
    %dma_wait3A_293 = arith.constant 0 : i32
    %dma_wait3A_294 = tpu.memref_slice %arg9[%dma_wait3A_293] : memref<64000xf32, #tpu.memory_space<vmem_shared>> -> memref<64000xf32, #tpu.memory_space<vmem_shared>>
    tpu.wait_indirect_dma semaphore(%arg21 : memref<!tpu.dma_semaphore, #tpu.memory_space<semaphore_mem>>) src(%dma_wait3A_287 : memref<4000xf32, #tpu.memory_space<vmem>>) dst(%dma_wait3A_294 : memref<64000xf32, #tpu.memory_space<vmem_shared>>)
    %dma_wait3A_295 = arith.constant 0 : i32
    %dma_wait3A_296 = arith.constant 0 : i32
    %dma_wait3A_297 = arith.constant 0 : i32
    %dma_wait3A_298 = tpu.memref_slice %arg16[%dma_wait3A_295, %dma_wait3A_297] : memref<2x8000xf32, #tpu.memory_space<vmem>> -> memref<1x8000xf32, #tpu.memory_space<vmem>>
    %dma_wait3A_299 = tpu.memref_squeeze %dma_wait3A_298 : memref<1x8000xf32, #tpu.memory_space<vmem>> -> memref<8000xf32, #tpu.memory_space<vmem>>
    %dma_wait3A_300 = arith.constant 0 : i32
    %dma_wait3A_301 = tpu.memref_slice %dma_wait3A_299[%dma_wait3A_300] : memref<8000xf32, #tpu.memory_space<vmem>> -> memref<4000xf32, #tpu.memory_space<vmem>>
    %dma_wait3A_302 = arith.constant 0 : i32
    %dma_wait3A_303 = tpu.memref_slice %arg12[%dma_wait3A_296, %dma_wait3A_302] : memref<2x8000xi32, #tpu.memory_space<vmem>> -> memref<1x8000xi32, #tpu.memory_space<vmem>>
    %dma_wait3A_304 = tpu.memref_squeeze %dma_wait3A_303 : memref<1x8000xi32, #tpu.memory_space<vmem>> -> memref<8000xi32, #tpu.memory_space<vmem>>
    %dma_wait3A_305 = arith.constant 0 : i32
    %dma_wait3A_306 = tpu.memref_slice %dma_wait3A_304[%dma_wait3A_305] : memref<8000xi32, #tpu.memory_space<vmem>> -> memref<4000xi32, #tpu.memory_space<vmem>>
    %dma_wait3A_307 = arith.constant 0 : i32
    %dma_wait3A_308 = tpu.memref_slice %arg10[%dma_wait3A_307] : memref<64000xf32, #tpu.memory_space<vmem_shared>> -> memref<64000xf32, #tpu.memory_space<vmem_shared>>
    tpu.wait_indirect_dma semaphore(%arg21 : memref<!tpu.dma_semaphore, #tpu.memory_space<semaphore_mem>>) src(%dma_wait3A_301 : memref<4000xf32, #tpu.memory_space<vmem>>) dst(%dma_wait3A_308 : memref<64000xf32, #tpu.memory_space<vmem_shared>>)
    %dma_wait3A_309 = arith.constant 0 : i32
    %dma_wait3A_310 = arith.constant 0 : i32
    %dma_wait3A_311 = arith.constant 0 : i32
    %dma_wait3A_312 = tpu.memref_slice %arg15[%dma_wait3A_309, %dma_wait3A_311] : memref<2x8000xf32, #tpu.memory_space<vmem>> -> memref<1x8000xf32, #tpu.memory_space<vmem>>
    %dma_wait3A_313 = tpu.memref_squeeze %dma_wait3A_312 : memref<1x8000xf32, #tpu.memory_space<vmem>> -> memref<8000xf32, #tpu.memory_space<vmem>>
    %dma_wait3A_314 = arith.constant 4000 : i32
    %dma_wait3A_315 = tpu.memref_slice %dma_wait3A_313[%dma_wait3A_314] : memref<8000xf32, #tpu.memory_space<vmem>> -> memref<4000xf32, #tpu.memory_space<vmem>>
    %dma_wait3A_316 = arith.constant 0 : i32
    %dma_wait3A_317 = tpu.memref_slice %arg12[%dma_wait3A_310, %dma_wait3A_316] : memref<2x8000xi32, #tpu.memory_space<vmem>> -> memref<1x8000xi32, #tpu.memory_space<vmem>>
    %dma_wait3A_318 = tpu.memref_squeeze %dma_wait3A_317 : memref<1x8000xi32, #tpu.memory_space<vmem>> -> memref<8000xi32, #tpu.memory_space<vmem>>
    %dma_wait3A_319 = arith.constant 4000 : i32
    %dma_wait3A_320 = tpu.memref_slice %dma_wait3A_318[%dma_wait3A_319] : memref<8000xi32, #tpu.memory_space<vmem>> -> memref<4000xi32, #tpu.memory_space<vmem>>
    %dma_wait3A_321 = arith.constant 0 : i32
    %dma_wait3A_322 = tpu.memref_slice %arg9[%dma_wait3A_321] : memref<64000xf32, #tpu.memory_space<vmem_shared>> -> memref<64000xf32, #tpu.memory_space<vmem_shared>>
    tpu.wait_indirect_dma semaphore(%arg25 : memref<!tpu.dma_semaphore, #tpu.memory_space<semaphore_mem>>) src(%dma_wait3A_315 : memref<4000xf32, #tpu.memory_space<vmem>>) dst(%dma_wait3A_322 : memref<64000xf32, #tpu.memory_space<vmem_shared>>)
    %dma_wait3A_323 = arith.constant 0 : i32
    %dma_wait3A_324 = arith.constant 0 : i32
    %dma_wait3A_325 = arith.constant 0 : i32
    %dma_wait3A_326 = tpu.memref_slice %arg16[%dma_wait3A_323, %dma_wait3A_325] : memref<2x8000xf32, #tpu.memory_space<vmem>> -> memref<1x8000xf32, #tpu.memory_space<vmem>>
    %dma_wait3A_327 = tpu.memref_squeeze %dma_wait3A_326 : memref<1x8000xf32, #tpu.memory_space<vmem>> -> memref<8000xf32, #tpu.memory_space<vmem>>
    %dma_wait3A_328 = arith.constant 4000 : i32
    %dma_wait3A_329 = tpu.memref_slice %dma_wait3A_327[%dma_wait3A_328] : memref<8000xf32, #tpu.memory_space<vmem>> -> memref<4000xf32, #tpu.memory_space<vmem>>
    %dma_wait3A_330 = arith.constant 0 : i32
    %dma_wait3A_331 = tpu.memref_slice %arg12[%dma_wait3A_324, %dma_wait3A_330] : memref<2x8000xi32, #tpu.memory_space<vmem>> -> memref<1x8000xi32, #tpu.memory_space<vmem>>
    %dma_wait3A_332 = tpu.memref_squeeze %dma_wait3A_331 : memref<1x8000xi32, #tpu.memory_space<vmem>> -> memref<8000xi32, #tpu.memory_space<vmem>>
    %dma_wait3A_333 = arith.constant 4000 : i32
    %dma_wait3A_334 = tpu.memref_slice %dma_wait3A_332[%dma_wait3A_333] : memref<8000xi32, #tpu.memory_space<vmem>> -> memref<4000xi32, #tpu.memory_space<vmem>>
    %dma_wait3A_335 = arith.constant 0 : i32
    %dma_wait3A_336 = tpu.memref_slice %arg10[%dma_wait3A_335] : memref<64000xf32, #tpu.memory_space<vmem_shared>> -> memref<64000xf32, #tpu.memory_space<vmem_shared>>
    tpu.wait_indirect_dma semaphore(%arg25 : memref<!tpu.dma_semaphore, #tpu.memory_space<semaphore_mem>>) src(%dma_wait3A_329 : memref<4000xf32, #tpu.memory_space<vmem>>) dst(%dma_wait3A_336 : memref<64000xf32, #tpu.memory_space<vmem_shared>>)
    %dma_wait3A_337 = arith.constant 0 : i32
    %dma_wait3A_338 = arith.constant 1 : i32
    %dma_wait3A_339 = arith.constant 0 : i32
    %dma_wait3A_340 = tpu.memref_slice %arg11[%dma_wait3A_338, %dma_wait3A_339] : memref<2x8000xi32, #tpu.memory_space<vmem>> -> memref<1x8000xi32, #tpu.memory_space<vmem>>
    %dma_wait3A_341 = tpu.memref_squeeze %dma_wait3A_340 : memref<1x8000xi32, #tpu.memory_space<vmem>> -> memref<8000xi32, #tpu.memory_space<vmem>>
    %dma_wait3A_342 = arith.constant 0 : i32
    %dma_wait3A_343 = tpu.memref_slice %arg4[%dma_wait3A_337, %dma_wait3A_342] : memref<2x2048000xi32, #tpu.memory_space<hbm>> -> memref<1x2048000xi32, #tpu.memory_space<hbm>>
    %dma_wait3A_344 = tpu.memref_squeeze %dma_wait3A_343 : memref<1x2048000xi32, #tpu.memory_space<hbm>> -> memref<2048000xi32, #tpu.memory_space<hbm>>
    %dma_wait3A_345 = arith.constant 0 : i32
    %dma_wait3A_346 = tpu.memref_slice %dma_wait3A_344[%dma_wait3A_345] : memref<2048000xi32, #tpu.memory_space<hbm>> -> memref<8000xi32, #tpu.memory_space<hbm>>
    %dma_wait3A_347 = arith.constant 0 : i32
    %dma_wait3A_348 = tpu.memref_slice %arg11[%dma_wait3A_338, %dma_wait3A_347] : memref<2x8000xi32, #tpu.memory_space<vmem>> -> memref<1x8000xi32, #tpu.memory_space<vmem>>
    %dma_wait3A_349 = tpu.memref_squeeze %dma_wait3A_348 : memref<1x8000xi32, #tpu.memory_space<vmem>> -> memref<8000xi32, #tpu.memory_space<vmem>>
    %dma_wait3A_350 = arith.constant 0 : i32
    %dma_wait3A_351 = tpu.memref_slice %arg4[%dma_wait3A_337, %dma_wait3A_350] : memref<2x2048000xi32, #tpu.memory_space<hbm>> -> memref<1x2048000xi32, #tpu.memory_space<hbm>>
    %dma_wait3A_352 = tpu.memref_squeeze %dma_wait3A_351 : memref<1x2048000xi32, #tpu.memory_space<hbm>> -> memref<2048000xi32, #tpu.memory_space<hbm>>
    %dma_wait3A_353 = arith.constant 0 : i32
    %dma_wait3A_354 = tpu.memref_slice %dma_wait3A_352[%dma_wait3A_353] : memref<2048000xi32, #tpu.memory_space<hbm>> -> memref<8000xi32, #tpu.memory_space<hbm>>
    tpu.wait_dma2 semaphore(%arg18 : memref<!tpu.dma_semaphore, #tpu.memory_space<semaphore_mem>>) src(%dma_wait3A_354 : memref<8000xi32, #tpu.memory_space<hbm>>) dst(%dma_wait3A_349 : memref<8000xi32, #tpu.memory_space<vmem>>)
    %dma_wait3A_355 = arith.constant 1 : i32
    %dma_wait3A_356 = arith.constant 1 : i32
    %dma_wait3A_357 = arith.constant 0 : i32
    %dma_wait3A_358 = tpu.memref_slice %arg12[%dma_wait3A_356, %dma_wait3A_357] : memref<2x8000xi32, #tpu.memory_space<vmem>> -> memref<1x8000xi32, #tpu.memory_space<vmem>>
    %dma_wait3A_359 = tpu.memref_squeeze %dma_wait3A_358 : memref<1x8000xi32, #tpu.memory_space<vmem>> -> memref<8000xi32, #tpu.memory_space<vmem>>
    %dma_wait3A_360 = arith.constant 0 : i32
    %dma_wait3A_361 = tpu.memref_slice %arg4[%dma_wait3A_355, %dma_wait3A_360] : memref<2x2048000xi32, #tpu.memory_space<hbm>> -> memref<1x2048000xi32, #tpu.memory_space<hbm>>
    %dma_wait3A_362 = tpu.memref_squeeze %dma_wait3A_361 : memref<1x2048000xi32, #tpu.memory_space<hbm>> -> memref<2048000xi32, #tpu.memory_space<hbm>>
    %dma_wait3A_363 = arith.constant 0 : i32
    %dma_wait3A_364 = tpu.memref_slice %dma_wait3A_362[%dma_wait3A_363] : memref<2048000xi32, #tpu.memory_space<hbm>> -> memref<8000xi32, #tpu.memory_space<hbm>>
    %dma_wait3A_365 = arith.constant 0 : i32
    %dma_wait3A_366 = tpu.memref_slice %arg12[%dma_wait3A_356, %dma_wait3A_365] : memref<2x8000xi32, #tpu.memory_space<vmem>> -> memref<1x8000xi32, #tpu.memory_space<vmem>>
    %dma_wait3A_367 = tpu.memref_squeeze %dma_wait3A_366 : memref<1x8000xi32, #tpu.memory_space<vmem>> -> memref<8000xi32, #tpu.memory_space<vmem>>
    %dma_wait3A_368 = arith.constant 0 : i32
    %dma_wait3A_369 = tpu.memref_slice %arg4[%dma_wait3A_355, %dma_wait3A_368] : memref<2x2048000xi32, #tpu.memory_space<hbm>> -> memref<1x2048000xi32, #tpu.memory_space<hbm>>
    %dma_wait3A_370 = tpu.memref_squeeze %dma_wait3A_369 : memref<1x2048000xi32, #tpu.memory_space<hbm>> -> memref<2048000xi32, #tpu.memory_space<hbm>>
    %dma_wait3A_371 = arith.constant 0 : i32
    %dma_wait3A_372 = tpu.memref_slice %dma_wait3A_370[%dma_wait3A_371] : memref<2048000xi32, #tpu.memory_space<hbm>> -> memref<8000xi32, #tpu.memory_space<hbm>>
    tpu.wait_dma2 semaphore(%arg18 : memref<!tpu.dma_semaphore, #tpu.memory_space<semaphore_mem>>) src(%dma_wait3A_372 : memref<8000xi32, #tpu.memory_space<hbm>>) dst(%dma_wait3A_367 : memref<8000xi32, #tpu.memory_space<vmem>>)
    %dma_wait3A_373 = arith.constant 1 : i32
    %dma_wait3A_374 = arith.constant 0 : i32
    %dma_wait3A_375 = tpu.memref_slice %arg13[%dma_wait3A_373, %dma_wait3A_374] : memref<2x8000xf32, #tpu.memory_space<vmem>> -> memref<1x8000xf32, #tpu.memory_space<vmem>>
    %dma_wait3A_376 = tpu.memref_squeeze %dma_wait3A_375 : memref<1x8000xf32, #tpu.memory_space<vmem>> -> memref<8000xf32, #tpu.memory_space<vmem>>
    %dma_wait3A_377 = arith.constant 0 : i32
    %dma_wait3A_378 = tpu.memref_slice %arg5[%dma_wait3A_377] : memref<2048000xf32, #tpu.memory_space<hbm>> -> memref<8000xf32, #tpu.memory_space<hbm>>
    %dma_wait3A_379 = arith.constant 0 : i32
    %dma_wait3A_380 = tpu.memref_slice %arg13[%dma_wait3A_373, %dma_wait3A_379] : memref<2x8000xf32, #tpu.memory_space<vmem>> -> memref<1x8000xf32, #tpu.memory_space<vmem>>
    %dma_wait3A_381 = tpu.memref_squeeze %dma_wait3A_380 : memref<1x8000xf32, #tpu.memory_space<vmem>> -> memref<8000xf32, #tpu.memory_space<vmem>>
    %dma_wait3A_382 = arith.constant 0 : i32
    %dma_wait3A_383 = tpu.memref_slice %arg5[%dma_wait3A_382] : memref<2048000xf32, #tpu.memory_space<hbm>> -> memref<8000xf32, #tpu.memory_space<hbm>>
    tpu.wait_dma2 semaphore(%arg18 : memref<!tpu.dma_semaphore, #tpu.memory_space<semaphore_mem>>) src(%dma_wait3A_383 : memref<8000xf32, #tpu.memory_space<hbm>>) dst(%dma_wait3A_381 : memref<8000xf32, #tpu.memory_space<vmem>>)
    %dma_start3A_384 = arith.constant 1 : i32
    %dma_start3A_385 = arith.constant 1 : i32
    %dma_start3A_386 = arith.constant 0 : i32
    %dma_start3A_387 = tpu.memref_slice %arg14[%dma_start3A_385, %dma_start3A_386] : memref<2x8000xf32, #tpu.memory_space<vmem>> -> memref<1x8000xf32, #tpu.memory_space<vmem>>
    %dma_start3A_388 = tpu.memref_squeeze %dma_start3A_387 : memref<1x8000xf32, #tpu.memory_space<vmem>> -> memref<8000xf32, #tpu.memory_space<vmem>>
    %dma_start3A_389 = arith.constant 0 : i32
    %dma_start3A_390 = tpu.memref_slice %dma_start3A_388[%dma_start3A_389] : memref<8000xf32, #tpu.memory_space<vmem>> -> memref<4000xf32, #tpu.memory_space<vmem>>
    %dma_start3A_391 = arith.constant 0 : i32
    %dma_start3A_392 = tpu.memref_slice %arg11[%dma_start3A_384, %dma_start3A_391] : memref<2x8000xi32, #tpu.memory_space<vmem>> -> memref<1x8000xi32, #tpu.memory_space<vmem>>
    %dma_start3A_393 = tpu.memref_squeeze %dma_start3A_392 : memref<1x8000xi32, #tpu.memory_space<vmem>> -> memref<8000xi32, #tpu.memory_space<vmem>>
    %dma_start3A_394 = arith.constant 0 : i32
    %dma_start3A_395 = tpu.memref_slice %dma_start3A_393[%dma_start3A_394] : memref<8000xi32, #tpu.memory_space<vmem>> -> memref<4000xi32, #tpu.memory_space<vmem>>
    %dma_start3A_396 = arith.constant 0 : i32
    %dma_start3A_397 = tpu.memref_slice %arg8[%dma_start3A_396] : memref<64000xf32, #tpu.memory_space<vmem_shared>> -> memref<64000xf32, #tpu.memory_space<vmem_shared>>
    tpu.enqueue_indirect_dma source(%dma_start3A_397 : memref<64000xf32, #tpu.memory_space<vmem_shared>>) target(%dma_start3A_390 : memref<4000xf32, #tpu.memory_space<vmem>>) offsets(%dma_start3A_395 : memref<4000xi32, #tpu.memory_space<vmem>>) semaphore(%arg20 : memref<!tpu.dma_semaphore, #tpu.memory_space<semaphore_mem>>)
    %dma_start3A_398 = arith.constant 1 : i32
    %dma_start3A_399 = arith.constant 1 : i32
    %dma_start3A_400 = arith.constant 0 : i32
    %dma_start3A_401 = tpu.memref_slice %arg14[%dma_start3A_399, %dma_start3A_400] : memref<2x8000xf32, #tpu.memory_space<vmem>> -> memref<1x8000xf32, #tpu.memory_space<vmem>>
    %dma_start3A_402 = tpu.memref_squeeze %dma_start3A_401 : memref<1x8000xf32, #tpu.memory_space<vmem>> -> memref<8000xf32, #tpu.memory_space<vmem>>
    %dma_start3A_403 = arith.constant 4000 : i32
    %dma_start3A_404 = tpu.memref_slice %dma_start3A_402[%dma_start3A_403] : memref<8000xf32, #tpu.memory_space<vmem>> -> memref<4000xf32, #tpu.memory_space<vmem>>
    %dma_start3A_405 = arith.constant 0 : i32
    %dma_start3A_406 = tpu.memref_slice %arg11[%dma_start3A_398, %dma_start3A_405] : memref<2x8000xi32, #tpu.memory_space<vmem>> -> memref<1x8000xi32, #tpu.memory_space<vmem>>
    %dma_start3A_407 = tpu.memref_squeeze %dma_start3A_406 : memref<1x8000xi32, #tpu.memory_space<vmem>> -> memref<8000xi32, #tpu.memory_space<vmem>>
    %dma_start3A_408 = arith.constant 4000 : i32
    %dma_start3A_409 = tpu.memref_slice %dma_start3A_407[%dma_start3A_408] : memref<8000xi32, #tpu.memory_space<vmem>> -> memref<4000xi32, #tpu.memory_space<vmem>>
    %dma_start3A_410 = arith.constant 0 : i32
    %dma_start3A_411 = tpu.memref_slice %arg8[%dma_start3A_410] : memref<64000xf32, #tpu.memory_space<vmem_shared>> -> memref<64000xf32, #tpu.memory_space<vmem_shared>>
    tpu.enqueue_indirect_dma source(%dma_start3A_411 : memref<64000xf32, #tpu.memory_space<vmem_shared>>) target(%dma_start3A_404 : memref<4000xf32, #tpu.memory_space<vmem>>) offsets(%dma_start3A_409 : memref<4000xi32, #tpu.memory_space<vmem>>) semaphore(%arg24 : memref<!tpu.dma_semaphore, #tpu.memory_space<semaphore_mem>>)
    %dma_wait3A_412 = arith.constant 1 : i32
    %dma_wait3A_413 = arith.constant 1 : i32
    %dma_wait3A_414 = arith.constant 0 : i32
    %dma_wait3A_415 = tpu.memref_slice %arg14[%dma_wait3A_413, %dma_wait3A_414] : memref<2x8000xf32, #tpu.memory_space<vmem>> -> memref<1x8000xf32, #tpu.memory_space<vmem>>
    %dma_wait3A_416 = tpu.memref_squeeze %dma_wait3A_415 : memref<1x8000xf32, #tpu.memory_space<vmem>> -> memref<8000xf32, #tpu.memory_space<vmem>>
    %dma_wait3A_417 = arith.constant 0 : i32
    %dma_wait3A_418 = tpu.memref_slice %dma_wait3A_416[%dma_wait3A_417] : memref<8000xf32, #tpu.memory_space<vmem>> -> memref<4000xf32, #tpu.memory_space<vmem>>
    %dma_wait3A_419 = arith.constant 0 : i32
    %dma_wait3A_420 = tpu.memref_slice %arg11[%dma_wait3A_412, %dma_wait3A_419] : memref<2x8000xi32, #tpu.memory_space<vmem>> -> memref<1x8000xi32, #tpu.memory_space<vmem>>
    %dma_wait3A_421 = tpu.memref_squeeze %dma_wait3A_420 : memref<1x8000xi32, #tpu.memory_space<vmem>> -> memref<8000xi32, #tpu.memory_space<vmem>>
    %dma_wait3A_422 = arith.constant 0 : i32
    %dma_wait3A_423 = tpu.memref_slice %dma_wait3A_421[%dma_wait3A_422] : memref<8000xi32, #tpu.memory_space<vmem>> -> memref<4000xi32, #tpu.memory_space<vmem>>
    %dma_wait3A_424 = arith.constant 0 : i32
    %dma_wait3A_425 = tpu.memref_slice %arg8[%dma_wait3A_424] : memref<64000xf32, #tpu.memory_space<vmem_shared>> -> memref<64000xf32, #tpu.memory_space<vmem_shared>>
    tpu.wait_indirect_dma semaphore(%arg20 : memref<!tpu.dma_semaphore, #tpu.memory_space<semaphore_mem>>) src(%dma_wait3A_425 : memref<64000xf32, #tpu.memory_space<vmem_shared>>) dst(%dma_wait3A_418 : memref<4000xf32, #tpu.memory_space<vmem>>)
    %scan3A_426 = arith.constant 0 : i32
    %scan3A_427 = arith.constant 0 : i32
    %scan3A_428 = arith.constant 250 : i32
    %scan3A_429 = arith.addi %scan3A_427, %scan3A_428 : i32
    %scan3A_430 = arith.constant 1 : i32
    scf.for %scan3A_575 = %scan3A_427 to %scan3A_429 step %scan3A_430  : i32 {
      %mul3A_576 = arith.constant 16 : i32
      %mul3A_577 = arith.muli %scan3A_575, %mul3A_576 : i32
      %add3A_578 = arith.constant 0 : i32
      %add3A_579 = arith.addi %add3A_578, %mul3A_577 : i32
      %get3A = arith.constant 1 : i32
      %get3A_580 = arith.constant 0 : i32
      %get3A_581 = tpu.memref_slice %arg14[%get3A, %get3A_580] : memref<2x8000xf32, #tpu.memory_space<vmem>> -> memref<1x8000xf32, #tpu.memory_space<vmem>>
      %get3A_582 = tpu.memref_squeeze %get3A_581 : memref<1x8000xf32, #tpu.memory_space<vmem>> -> memref<8000xf32, #tpu.memory_space<vmem>>
      %get3A_583 = arith.index_cast %add3A_579 : i32 to index
      %get3A_584 = tpu.vector_load %get3A_582[%get3A_583] {strides = array<i32>} : memref<8000xf32, #tpu.memory_space<vmem>>, vector<16xf32>,
      %bitcast3A = vector.bitcast %get3A_584 : vector<16xf32> to vector<32xbf16>
      %unpack3A = tpu.unpack_subelements %bitcast3A, 0 {pack_format = #tpu.pack_format<interleaved>} : vector<32xbf16> -> vector<16xf32>
      %unpack3A_585 = tpu.unpack_subelements %bitcast3A, 1 {pack_format = #tpu.pack_format<interleaved>} : vector<32xbf16> -> vector<16xf32>
      %get3A_586 = arith.constant 1 : i32
      %get3A_587 = arith.constant 0 : i32
      %get3A_588 = tpu.memref_slice %arg13[%get3A_586, %get3A_587] : memref<2x8000xf32, #tpu.memory_space<vmem>> -> memref<1x8000xf32, #tpu.memory_space<vmem>>
      %get3A_589 = tpu.memref_squeeze %get3A_588 : memref<1x8000xf32, #tpu.memory_space<vmem>> -> memref<8000xf32, #tpu.memory_space<vmem>>
      %get3A_590 = arith.index_cast %add3A_579 : i32 to index
      %get3A_591 = tpu.vector_load %get3A_589[%get3A_590] {strides = array<i32>} : memref<8000xf32, #tpu.memory_space<vmem>>, vector<16xf32>,
      %mul3A_592 = arith.mulf %unpack3A, %get3A_591 : vector<16xf32>
      %swap3A = arith.constant 1 : i32
      %swap3A_593 = arith.constant 0 : i32
      %swap3A_594 = tpu.memref_slice %arg15[%swap3A, %swap3A_593] : memref<2x8000xf32, #tpu.memory_space<vmem>> -> memref<1x8000xf32, #tpu.memory_space<vmem>>
      %swap3A_595 = tpu.memref_squeeze %swap3A_594 : memref<1x8000xf32, #tpu.memory_space<vmem>> -> memref<8000xf32, #tpu.memory_space<vmem>>
      %swap3A_596 = arith.index_cast %add3A_579 : i32 to index
      %swap3A_597 = tpu.vector_load %swap3A_595[%swap3A_596] {strides = array<i32>} : memref<8000xf32, #tpu.memory_space<vmem>>, vector<16xf32>,
      tpu.vector_store %swap3A_595[%swap3A_596], %mul3A_592 {strides = array<i32>} : memref<8000xf32, #tpu.memory_space<vmem>>, vector<16xf32>,
      %mul3A_598 = arith.mulf %unpack3A_585, %get3A_591 : vector<16xf32>
      %swap3A_599 = arith.constant 1 : i32
      %swap3A_600 = arith.constant 0 : i32
      %swap3A_601 = tpu.memref_slice %arg16[%swap3A_599, %swap3A_600] : memref<2x8000xf32, #tpu.memory_space<vmem>> -> memref<1x8000xf32, #tpu.memory_space<vmem>>
      %swap3A_602 = tpu.memref_squeeze %swap3A_601 : memref<1x8000xf32, #tpu.memory_space<vmem>> -> memref<8000xf32, #tpu.memory_space<vmem>>
      %swap3A_603 = arith.index_cast %add3A_579 : i32 to index
      %swap3A_604 = tpu.vector_load %swap3A_602[%swap3A_603] {strides = array<i32>} : memref<8000xf32, #tpu.memory_space<vmem>>, vector<16xf32>,
      tpu.vector_store %swap3A_602[%swap3A_603], %mul3A_598 {strides = array<i32>} : memref<8000xf32, #tpu.memory_space<vmem>>, vector<16xf32>,
    }
    %scan3A_431 = arith.constant 250 : i32
    %dma_start3A_432 = arith.constant 1 : i32
    %dma_start3A_433 = arith.constant 1 : i32
    %dma_start3A_434 = arith.constant 0 : i32
    %dma_start3A_435 = tpu.memref_slice %arg15[%dma_start3A_432, %dma_start3A_434] : memref<2x8000xf32, #tpu.memory_space<vmem>> -> memref<1x8000xf32, #tpu.memory_space<vmem>>
    %dma_start3A_436 = tpu.memref_squeeze %dma_start3A_435 : memref<1x8000xf32, #tpu.memory_space<vmem>> -> memref<8000xf32, #tpu.memory_space<vmem>>
    %dma_start3A_437 = arith.constant 0 : i32
    %dma_start3A_438 = tpu.memref_slice %dma_start3A_436[%dma_start3A_437] : memref<8000xf32, #tpu.memory_space<vmem>> -> memref<4000xf32, #tpu.memory_space<vmem>>
    %dma_start3A_439 = arith.constant 0 : i32
    %dma_start3A_440 = tpu.memref_slice %arg12[%dma_start3A_433, %dma_start3A_439] : memref<2x8000xi32, #tpu.memory_space<vmem>> -> memref<1x8000xi32, #tpu.memory_space<vmem>>
    %dma_start3A_441 = tpu.memref_squeeze %dma_start3A_440 : memref<1x8000xi32, #tpu.memory_space<vmem>> -> memref<8000xi32, #tpu.memory_space<vmem>>
    %dma_start3A_442 = arith.constant 0 : i32
    %dma_start3A_443 = tpu.memref_slice %dma_start3A_441[%dma_start3A_442] : memref<8000xi32, #tpu.memory_space<vmem>> -> memref<4000xi32, #tpu.memory_space<vmem>>
    %dma_start3A_444 = arith.constant 0 : i32
    %dma_start3A_445 = tpu.memref_slice %arg9[%dma_start3A_444] : memref<64000xf32, #tpu.memory_space<vmem_shared>> -> memref<64000xf32, #tpu.memory_space<vmem_shared>>
    tpu.enqueue_indirect_dma source(%dma_start3A_438 : memref<4000xf32, #tpu.memory_space<vmem>>) target(%dma_start3A_445 : memref<64000xf32, #tpu.memory_space<vmem_shared>>) offsets(%dma_start3A_443 : memref<4000xi32, #tpu.memory_space<vmem>>) semaphore(%arg22 : memref<!tpu.dma_semaphore, #tpu.memory_space<semaphore_mem>>) {add = true}
    %dma_start3A_446 = arith.constant 1 : i32
    %dma_start3A_447 = arith.constant 1 : i32
    %dma_start3A_448 = arith.constant 0 : i32
    %dma_start3A_449 = tpu.memref_slice %arg16[%dma_start3A_446, %dma_start3A_448] : memref<2x8000xf32, #tpu.memory_space<vmem>> -> memref<1x8000xf32, #tpu.memory_space<vmem>>
    %dma_start3A_450 = tpu.memref_squeeze %dma_start3A_449 : memref<1x8000xf32, #tpu.memory_space<vmem>> -> memref<8000xf32, #tpu.memory_space<vmem>>
    %dma_start3A_451 = arith.constant 0 : i32
    %dma_start3A_452 = tpu.memref_slice %dma_start3A_450[%dma_start3A_451] : memref<8000xf32, #tpu.memory_space<vmem>> -> memref<4000xf32, #tpu.memory_space<vmem>>
    %dma_start3A_453 = arith.constant 0 : i32
    %dma_start3A_454 = tpu.memref_slice %arg12[%dma_start3A_447, %dma_start3A_453] : memref<2x8000xi32, #tpu.memory_space<vmem>> -> memref<1x8000xi32, #tpu.memory_space<vmem>>
    %dma_start3A_455 = tpu.memref_squeeze %dma_start3A_454 : memref<1x8000xi32, #tpu.memory_space<vmem>> -> memref<8000xi32, #tpu.memory_space<vmem>>
    %dma_start3A_456 = arith.constant 0 : i32
    %dma_start3A_457 = tpu.memref_slice %dma_start3A_455[%dma_start3A_456] : memref<8000xi32, #tpu.memory_space<vmem>> -> memref<4000xi32, #tpu.memory_space<vmem>>
    %dma_start3A_458 = arith.constant 0 : i32
    %dma_start3A_459 = tpu.memref_slice %arg10[%dma_start3A_458] : memref<64000xf32, #tpu.memory_space<vmem_shared>> -> memref<64000xf32, #tpu.memory_space<vmem_shared>>
    tpu.enqueue_indirect_dma source(%dma_start3A_452 : memref<4000xf32, #tpu.memory_space<vmem>>) target(%dma_start3A_459 : memref<64000xf32, #tpu.memory_space<vmem_shared>>) offsets(%dma_start3A_457 : memref<4000xi32, #tpu.memory_space<vmem>>) semaphore(%arg22 : memref<!tpu.dma_semaphore, #tpu.memory_space<semaphore_mem>>) {add = true}
    %dma_wait3A_460 = arith.constant 1 : i32
    %dma_wait3A_461 = arith.constant 1 : i32
    %dma_wait3A_462 = arith.constant 0 : i32
    %dma_wait3A_463 = tpu.memref_slice %arg14[%dma_wait3A_461, %dma_wait3A_462] : memref<2x8000xf32, #tpu.memory_space<vmem>> -> memref<1x8000xf32, #tpu.memory_space<vmem>>
    %dma_wait3A_464 = tpu.memref_squeeze %dma_wait3A_463 : memref<1x8000xf32, #tpu.memory_space<vmem>> -> memref<8000xf32, #tpu.memory_space<vmem>>
    %dma_wait3A_465 = arith.constant 4000 : i32
    %dma_wait3A_466 = tpu.memref_slice %dma_wait3A_464[%dma_wait3A_465] : memref<8000xf32, #tpu.memory_space<vmem>> -> memref<4000xf32, #tpu.memory_space<vmem>>
    %dma_wait3A_467 = arith.constant 0 : i32
    %dma_wait3A_468 = tpu.memref_slice %arg11[%dma_wait3A_460, %dma_wait3A_467] : memref<2x8000xi32, #tpu.memory_space<vmem>> -> memref<1x8000xi32, #tpu.memory_space<vmem>>
    %dma_wait3A_469 = tpu.memref_squeeze %dma_wait3A_468 : memref<1x8000xi32, #tpu.memory_space<vmem>> -> memref<8000xi32, #tpu.memory_space<vmem>>
    %dma_wait3A_470 = arith.constant 4000 : i32
    %dma_wait3A_471 = tpu.memref_slice %dma_wait3A_469[%dma_wait3A_470] : memref<8000xi32, #tpu.memory_space<vmem>> -> memref<4000xi32, #tpu.memory_space<vmem>>
    %dma_wait3A_472 = arith.constant 0 : i32
    %dma_wait3A_473 = tpu.memref_slice %arg8[%dma_wait3A_472] : memref<64000xf32, #tpu.memory_space<vmem_shared>> -> memref<64000xf32, #tpu.memory_space<vmem_shared>>
    tpu.wait_indirect_dma semaphore(%arg24 : memref<!tpu.dma_semaphore, #tpu.memory_space<semaphore_mem>>) src(%dma_wait3A_473 : memref<64000xf32, #tpu.memory_space<vmem_shared>>) dst(%dma_wait3A_466 : memref<4000xf32, #tpu.memory_space<vmem>>)
    %scan3A_474 = arith.constant 0 : i32
    %scan3A_475 = arith.constant 0 : i32
    %scan3A_476 = arith.constant 250 : i32
    %scan3A_477 = arith.addi %scan3A_475, %scan3A_476 : i32
    %scan3A_478 = arith.constant 1 : i32
    scf.for %scan3A_575 = %scan3A_475 to %scan3A_477 step %scan3A_478  : i32 {
      %mul3A_576 = arith.constant 16 : i32
      %mul3A_577 = arith.muli %scan3A_575, %mul3A_576 : i32
      %add3A_578 = arith.constant 4000 : i32
      %add3A_579 = arith.addi %add3A_578, %mul3A_577 : i32
      %get3A = arith.constant 1 : i32
      %get3A_580 = arith.constant 0 : i32
      %get3A_581 = tpu.memref_slice %arg14[%get3A, %get3A_580] : memref<2x8000xf32, #tpu.memory_space<vmem>> -> memref<1x8000xf32, #tpu.memory_space<vmem>>
      %get3A_582 = tpu.memref_squeeze %get3A_581 : memref<1x8000xf32, #tpu.memory_space<vmem>> -> memref<8000xf32, #tpu.memory_space<vmem>>
      %get3A_583 = arith.index_cast %add3A_579 : i32 to index
      %get3A_584 = tpu.vector_load %get3A_582[%get3A_583] {strides = array<i32>} : memref<8000xf32, #tpu.memory_space<vmem>>, vector<16xf32>,
      %bitcast3A = vector.bitcast %get3A_584 : vector<16xf32> to vector<32xbf16>
      %unpack3A = tpu.unpack_subelements %bitcast3A, 0 {pack_format = #tpu.pack_format<interleaved>} : vector<32xbf16> -> vector<16xf32>
      %unpack3A_585 = tpu.unpack_subelements %bitcast3A, 1 {pack_format = #tpu.pack_format<interleaved>} : vector<32xbf16> -> vector<16xf32>
      %get3A_586 = arith.constant 1 : i32
      %get3A_587 = arith.constant 0 : i32
      %get3A_588 = tpu.memref_slice %arg13[%get3A_586, %get3A_587] : memref<2x8000xf32, #tpu.memory_space<vmem>> -> memref<1x8000xf32, #tpu.memory_space<vmem>>
      %get3A_589 = tpu.memref_squeeze %get3A_588 : memref<1x8000xf32, #tpu.memory_space<vmem>> -> memref<8000xf32, #tpu.memory_space<vmem>>
      %get3A_590 = arith.index_cast %add3A_579 : i32 to index
      %get3A_591 = tpu.vector_load %get3A_589[%get3A_590] {strides = array<i32>} : memref<8000xf32, #tpu.memory_space<vmem>>, vector<16xf32>,
      %mul3A_592 = arith.mulf %unpack3A, %get3A_591 : vector<16xf32>
      %swap3A = arith.constant 1 : i32
      %swap3A_593 = arith.constant 0 : i32
      %swap3A_594 = tpu.memref_slice %arg15[%swap3A, %swap3A_593] : memref<2x8000xf32, #tpu.memory_space<vmem>> -> memref<1x8000xf32, #tpu.memory_space<vmem>>
      %swap3A_595 = tpu.memref_squeeze %swap3A_594 : memref<1x8000xf32, #tpu.memory_space<vmem>> -> memref<8000xf32, #tpu.memory_space<vmem>>
      %swap3A_596 = arith.index_cast %add3A_579 : i32 to index
      %swap3A_597 = tpu.vector_load %swap3A_595[%swap3A_596] {strides = array<i32>} : memref<8000xf32, #tpu.memory_space<vmem>>, vector<16xf32>,
      tpu.vector_store %swap3A_595[%swap3A_596], %mul3A_592 {strides = array<i32>} : memref<8000xf32, #tpu.memory_space<vmem>>, vector<16xf32>,
      %mul3A_598 = arith.mulf %unpack3A_585, %get3A_591 : vector<16xf32>
      %swap3A_599 = arith.constant 1 : i32
      %swap3A_600 = arith.constant 0 : i32
      %swap3A_601 = tpu.memref_slice %arg16[%swap3A_599, %swap3A_600] : memref<2x8000xf32, #tpu.memory_space<vmem>> -> memref<1x8000xf32, #tpu.memory_space<vmem>>
      %swap3A_602 = tpu.memref_squeeze %swap3A_601 : memref<1x8000xf32, #tpu.memory_space<vmem>> -> memref<8000xf32, #tpu.memory_space<vmem>>
      %swap3A_603 = arith.index_cast %add3A_579 : i32 to index
      %swap3A_604 = tpu.vector_load %swap3A_602[%swap3A_603] {strides = array<i32>} : memref<8000xf32, #tpu.memory_space<vmem>>, vector<16xf32>,
      tpu.vector_store %swap3A_602[%swap3A_603], %mul3A_598 {strides = array<i32>} : memref<8000xf32, #tpu.memory_space<vmem>>, vector<16xf32>,
    }
    %scan3A_479 = arith.constant 250 : i32
    %dma_start3A_480 = arith.constant 1 : i32
    %dma_start3A_481 = arith.constant 1 : i32
    %dma_start3A_482 = arith.constant 0 : i32
    %dma_start3A_483 = tpu.memref_slice %arg15[%dma_start3A_480, %dma_start3A_482] : memref<2x8000xf32, #tpu.memory_space<vmem>> -> memref<1x8000xf32, #tpu.memory_space<vmem>>
    %dma_start3A_484 = tpu.memref_squeeze %dma_start3A_483 : memref<1x8000xf32, #tpu.memory_space<vmem>> -> memref<8000xf32, #tpu.memory_space<vmem>>
    %dma_start3A_485 = arith.constant 4000 : i32
    %dma_start3A_486 = tpu.memref_slice %dma_start3A_484[%dma_start3A_485] : memref<8000xf32, #tpu.memory_space<vmem>> -> memref<4000xf32, #tpu.memory_space<vmem>>
    %dma_start3A_487 = arith.constant 0 : i32
    %dma_start3A_488 = tpu.memref_slice %arg12[%dma_start3A_481, %dma_start3A_487] : memref<2x8000xi32, #tpu.memory_space<vmem>> -> memref<1x8000xi32, #tpu.memory_space<vmem>>
    %dma_start3A_489 = tpu.memref_squeeze %dma_start3A_488 : memref<1x8000xi32, #tpu.memory_space<vmem>> -> memref<8000xi32, #tpu.memory_space<vmem>>
    %dma_start3A_490 = arith.constant 4000 : i32
    %dma_start3A_491 = tpu.memref_slice %dma_start3A_489[%dma_start3A_490] : memref<8000xi32, #tpu.memory_space<vmem>> -> memref<4000xi32, #tpu.memory_space<vmem>>
    %dma_start3A_492 = arith.constant 0 : i32
    %dma_start3A_493 = tpu.memref_slice %arg9[%dma_start3A_492] : memref<64000xf32, #tpu.memory_space<vmem_shared>> -> memref<64000xf32, #tpu.memory_space<vmem_shared>>
    tpu.enqueue_indirect_dma source(%dma_start3A_486 : memref<4000xf32, #tpu.memory_space<vmem>>) target(%dma_start3A_493 : memref<64000xf32, #tpu.memory_space<vmem_shared>>) offsets(%dma_start3A_491 : memref<4000xi32, #tpu.memory_space<vmem>>) semaphore(%arg26 : memref<!tpu.dma_semaphore, #tpu.memory_space<semaphore_mem>>) {add = true}
    %dma_start3A_494 = arith.constant 1 : i32
    %dma_start3A_495 = arith.constant 1 : i32
    %dma_start3A_496 = arith.constant 0 : i32
    %dma_start3A_497 = tpu.memref_slice %arg16[%dma_start3A_494, %dma_start3A_496] : memref<2x8000xf32, #tpu.memory_space<vmem>> -> memref<1x8000xf32, #tpu.memory_space<vmem>>
    %dma_start3A_498 = tpu.memref_squeeze %dma_start3A_497 : memref<1x8000xf32, #tpu.memory_space<vmem>> -> memref<8000xf32, #tpu.memory_space<vmem>>
    %dma_start3A_499 = arith.constant 4000 : i32
    %dma_start3A_500 = tpu.memref_slice %dma_start3A_498[%dma_start3A_499] : memref<8000xf32, #tpu.memory_space<vmem>> -> memref<4000xf32, #tpu.memory_space<vmem>>
    %dma_start3A_501 = arith.constant 0 : i32
    %dma_start3A_502 = tpu.memref_slice %arg12[%dma_start3A_495, %dma_start3A_501] : memref<2x8000xi32, #tpu.memory_space<vmem>> -> memref<1x8000xi32, #tpu.memory_space<vmem>>
    %dma_start3A_503 = tpu.memref_squeeze %dma_start3A_502 : memref<1x8000xi32, #tpu.memory_space<vmem>> -> memref<8000xi32, #tpu.memory_space<vmem>>
    %dma_start3A_504 = arith.constant 4000 : i32
    %dma_start3A_505 = tpu.memref_slice %dma_start3A_503[%dma_start3A_504] : memref<8000xi32, #tpu.memory_space<vmem>> -> memref<4000xi32, #tpu.memory_space<vmem>>
    %dma_start3A_506 = arith.constant 0 : i32
    %dma_start3A_507 = tpu.memref_slice %arg10[%dma_start3A_506] : memref<64000xf32, #tpu.memory_space<vmem_shared>> -> memref<64000xf32, #tpu.memory_space<vmem_shared>>
    tpu.enqueue_indirect_dma source(%dma_start3A_500 : memref<4000xf32, #tpu.memory_space<vmem>>) target(%dma_start3A_507 : memref<64000xf32, #tpu.memory_space<vmem_shared>>) offsets(%dma_start3A_505 : memref<4000xi32, #tpu.memory_space<vmem>>) semaphore(%arg26 : memref<!tpu.dma_semaphore, #tpu.memory_space<semaphore_mem>>) {add = true}
    %dma_wait3A_508 = arith.constant 1 : i32
    %dma_wait3A_509 = arith.constant 1 : i32
    %dma_wait3A_510 = arith.constant 0 : i32
    %dma_wait3A_511 = tpu.memref_slice %arg15[%dma_wait3A_508, %dma_wait3A_510] : memref<2x8000xf32, #tpu.memory_space<vmem>> -> memref<1x8000xf32, #tpu.memory_space<vmem>>
    %dma_wait3A_512 = tpu.memref_squeeze %dma_wait3A_511 : memref<1x8000xf32, #tpu.memory_space<vmem>> -> memref<8000xf32, #tpu.memory_space<vmem>>
    %dma_wait3A_513 = arith.constant 0 : i32
    %dma_wait3A_514 = tpu.memref_slice %dma_wait3A_512[%dma_wait3A_513] : memref<8000xf32, #tpu.memory_space<vmem>> -> memref<4000xf32, #tpu.memory_space<vmem>>
    %dma_wait3A_515 = arith.constant 0 : i32
    %dma_wait3A_516 = tpu.memref_slice %arg12[%dma_wait3A_509, %dma_wait3A_515] : memref<2x8000xi32, #tpu.memory_space<vmem>> -> memref<1x8000xi32, #tpu.memory_space<vmem>>
    %dma_wait3A_517 = tpu.memref_squeeze %dma_wait3A_516 : memref<1x8000xi32, #tpu.memory_space<vmem>> -> memref<8000xi32, #tpu.memory_space<vmem>>
    %dma_wait3A_518 = arith.constant 0 : i32
    %dma_wait3A_519 = tpu.memref_slice %dma_wait3A_517[%dma_wait3A_518] : memref<8000xi32, #tpu.memory_space<vmem>> -> memref<4000xi32, #tpu.memory_space<vmem>>
    %dma_wait3A_520 = arith.constant 0 : i32
    %dma_wait3A_521 = tpu.memref_slice %arg9[%dma_wait3A_520] : memref<64000xf32, #tpu.memory_space<vmem_shared>> -> memref<64000xf32, #tpu.memory_space<vmem_shared>>
    tpu.wait_indirect_dma semaphore(%arg22 : memref<!tpu.dma_semaphore, #tpu.memory_space<semaphore_mem>>) src(%dma_wait3A_514 : memref<4000xf32, #tpu.memory_space<vmem>>) dst(%dma_wait3A_521 : memref<64000xf32, #tpu.memory_space<vmem_shared>>)
    %dma_wait3A_522 = arith.constant 1 : i32
    %dma_wait3A_523 = arith.constant 1 : i32
    %dma_wait3A_524 = arith.constant 0 : i32
    %dma_wait3A_525 = tpu.memref_slice %arg16[%dma_wait3A_522, %dma_wait3A_524] : memref<2x8000xf32, #tpu.memory_space<vmem>> -> memref<1x8000xf32, #tpu.memory_space<vmem>>
    %dma_wait3A_526 = tpu.memref_squeeze %dma_wait3A_525 : memref<1x8000xf32, #tpu.memory_space<vmem>> -> memref<8000xf32, #tpu.memory_space<vmem>>
    %dma_wait3A_527 = arith.constant 0 : i32
    %dma_wait3A_528 = tpu.memref_slice %dma_wait3A_526[%dma_wait3A_527] : memref<8000xf32, #tpu.memory_space<vmem>> -> memref<4000xf32, #tpu.memory_space<vmem>>
    %dma_wait3A_529 = arith.constant 0 : i32
    %dma_wait3A_530 = tpu.memref_slice %arg12[%dma_wait3A_523, %dma_wait3A_529] : memref<2x8000xi32, #tpu.memory_space<vmem>> -> memref<1x8000xi32, #tpu.memory_space<vmem>>
    %dma_wait3A_531 = tpu.memref_squeeze %dma_wait3A_530 : memref<1x8000xi32, #tpu.memory_space<vmem>> -> memref<8000xi32, #tpu.memory_space<vmem>>
    %dma_wait3A_532 = arith.constant 0 : i32
    %dma_wait3A_533 = tpu.memref_slice %dma_wait3A_531[%dma_wait3A_532] : memref<8000xi32, #tpu.memory_space<vmem>> -> memref<4000xi32, #tpu.memory_space<vmem>>
    %dma_wait3A_534 = arith.constant 0 : i32
    %dma_wait3A_535 = tpu.memref_slice %arg10[%dma_wait3A_534] : memref<64000xf32, #tpu.memory_space<vmem_shared>> -> memref<64000xf32, #tpu.memory_space<vmem_shared>>
    tpu.wait_indirect_dma semaphore(%arg22 : memref<!tpu.dma_semaphore, #tpu.memory_space<semaphore_mem>>) src(%dma_wait3A_528 : memref<4000xf32, #tpu.memory_space<vmem>>) dst(%dma_wait3A_535 : memref<64000xf32, #tpu.memory_space<vmem_shared>>)
    %dma_wait3A_536 = arith.constant 1 : i32
    %dma_wait3A_537 = arith.constant 1 : i32
    %dma_wait3A_538 = arith.constant 0 : i32
    %dma_wait3A_539 = tpu.memref_slice %arg15[%dma_wait3A_536, %dma_wait3A_538] : memref<2x8000xf32, #tpu.memory_space<vmem>> -> memref<1x8000xf32, #tpu.memory_space<vmem>>
    %dma_wait3A_540 = tpu.memref_squeeze %dma_wait3A_539 : memref<1x8000xf32, #tpu.memory_space<vmem>> -> memref<8000xf32, #tpu.memory_space<vmem>>
    %dma_wait3A_541 = arith.constant 4000 : i32
    %dma_wait3A_542 = tpu.memref_slice %dma_wait3A_540[%dma_wait3A_541] : memref<8000xf32, #tpu.memory_space<vmem>> -> memref<4000xf32, #tpu.memory_space<vmem>>
    %dma_wait3A_543 = arith.constant 0 : i32
    %dma_wait3A_544 = tpu.memref_slice %arg12[%dma_wait3A_537, %dma_wait3A_543] : memref<2x8000xi32, #tpu.memory_space<vmem>> -> memref<1x8000xi32, #tpu.memory_space<vmem>>
    %dma_wait3A_545 = tpu.memref_squeeze %dma_wait3A_544 : memref<1x8000xi32, #tpu.memory_space<vmem>> -> memref<8000xi32, #tpu.memory_space<vmem>>
    %dma_wait3A_546 = arith.constant 4000 : i32
    %dma_wait3A_547 = tpu.memref_slice %dma_wait3A_545[%dma_wait3A_546] : memref<8000xi32, #tpu.memory_space<vmem>> -> memref<4000xi32, #tpu.memory_space<vmem>>
    %dma_wait3A_548 = arith.constant 0 : i32
    %dma_wait3A_549 = tpu.memref_slice %arg9[%dma_wait3A_548] : memref<64000xf32, #tpu.memory_space<vmem_shared>> -> memref<64000xf32, #tpu.memory_space<vmem_shared>>
    tpu.wait_indirect_dma semaphore(%arg26 : memref<!tpu.dma_semaphore, #tpu.memory_space<semaphore_mem>>) src(%dma_wait3A_542 : memref<4000xf32, #tpu.memory_space<vmem>>) dst(%dma_wait3A_549 : memref<64000xf32, #tpu.memory_space<vmem_shared>>)
    %dma_wait3A_550 = arith.constant 1 : i32
    %dma_wait3A_551 = arith.constant 1 : i32
    %dma_wait3A_552 = arith.constant 0 : i32
    %dma_wait3A_553 = tpu.memref_slice %arg16[%dma_wait3A_550, %dma_wait3A_552] : memref<2x8000xf32, #tpu.memory_space<vmem>> -> memref<1x8000xf32, #tpu.memory_space<vmem>>
    %dma_wait3A_554 = tpu.memref_squeeze %dma_wait3A_553 : memref<1x8000xf32, #tpu.memory_space<vmem>> -> memref<8000xf32, #tpu.memory_space<vmem>>
    %dma_wait3A_555 = arith.constant 4000 : i32
    %dma_wait3A_556 = tpu.memref_slice %dma_wait3A_554[%dma_wait3A_555] : memref<8000xf32, #tpu.memory_space<vmem>> -> memref<4000xf32, #tpu.memory_space<vmem>>
    %dma_wait3A_557 = arith.constant 0 : i32
    %dma_wait3A_558 = tpu.memref_slice %arg12[%dma_wait3A_551, %dma_wait3A_557] : memref<2x8000xi32, #tpu.memory_space<vmem>> -> memref<1x8000xi32, #tpu.memory_space<vmem>>
    %dma_wait3A_559 = tpu.memref_squeeze %dma_wait3A_558 : memref<1x8000xi32, #tpu.memory_space<vmem>> -> memref<8000xi32, #tpu.memory_space<vmem>>
    %dma_wait3A_560 = arith.constant 4000 : i32
    %dma_wait3A_561 = tpu.memref_slice %dma_wait3A_559[%dma_wait3A_560] : memref<8000xi32, #tpu.memory_space<vmem>> -> memref<4000xi32, #tpu.memory_space<vmem>>
    %dma_wait3A_562 = arith.constant 0 : i32
    %dma_wait3A_563 = tpu.memref_slice %arg10[%dma_wait3A_562] : memref<64000xf32, #tpu.memory_space<vmem_shared>> -> memref<64000xf32, #tpu.memory_space<vmem_shared>>
    tpu.wait_indirect_dma semaphore(%arg26 : memref<!tpu.dma_semaphore, #tpu.memory_space<semaphore_mem>>) src(%dma_wait3A_556 : memref<4000xf32, #tpu.memory_space<vmem>>) dst(%dma_wait3A_563 : memref<64000xf32, #tpu.memory_space<vmem_shared>>)
    %barrier3A_564 = arith.constant 0 : index
    tpu.barrier barrier_id(%barrier3A_564)
    %mul3A_565 = arith.constant 64000 : i32
    %mul3A_566 = arith.muli %arg0, %mul3A_565 : i32
    %mul3A_567 = arith.constant 4000 : i32
    %mul3A_568 = arith.muli %arg1, %mul3A_567 : i32
    %add3A_569 = arith.addi %mul3A_566, %mul3A_568 : i32
    "tpu.region"() ({
      %run_scoped3A_575 = tpu.sem_alloc : memref<!tpu.dma_semaphore, #tpu.memory_space<semaphore_mem>>
      %dma_start3A_576 = tpu.memref_slice %arg6[%add3A_569] : memref<128000xf32, #tpu.memory_space<hbm>> -> memref<4000xf32, #tpu.memory_space<hbm>>
      %dma_start3A_577 = tpu.memref_slice %arg9[%mul3A_2] : memref<64000xf32, #tpu.memory_space<vmem_shared>> -> memref<4000xf32, #tpu.memory_space<vmem_shared>>
      tpu.enqueue_dma source(%dma_start3A_577 : memref<4000xf32, #tpu.memory_space<vmem_shared>>) target(%dma_start3A_576 : memref<4000xf32, #tpu.memory_space<hbm>>) target_semaphore(%run_scoped3A_575 : memref<!tpu.dma_semaphore, #tpu.memory_space<semaphore_mem>>)
      %dma_wait3A_578 = tpu.memref_slice %arg6[%add3A_569] : memref<128000xf32, #tpu.memory_space<hbm>> -> memref<4000xf32, #tpu.memory_space<hbm>>
      %dma_wait3A_579 = tpu.memref_slice %arg9[%mul3A_2] : memref<64000xf32, #tpu.memory_space<vmem_shared>> -> memref<4000xf32, #tpu.memory_space<vmem_shared>>
      tpu.wait_dma2 semaphore(%run_scoped3A_575 : memref<!tpu.dma_semaphore, #tpu.memory_space<semaphore_mem>>) src(%dma_wait3A_579 : memref<4000xf32, #tpu.memory_space<vmem_shared>>) dst(%dma_wait3A_578 : memref<4000xf32, #tpu.memory_space<hbm>>)
      tpu.yield
    }) : () -> ()
    %mul3A_570 = arith.constant 64000 : i32
    %mul3A_571 = arith.muli %arg0, %mul3A_570 : i32
    %mul3A_572 = arith.constant 4000 : i32
    %mul3A_573 = arith.muli %arg1, %mul3A_572 : i32
    %add3A_574 = arith.addi %mul3A_571, %mul3A_573 : i32
    "tpu.region"() ({
      %run_scoped3A_575 = tpu.sem_alloc : memref<!tpu.dma_semaphore, #tpu.memory_space<semaphore_mem>>
      %dma_start3A_576 = tpu.memref_slice %arg7[%add3A_574] : memref<128000xf32, #tpu.memory_space<hbm>> -> memref<4000xf32, #tpu.memory_space<hbm>>
      %dma_start3A_577 = tpu.memref_slice %arg10[%mul3A_2] : memref<64000xf32, #tpu.memory_space<vmem_shared>> -> memref<4000xf32, #tpu.memory_space<vmem_shared>>
      tpu.enqueue_dma source(%dma_start3A_577 : memref<4000xf32, #tpu.memory_space<vmem_shared>>) target(%dma_start3A_576 : memref<4000xf32, #tpu.memory_space<hbm>>) target_semaphore(%run_scoped3A_575 : memref<!tpu.dma_semaphore, #tpu.memory_space<semaphore_mem>>)
      %dma_wait3A_578 = tpu.memref_slice %arg7[%add3A_574] : memref<128000xf32, #tpu.memory_space<hbm>> -> memref<4000xf32, #tpu.memory_space<hbm>>
      %dma_wait3A_579 = tpu.memref_slice %arg10[%mul3A_2] : memref<64000xf32, #tpu.memory_space<vmem_shared>> -> memref<4000xf32, #tpu.memory_space<vmem_shared>>
      tpu.wait_dma2 semaphore(%run_scoped3A_575 : memref<!tpu.dma_semaphore, #tpu.memory_space<semaphore_mem>>) src(%dma_wait3A_579 : memref<4000xf32, #tpu.memory_space<vmem_shared>>) dst(%dma_wait3A_578 : memref<4000xf32, #tpu.memory_space<hbm>>)
      tpu.yield
    }) : () -> ()
    return
  }
}

module attributes {stable_mosaic.version = 14 : i64} {
  func.func @_combine_body(%arg0: memref<500x128xf32, #tpu.memory_space<vmem>>, %arg1: memref<500x128xf32, #tpu.memory_space<vmem>>, %arg2: memref<2x500x128xf32, #tpu.memory_space<vmem>>, %arg3: memref<2x500x128xf32, #tpu.memory_space<vmem>>, %arg4: memref<500x128xf32, #tpu.memory_space<vmem>>, %arg5: memref<500x128xf32, #tpu.memory_space<vmem>>) attributes {dimension_semantics = [], scalar_prefetch = 0 : i64, scratch_operands = 0 : i64, tpu.core_type = #tpu.core_type<tc>} {
    %get3A = arith.constant 0 : index
    %get3A_0 = arith.constant 0 : index
    %get3A_1 = arith.constant 0 : index
    %get3A_2 = vector.load %arg2[%get3A, %get3A_0, %get3A_1] : memref<2x500x128xf32, #tpu.memory_space<vmem>>, vector<1x500x128xf32>
    %get3A_3 = vector.shape_cast %get3A_2 : vector<1x500x128xf32> to vector<500x128xf32>
    %get3A_4 = arith.constant 1 : index
    %get3A_5 = arith.constant 0 : index
    %get3A_6 = arith.constant 0 : index
    %get3A_7 = vector.load %arg2[%get3A_4, %get3A_5, %get3A_6] : memref<2x500x128xf32, #tpu.memory_space<vmem>>, vector<1x500x128xf32>
    %get3A_8 = vector.shape_cast %get3A_7 : vector<1x500x128xf32> to vector<500x128xf32>
    %add3A = arith.addf %get3A_3, %get3A_8 : vector<500x128xf32>
    %swap3A = arith.constant 0 : index
    %swap3A_9 = arith.constant 0 : index
    %swap3A_10 = vector.load %arg4[%swap3A, %swap3A_9] : memref<500x128xf32, #tpu.memory_space<vmem>>, vector<500x128xf32>
    tpu.vector_store %arg4[%swap3A, %swap3A_9], %add3A {strides = array<i32>} : memref<500x128xf32, #tpu.memory_space<vmem>>, vector<500x128xf32>,
    %get3A_11 = arith.constant 0 : index
    %get3A_12 = arith.constant 0 : index
    %get3A_13 = arith.constant 0 : index
    %get3A_14 = vector.load %arg3[%get3A_11, %get3A_12, %get3A_13] : memref<2x500x128xf32, #tpu.memory_space<vmem>>, vector<1x500x128xf32>
    %get3A_15 = vector.shape_cast %get3A_14 : vector<1x500x128xf32> to vector<500x128xf32>
    %get3A_16 = arith.constant 1 : index
    %get3A_17 = arith.constant 0 : index
    %get3A_18 = arith.constant 0 : index
    %get3A_19 = vector.load %arg3[%get3A_16, %get3A_17, %get3A_18] : memref<2x500x128xf32, #tpu.memory_space<vmem>>, vector<1x500x128xf32>
    %get3A_20 = vector.shape_cast %get3A_19 : vector<1x500x128xf32> to vector<500x128xf32>
    %add3A_21 = arith.addf %get3A_15, %get3A_20 : vector<500x128xf32>
    %get3A_22 = arith.constant 0 : index
    %get3A_23 = arith.constant 0 : index
    %get3A_24 = vector.load %arg0[%get3A_22, %get3A_23] : memref<500x128xf32, #tpu.memory_space<vmem>>, vector<500x128xf32>
    %tanh3A = math.tanh %get3A_24 : vector<500x128xf32>
    %get3A_25 = arith.constant 0 : index
    %get3A_26 = arith.constant 0 : index
    %get3A_27 = vector.load %arg1[%get3A_25, %get3A_26] : memref<500x128xf32, #tpu.memory_space<vmem>>, vector<500x128xf32>
    %neg3A = arith.constant 0.000000e+00 : f32
    %neg3A_28 = vector.broadcast %neg3A : f32 to vector<500x128xf32>
    %neg3A_29 = arith.subf %neg3A_28, %get3A_27 : vector<500x128xf32>
    %mul3A = arith.mulf %tanh3A, %tanh3A : vector<500x128xf32>
    %sub3A = arith.constant 1.000000e+00 : f32
    %sub3A_30 = vector.broadcast %sub3A : f32 to vector<500x128xf32>
    %sub3A_31 = arith.subf %sub3A_30, %mul3A : vector<500x128xf32>
    %mul3A_32 = arith.mulf %sub3A_31, %add3A_21 : vector<500x128xf32>
    %add3A_33 = arith.addf %neg3A_29, %mul3A_32 : vector<500x128xf32>
    %swap3A_34 = arith.constant 0 : index
    %swap3A_35 = arith.constant 0 : index
    %swap3A_36 = vector.load %arg5[%swap3A_34, %swap3A_35] : memref<500x128xf32, #tpu.memory_space<vmem>>, vector<500x128xf32>
    tpu.vector_store %arg5[%swap3A_34, %swap3A_35], %add3A_33 {strides = array<i32>} : memref<500x128xf32, #tpu.memory_space<vmem>>, vector<500x128xf32>,
    return
  }
}

</mosaic_0001>

<sc_bundles>
// kernel: kernel.4.cloned.1.call-start
scs
__scs_entry_jumppad:
0x0: {  	(pc) =	sbr.rel $0x88, $3  }
0x1: {  	(tag) =	ssettag $0x0;
	lr =	simm.s32 $0x1  }
0x2: {  	[smem:$0x3F9D] =	sst lr;
	_ =	strace $0xD0000000  }
0x3: {  	_ = 	snop  }
0x4: {  	_ = 	snop  }
0x5: {  	_ = 	snop  }
0x6: {  	_ = 	snop  }
0x7: {  	_ = 	snop  }
__scs_overlays_trampoline_lowered:
0x8: {  	[smem:$0x3FAC] =	sst s0  }
0x9: {  	[smem:$0x3FAD] =	sst s1  }
0xa: {  	[smem:$0x3FAE] =	sst s2  }
0xb: {  	[smem:$0x3FAF] =	sst s3  }
0xc: {  	[smem:$0x3FB0] =	sst s4  }
0xd: {  	[smem:$0x3FB1] =	sst s5  }
0xe: {  	[smem:$0x3FB2] =	sst s6  }
0xf: {  	[smem:$0x3FB3] =	sst s7  }
0x10: {  	[smem:$0x3FB4] =	sst s8  }
0x11: {  	[smem:$0x3FB5] =	sst s9;
	s0 =	simm.s32 @!p0 $0x0  }
0x12: {  	s1 =	sld [smem:$0x3F9B];
	s0 =	simm.s32 @p0 $0x1  }
0x13: {  	[smem:$0x3FB6] =	sst s0;
	s0 =	simm.s32 @!p1 $0x0  }
0x14: {  	s2 =	sld [smem:$0x3F9A];
	s0 =	simm.s32 @p1 $0x1  }
0x15: {  	[smem:$0x3FB7] =	sst s0;
	s0 =	simm.s32 @!p2 $0x0  }
0x16: {  	s3 =	sld [smem:$0x3FDB];
	s0 =	simm.s32 @p2 $0x1  }
0x17: {  	s4 =	simm.s32 $0x1BF5;
	[smem:$0x3FB9] =	sst s0  }
0x18: {  	s0 =	sld [smem:$0x3F9C];
	_ =	swait.ge [sflag:s4], $0x0  }
0x19: {  	s7 =	sld [smem:$0x3F9D]  }
0x1a: {  	s8 =	sadd.s32 $0xFFFFE003, lr  }
0x1b: {  	s9 =	sadd.s32 $0xFFFFFEF7, lr;
	s5 =	simm.s32 $0xFFFFFFFF;
	p2 =	slt.u32 s8, $0xFFFFF086  }
0x1c: {  	p1 =	slt.u32 s9, $0xF7A;
	s5 =	simm.s32 @!p2 $0x0  }
0x1d: {  	s5 =	simm.s32 @p1 $0x1;
	p0 =	seq.s32 s7, s2  }
0x1e: {  	s7 =	smul.u32 @!p0 $0xF7A, s2;
	p2 =	seq.s32 @!p0 s5, $0x0  }
0x1f: {  	s9 =	smul.u32 $0xF7A, s1;
	s8 =	simm.s32 @!p0 $0x1BF5;
	p2 =	por !p2, p0  }
0x20: {  	[sflag:s8] =	ssyncset.s32 @!p0 $0xFFFFF086;
	s6 =	sadd.s32 @!p0 s3, s7;
	s7 =	simm.s32 @!p0 $0x108  }
0x21: {  	s3 =	sadd.s32 s3, s9;
	s6 =	sadd.s32 @!p0 $0x88, s6;
	s7 =	simm.s32 @p2 $0x1082  }
0x22: {  	[simem:s7], [sflag:s8] =	dma.local @!p0 [hbm:s6], $0xF7A  }
0x23: {  	s9 =	sor.u32 $0xD0000000, s2;
	s6 =	simm.s32 $0x108;
	_ =	swait.ge @!p0 [sflag:s8], $0x0  }
0x24: {  	s3 =	sadd.s32 $0x88, s3;
	s6 =	simm.s32 @!p1 $0x1082;
	[sflag:s4] =	ssyncset.s32 $0xFFFFF086  }
0x25: {  	[simem:s6], [sflag:s4] =	dma.local [hbm:s3], $0xF7A  }
0x26: {  	[smem:$0x3F9D] =	sst s1;
	(tag) =	ssettag s2;
	_ =	strace s9  }
0x27: {  	s1 =	sld [smem:$0x3FAD]  }
0x28: {  	s2 =	sld [smem:$0x3FAE]  }
0x29: {  	s4 =	sld [smem:$0x3FB0]  }
0x2a: {  	p0 =	seq.s32 s5, $0x0;
	s5 =	sld [smem:$0x3FB1]  }
0x2b: {  	s6 =	sld [smem:$0x3FB2]  }
0x2c: {  	s7 =	sld [smem:$0x3FB3]  }
0x2d: {  	s3 =	simm.s32 $0x108;
	s8 =	sld [smem:$0x3FB4]  }
0x2e: {  	s3 =	simm.s32 @!p0 $0x1082;
	s9 =	sld [smem:$0x3FB5]  }
0x2f: {  	lr =	sadd.s32 s0, s3;
	s0 =	sld [smem:$0x3FAC]  }
0x30: {  	s3 =	sld [smem:$0x3FAF]  }
0x31: {  	[smem:$0x3FB8] =	sst s10  }
0x32: {  	s10 =	sld [smem:$0x3FB6];
	_ =	sdelay $0x3  }
0x33: {  	p0 =	seq.s32 s10, $0x1;
	s10 =	sld [smem:$0x3FB8];
	_ =	sdelay $0x3  }
0x34: {  	[smem:$0x3FB8] =	sst s10  }
0x35: {  	s10 =	sld [smem:$0x3FB7];
	_ =	sdelay $0x3  }
0x36: {  	p1 =	seq.s32 s10, $0x1;
	s10 =	sld [smem:$0x3FB8];
	_ =	sdelay $0x3  }
0x37: {  	[smem:$0x3FB8] =	sst s10  }
0x38: {  	s10 =	sld [smem:$0x3FB9]  }
0x39: {  	_ = 	snop;
	(pc) =	sbr.ind lr, $3  }
0x3a: {  	_ = 	snop  }
0x3b: {  	_ = 	snop  }
0x3c: {  	p2 =	seq.s32 s10, $0x1;
	s10 =	sld [smem:$0x3FB8]  }
0x3d: {  	_ =	shalt  }
0x3e: {  	_ =	shalt  }
0x3f: {  	_ =	shalt  }
0x40: {  	_ =	shalt  }
0x41: {  	_ =	shalt  }
0x42: {  	_ =	shalt  }
0x43: {  	_ =	shalt  }
0x44: {  	_ =	shalt  }
0x45: {  	_ =	shalt  }
0x46: {  	_ =	shalt  }
0x47: {  	_ =	shalt  }
0x48: {  	_ =	shalt  }
0x49: {  	_ =	shalt  }
0x4a: {  	_ =	shalt  }
0x4b: {  	_ =	shalt  }
0x4c: {  	_ =	shalt  }
0x4d: {  	_ =	shalt  }
0x4e: {  	_ =	shalt  }
0x4f: {  	_ =	shalt  }
0x50: {  	_ =	shalt  }
0x51: {  	_ =	shalt  }
0x52: {  	_ =	shalt  }
0x53: {  	_ =	shalt  }
0x54: {  	_ =	shalt  }
0x55: {  	_ =	shalt  }
0x56: {  	_ =	shalt  }
0x57: {  	_ =	shalt  }
0x58: {  	_ =	shalt  }
0x59: {  	_ =	shalt  }
0x5a: {  	_ =	shalt  }
0x5b: {  	_ =	shalt  }
0x5c: {  	_ =	shalt  }
0x5d: {  	_ =	shalt  }
0x5e: {  	_ =	shalt  }
0x5f: {  	_ =	shalt  }
0x60: {  	_ =	shalt  }
0x61: {  	_ =	shalt  }
0x62: {  	_ =	shalt  }
0x63: {  	_ =	shalt  }
0x64: {  	_ =	shalt  }
0x65: {  	_ =	shalt  }
0x66: {  	_ =	shalt  }
0x67: {  	_ =	shalt  }
0x68: {  	_ =	shalt  }
0x69: {  	_ =	shalt  }
0x6a: {  	_ =	shalt  }
0x6b: {  	_ =	shalt  }
0x6c: {  	_ =	shalt  }
0x6d: {  	_ =	shalt  }
0x6e: {  	_ =	shalt  }
0x6f: {  	_ =	shalt  }
0x70: {  	_ =	shalt  }
0x71: {  	_ =	shalt  }
0x72: {  	_ =	shalt  }
0x73: {  	_ =	shalt  }
0x74: {  	_ =	shalt  }
0x75: {  	_ =	shalt  }
0x76: {  	_ =	shalt  }
0x77: {  	_ =	shalt  }
0x78: {  	_ =	shalt  }
0x79: {  	_ =	shalt  }
0x7a: {  	_ =	shalt  }
0x7b: {  	_ =	shalt  }
0x7c: {  	_ =	shalt  }
0x7d: {  	_ =	shalt  }
0x7e: {  	_ =	shalt  }
0x7f: {  	_ =	shalt  }
0x80: {  	_ =	shalt  }
0x81: {  	_ =	shalt  }
0x82: {  	_ =	shalt  }
0x83: {  	_ =	shalt  }
0x84: {  	_ =	shalt  }
0x85: {  	_ =	shalt  }
0x86: {  	_ =	shalt  }
0x87: {  	_ =	shalt  }
.Lfunc_end0:
.L_simem_size_0:
called_computation_lowered:
.L_overlay_start_0:
0x88: {  	s2 =	sld [smem:$0x3FD9]  }
0x89: {  	s3 =	sld [smem:$0x3FFE];
	_ =	sdelay $0x1  }
0x8a: {  	s1 =	srdreg.scid  }
0x8b: {  	s0 =	sand.u32 $0x1, s1  }
0x8c: {  	s17 =	sshll.u32 s0, $0xA;
	s2 =	sadd.s32 s3, s2  }
0x8d: {  	s2 =	sadd.s32 s2, s17  }
0x8e: {  	[smem:$0x3FC4] =	sst s2  }
0x8f: {  	_ = 	snop  }
0x90: {  	s2 =	sld [smem:$0x3FC6];
	(tm) =	ssettm $0x1  }
0x91: {  	s18 =	sld [smem:$0x3FFB];
	_ =	sdelay $0x3  }
0x92: {  	_ =	strace s18  }
0x93: {  	s3 =	sld [smem:$0x3FFC];
	_ =	sdelay $0x3  }
0x94: {  	_ =	strace s3  }
0x95: {  	s3 =	sld [smem:$0x3FFD];
	_ =	sdelay $0x3  }
0x96: {  	_ =	strace s3  }
0x97: {  	_ =	strace $0x8FFFFFFF  }
0x98: {  	s19 =	sld [smem:$0x3FDB];
	_ =	sdelay $0x1  }
0x99: {  	s4 =	simm.s32 $_scs_section_size  }
0x9a: {  	s5 =	simm.s32 $_size__tile_overlayer_lowered;
	s6 =	simm.s32 $_tile_overlayer_lowered  }
0x9b: {  	s22 =	simm.s32 $0x1BFF;
	s21 =	sshll.u32 s6, $0x1;
	s3 =	sadd.s32 s4, s19  }
0x9c: {  	s7 =	simm.s32 $0x0;
	s20 =	sshll.u32 s5, $0x1;
	s5 =	sadd.s32 s21, s3  }
0x9d: {  	[timem:s7], [sflag:s22] =	dma.local [hbm:s5], s20  }
0x9e: {  	_ =	swait.ge [sflag:s22], s20  }
0x9f: {  	s4 =	ssub.s32 $0x0, s20;
	[sflag:s22] =	ssyncset.done $0x0  }
0xa0: {  	[sflag:s22] =	ssyncadd.s32 s4;
	_ =	sdelay $0x1  }
0xa1: {  	s23 =	simm.s32 $0x1B8B  }
0xa2: {  	_ =	swait.ge [sflag:s23], $0x1  }
0xa3: {  	[sflag:s23] =	ssyncset.done $0x0  }
0xa4: {  	s25 =	simm.s32 $0x1B8E;
	s24 =	sld [smem:$0x3FFE];
	[sflag:s23] =	ssyncadd.s32 $0xFFFFFFFF  }
0xa5: {  	s26 =	simm.s32 $execute0_lowered;
	[smem:$0x3FD2] =	sst s25  }
0xa6: {  	s5 =	sshll.u32 s26, $0x1;
	_ =	strace $0x80000046;
	[dreg:$0x1] =	wrdreg $0xFFFFFFFF  }
0xa7: {  	s28 =	simm.s32 $_size_execute0_lowered;
	s3 =	sadd.s32 s3, s5;
	[dreg:$0x0] =	wrdreg $0x0  }
0xa8: {  	s5 =	sshll.u32 s28, $0x1;
	[dreg:$0x2] =	wrdreg s3  }
0xa9: {  	[dreg:$0x3] =	wrdreg s5  }
0xaa: {  	[dreg:$0x4] =	wrdreg $0xC0  }
0xab: {  	_ =	task [dreg:s7], $0x5FFFF  }
0xac: {  	[dreg:$0x1] =	wrdreg $0xFFFFFFFF  }
0xad: {  	[dreg:$0x0] =	wrdreg $0x60  }
0xae: {  	[dreg:$0x2] =	wrdreg s24  }
0xaf: {  	[dreg:$0x3] =	wrdreg s2  }
0xb0: {  	[dreg:$0x4] =	wrdreg $0x0  }
0xb1: {  	[dreg:$0x5] =	wrdreg $0xFA00  }
0xb2: {  	[dreg:$0x6] =	wrdreg $0x1F400  }
0xb3: {  	[dreg:$0x7] =	wrdreg $0x9  }
0xb4: {  	_ =	task.clear_ibuf [dreg:s7], $0x8FFFF;
	_ =	strace $0x90000046  }
0xb5: {  	s29 =	simm.s32 $0x9;
	_ =	strace $0x80000048  }
0xb6: {  	_ =	swait.ge [sflag:s29], $0x1  }
0xb7: {  	[sflag:s29] =	ssyncadd.s32 $0xFFFFFFFF  }
0xb8: {  	_ =	strace $0x90000048  }
0xb9: {  	_ =	sfence  }
0xba: {  	s30 =	sld [smem:$0x0];
	_ =	sdelay $0x2  }
0xbb: {  	s31 =	sshll.u32 s1, $0xD;
	s1 =	sshrl.u32 s1, $0x2  }
0xbc: {  	s3 =	sand.u32 $0x4000, s31;
	s1 =	sadd.s32 s1, s30  }
0xbd: {  	s0 =	sor.u32 s3, s0;
	s1 =	sshll.u32 s1, $0x11  }
0xbe: {  	s0 =	sor.u32 s1, s0  }
0xbf: {  	s0 =	sadd.s32 $0x8F2B, s0  }
0xc0: {  	[sflag:s0] =	ssyncadd.remote.s32 $0x1  }
0xc1: {  	_ =	sfence.sel $0xFFFF  }
0xc2: {  	[dreg:$0x0] =	wrdreg $0xFFFFFFFF;
	(pc) =	sbr.abs _section_cstart, $3  }
0xc3: {  	[dreg:$0x1] =	wrdreg $0xFFFFFFFF  }
0xc4: {  	_ =	task.clear_ibuf [dreg:s7], $0x2FFFF;
	_ =	strace $0x9FFFFFFF  }
0xc5: {  	(tm) =	ssettm $0x7FFFFFFF  }
tec
execute0_lowered:
.L_overlay_start_1:
0x0: {  	(tag) =	ssettag $0x1  }
0x1: {  	s0 =	rddreg [dreg:$0x0]  }
0x2: {  	s11 =	rddreg [dreg:$0x1]  }
0x3: {  	s3 =	rddreg [dreg:$0x2]  }
0x4: {  	s4 =	rddreg [dreg:$0x3]  }
0x5: {  	s5 =	rddreg [dreg:$0x4];
	s10 =	stileid.u32;
	s6 =	simm.s32 $0x0  }
0x6: {  	s2 =	srdreg.scid;
	s31 =	simm.s32 $0x2EE0;
	s14 =	simm.s32 $0x8CA0  }
0x7: {  	s12 =	simm.s32 $0x2;
	s13 =	simm.s32 $0x6;
	s1 =	smul.u32 $0xFA0, s10  }
0x8: {  	[smem:$0x7FF] =	sst s6;
	s2 =	sand.u32 $0x1, s2;
	s7 =	sadd.s32 $0x4600, s0  }
0x9: {  	s15 =	sadd.s32 $0x42E00, s0;
	_ =	strace $0x80000047;
	s8 =	smul.u32 $0xFA00, s2  }
0xa: {  	s9 =	sshll.u32 s2, $0x4;
	s2 =	ssub.s32 $0x2, s2;
	s16 =	sshrl.u32 s1, $0x3  }
0xb: {  	s9 =	sor.u32 s10, s9;
	s17 =	sshrl.u32 s2, $0x1;
	s19 =	sadd.s32 s1, s3  }
0xc: {  	s23 =	sadd.s32 s1, s4;
	s10 =	simm.s32 $0x4E20;
	s6 =	sadd.s32 s16, s0  }
0xd: {  	s8 =	sadd.s32 s1, s8;
	s9 =	smul.u32 $0xFA00, s9;
	s2 =	ssub.s32 s2, s17  }
0xe: {  	[dreg:$0x8] =	wrdreg s19;
	s1 =	sadd.s32 s1, s5;
	s17 =	simm.s32 $0x5  }
0xf: {  	[dreg:$0xa] =	wrdreg s23;
	s8 =	sshrl.u32 s8, $0x3;
	s18 =	sadd.s32 $0x600, s6  }
0x10: {  	s6 =	sadd.s32 $0x2600, s6;
	[dreg:$0xb] =	wrdreg s1;
	s30 =	smax.u32 s2, $0x1  }
0x11: {  	s2 =	simm.s32 $0x1;
	s8 =	sadd.s32 s8, s0;
	[dreg:$0x6] =	wrdreg s18  }
0x12: {  	[dreg:$0x7] =	wrdreg s6;
	s20 =	sshrl.u32 s9, $0x3;
	s25 =	sadd.s32 $0x1F40, s9  }
0x13: {  	s19 =	sadd.s32 $0x3E80, s9;
	[dreg:$0x14] =	wrdreg s30;
	s18 =	simm.s32 $0xB  }
0x14: {  	s6 =	simm.s32 $0xFA0;
	s9 =	simm.s32 $0x4;
	[dreg:$0x9] =	wrdreg s20  }
0x15: {  	s21 =	sadd.s32 s7, s20;
	s22 =	sadd.s32 s11, s20;
	[dreg:$0xf] =	wrdreg s25  }
0x16: {  	s24 =	sadd.s32 $0x1B58, s20;
	s28 =	sadd.s32 $0x85600, s8;
	[dreg:$0xc] =	wrdreg s21  }
0x17: {  	s29 =	sadd.s32 $0x81600, s8;
	s20 =	simm.s32 $0x3;
	[dreg:$0xd] =	wrdreg s22  }
0x18: {  	s25 =	simm.s32 $0x9C40;
	s8 =	simm.s32 $0x0;
	[dreg:$0xe] =	wrdreg s24  }
0x19: {  	s26 =	sadd.s32 s7, s24;
	s0 =	sadd.s32 s11, s24;
	[dreg:$0x12] =	wrdreg s28  }
0x1a: {  	[dreg:$0x13] =	wrdreg s29;
	s21 =	simm.s32 $0x7;
	s22 =	simm.s32 $0x7D00  }
0x1b: {  	s11 =	simm.s32 $0x9;
	s24 =	simm.s32 $0x8;
	[dreg:$0x10] =	wrdreg s26  }
0x1c: {  	v0 =	vimm.f32 $0.0e+00;
	[dreg:$0x11] =	wrdreg s0;
	s0 =	simm.s32 $0x6D60;
	s26 =	simm.s32 $0xA  }
.LBB2_1:
0x1d: {  	[dreg:$0x15] =	wrdreg s8  }
0x1e: {  	s1 =	simm.s32 $0x0;
	s23 =	rddreg [dreg:$0x6];
	s16 =	simm.s32 $0xABE0  }
0x1f: {  	[tilespmem:s16], [sflag:$0xB] =	stream.linear.gather [hbm4b:s23+s1], $0xFA0, $0x38;
	[tilespmem:$0x1A5E0] =	vst v63  }
0x20: {  	_ =	swait.ge [sflag:s18], $0xFA0  }
0x21: {  	[sflag:s18] =	ssyncset.done $0x0  }
0x22: {  	s23 =	simm.s32 $0x16760;
	s16 =	rddreg [dreg:$0x7];
	[sflag:s18] =	ssyncadd.s32 $0xFFFFF060  }
0x23: {  	[tilespmem:s23], [sflag:$0xB] =	stream.linear.gather [hbm4b:s16+s1], $0xFA0, $0x38;
	[tilespmem:$0x1A5E0] =	vst v63  }
0x24: {  	_ =	swait.ge [sflag:s18], $0xFA0  }
0x25: {  	[sflag:s18] =	ssyncset.done $0x0  }
0x26: {  	s28 =	simm.s32 $0x0;
	[sflag:s18] =	ssyncadd.s32 $0xFFFFF060  }
0x27: {  	v1 =	vld [tilespmem:s28+$0xABE0];
	_ =	sdelay $0x4  }
0x28: {  	v1 =	vadd.f32 v1, v1  }
0x29: {  	s23 =	simm.s32 $0x10;
	[tilespmem:s28+$0x128E0] =	vst v0  }
0x2a: {  	v2 =	vld [tilespmem:s23+$0xABE0];
	v1 =	vmul.f32 $1.442695020e+00, v1  }
0x2b: {  	s8 =	simm.s32 $0x20;
	[tilespmem:s23+$0x128E0] =	vst v0  }
0x2c: {  	(erf) = vpow2.f32 v1;
	v1 =	vld [tilespmem:s8+$0xABE0];
	_ =	sdelay $0x2  }
0x2d: {  	v2 =	vadd.f32 v2, v2;
	_ =	sdelay $0x1  }
0x2e: {  	v2 =	vmul.f32 $1.442695020e+00, v2;
	v1 =	vadd.f32 v1, v1;
	_ =	sdelay $0x1  }
0x2f: {  	(erf) = vpow2.f32 v2;
	v1 =	vmul.f32 $1.442695020e+00, v1  }
0x30: {  	s29 =	simm.s32 $0x30;
	[tilespmem:s8+$0x128E0] =	vst v0  }
0x31: {  	v3 =	vpop (erf);
	(erf) = vpow2.f32 v1;
	v1 =	vld [tilespmem:s29+$0xABE0]  }
0x32: {  	v2 =	vadd.f32 $1.000000000e+00, v3  }
0x33: {  	s16 =	simm.s32 $0x40;
	[tilespmem:s29+$0x128E0] =	vst v0  }
0x34: {  	(erf) = vrcp.f32 v2;
	v2 =	vld [tilespmem:s16+$0xABE0];
	_ =	sdelay $0x1  }
0x35: {  	v1 =	vadd.f32 v1, v1;
	_ =	sdelay $0x1  }
0x36: {  	v3 =	vpop (erf);
	v1 =	vmul.f32 $1.442695020e+00, v1  }
0x37: {  	v3 =	vadd.f32 $1.000000000e+00, v3;
	v2 =	vadd.f32 v2, v2  }
0x38: {  	(erf) = vpow2.f32 v1  }
0x39: {  	v4 =	vpop (erf);
	v1 =	vmul.f32 $1.442695020e+00, v2;
	(erf) = vrcp.f32 v3  }
0x3a: {  	s30 =	simm.s32 $0x50;
	[tilespmem:s16+$0x128E0] =	vst v0;
	v3 =	vadd.f32 $1.000000000e+00, v4  }
0x3b: {  	[tilespmem:s30+$0x128E0] =	vst v0;
	v2 =	vld [tilespmem:s30+$0xABE0];
	v5 =	vpop (erf);
	(erf) = vpow2.f32 v1  }
0x3c: {  	v1 =	vld [tilespmem:s28+$0x16760];
	(erf) = vrcp.f32 v3  }
0x3d: {  	v4 =	vadd.f32 v5, v5;
	_ =	sdelay $0x1  }
0x3e: {  	s1 =	simm.s32 $0x180;
	v3 =	vsub.f32 $1.000000000e+00, v4  }
.LBB2_2:
0x3f: {  	s18 =	sshra.s32 s1, $0x2;
	v4 =	vadd.f32 v2, v2;
	p0 =	sne.s32 s1, $0x3E40  }
.Ltmp0:
0x40: {  	s1 =	sadd.s32 $0x40, s1;
	v2 =	vld [tilespmem:s18+$0xABE0];
	[tilespmem:s18+$0x128E0] =	vst v0;
	v5 =	vpop (erf);
	v3 =	vpack.i.f32.bf16 v1, v3;
	(pc) =	sbr.rel @p0 .LBB2_2-.Ltmp0, $4  }
0x41: {  	v4 =	vmul.f32 $1.442695020e+00, v4;
	v1 =	vld [tilespmem:s23+$0x16760];
	v6 =	vpop (erf);
	[tilespmem:s28+$0xEA60] =	vst v3;
	s28 =	smov.u32 s23;
	s23 =	smov.u32 s8;
	s8 =	smov.u32 s29  }
0x42: {  	v3 =	vadd.f32 $1.000000000e+00, v5;
	s29 =	smov.u32 s16;
	s16 =	smov.u32 s30;
	s30 =	smov.u32 s18;
	v5 =	vadd.f32 v6, v6  }
0x43: {  	(erf) = vpow2.f32 v4  }
0x44: {  	(erf) = vrcp.f32 v3;
	v3 =	vsub.f32 $1.000000000e+00, v5  }
0x45: {  	v2 =	vadd.f32 v2, v2;
	_ =	sdelay $0x1  }
0x46: {  	v2 =	vmul.f32 $1.442695020e+00, v2;
	_ =	sdelay $0x2  }
0x47: {  	(erf) = vpow2.f32 v2  }
0x48: {  	v2 =	vpop (erf)  }
0x49: {  	v2 =	vadd.f32 $1.000000000e+00, v2;
	_ =	sdelay $0x2  }
0x4a: {  	(erf) = vrcp.f32 v2  }
0x4b: {  	v2 =	vpop (erf)  }
0x4c: {  	v4 =	vld [tilespmem:s23+$0x16760];
	v5 =	vpop (erf)  }
0x4d: {  	v2 =	vadd.f32 v2, v2;
	v6 =	vpop (erf)  }
0x4e: {  	v5 =	vadd.f32 $1.000000000e+00, v5;
	v7 =	vpop (erf)  }
0x4f: {  	v1 =	vpack.i.f32.bf16 v1, v3;
	v2 =	vsub.f32 $1.000000000e+00, v2;
	v3 =	vadd.f32 $1.000000000e+00, v7  }
0x50: {  	[tilespmem:s28+$0xEA60] =	vst v1;
	(erf) = vrcp.f32 v5  }
0x51: {  	v1 =	vpack.i.f32.bf16 v4, v2;
	v2 =	vld [tilespmem:s8+$0x16760];
	(erf) = vrcp.f32 v3  }
0x52: {  	[tilespmem:s23+$0xEA60] =	vst v1;
	v1 =	vadd.f32 v6, v6  }
0x53: {  	v3 =	vld [tilespmem:s29+$0x16760];
	v62 =	vpop (erf)  }
0x54: {  	v1 =	vsub.f32 $1.000000000e+00, v1;
	v4 =	vadd.f32 v62, v62;
	_ =	sdelay $0x1  }
0x55: {  	v1 =	vpack.i.f32.bf16 v2, v1;
	v2 =	vsub.f32 $1.000000000e+00, v4;
	_ =	sdelay $0x1  }
0x56: {  	[tilespmem:s8+$0xEA60] =	vst v1;
	v1 =	vpack.i.f32.bf16 v3, v2  }
0x57: {  	v2 =	vld [tilespmem:s16+$0x16760];
	v3 =	vpop (erf);
	[tilespmem:s29+$0xEA60] =	vst v1  }
0x58: {  	v1 =	vadd.f32 v3, v3;
	v3 =	vld [tilespmem:s30+$0x16760];
	v63 =	vpop (erf)  }
0x59: {  	v4 =	vadd.f32 v63, v63  }
0x5a: {  	v1 =	vsub.f32 $1.000000000e+00, v1  }
0x5b: {  	v4 =	vsub.f32 $1.000000000e+00, v4  }
0x5c: {  	v1 =	vpack.i.f32.bf16 v2, v1  }
0x5d: {  	[tilespmem:s16+$0xEA60] =	vst v1;
	v1 =	vpack.i.f32.bf16 v3, v4  }
0x5e: {  	s1 =	rddreg [dreg:$0x8];
	s8 =	simm.s32 $0xB;
	s16 =	simm.s32 $0xEA60;
	[tilespmem:s30+$0xEA60] =	vst v1  }
0x5f: {  	[spmem:s1] =	stream.linear.scatter [tilespmem:s16], [sflag:$0xB], $0xFA0, $0x38;
	[tilespmem:$0x1A5E0] =	vst v63  }
0x60: {  	_ =	swait.ge [sflag:s8], $0xFA0  }
0x61: {  	[sflag:s8] =	ssyncset.done $0x0  }
0x62: {  	s23 =	simm.s32 $0x128E0;
	s18 =	rddreg [dreg:$0xa];
	[sflag:s8] =	ssyncadd.s32 $0xFFFFF060  }
0x63: {  	[spmem:s18] =	stream.linear.scatter [tilespmem:s23], [sflag:$0xB], $0xFA0, $0x38;
	[tilespmem:$0x1A5E0] =	vst v63  }
0x64: {  	_ =	swait.ge [sflag:s8], $0xFA0  }
0x65: {  	[sflag:s8] =	ssyncset.done $0x0  }
0x66: {  	s28 =	rddreg [dreg:$0xb];
	[sflag:s8] =	ssyncadd.s32 $0xFFFFF060  }
0x67: {  	[spmem:s28] =	stream.linear.scatter [tilespmem:s23], [sflag:$0xB], $0xFA0, $0x38;
	[tilespmem:$0x1A5E0] =	vst v63  }
0x68: {  	_ =	swait.ge [sflag:s8], $0xFA0  }
0x69: {  	[sflag:s8] =	ssyncset.done $0x0  }
0x6a: {  	[sflag:s8] =	ssyncadd.s32 $0xFFFFF060  }
0x6b: {  	[bflag:$0x0] =	sbarrier.arrive $0xFFFF  }
0x6c: {  	s16 =	rddreg [dreg:$0xc]  }
0x6d: {  	s8 =	simm.s32 $0x0;
	s18 =	rddreg [dreg:$0x9]  }
0x6e: {  	[tilespmem:s31], [sflag:$0x1] =	stream.linear.gather [hbm4b:s16+s8], $0x1F40, $0x38;
	[tilespmem:$0x1A5E0] =	vst v63  }
0x6f: {  	s30 =	simm.s32 $0x128E0;
	s23 =	rddreg [dreg:$0xd];
	s1 =	sadd.s32 s18, s15  }
0x70: {  	[tilespmem:s0], [sflag:$0x1] =	stream.linear.gather [hbm4b:s1+s8], $0x1F40, $0x38;
	[tilespmem:$0x1A5E0] =	vst v63  }
0x71: {  	s28 =	simm.s32 $0xABE0;
	s29 =	rddreg [dreg:$0x1];
	s16 =	simm.s32 $0x0  }
0x72: {  	[tilespmem:s28], [sflag:$0x1] =	stream.linear.gather [hbm4b:s23+s8], $0x1F40, $0x38;
	[tilespmem:$0x1A5E0] =	vst v63  }
.LBB2_4:
0x73: {  	_ =	swait.ge [sflag:s2], $0x1F40  }
0x74: {  	[sflag:s2] =	ssyncset.done $0x0  }
0x75: {  	[sflag:s2] =	ssyncadd.s32 $0xFFFFE0C0  }
0x76: {  	_ =	swait.ge [sflag:s2], $0x1F40  }
0x77: {  	[sflag:s2] =	ssyncset.done $0x0  }
0x78: {  	[sflag:s2] =	ssyncadd.s32 $0xFFFFE0C0  }
0x79: {  	_ =	swait.ge [sflag:s2], $0x1F40  }
0x7a: {  	[sflag:s2] =	ssyncset.done $0x0  }
0x7b: {  	s1 =	simm.s32 $0xEA60;
	[sflag:s2] =	ssyncadd.s32 $0xFFFFE0C0  }
0x7c: {  	[tilespmem:s1], [sflag:$0x3] =	stream.indirect.gather [spmem:s3], $0x1, s31, s6, $0xb8;
	[tilespmem:$0x1A5E0] =	vst v63  }
0x7d: {  	s23 =	smul.u32 $0x3E80, s16;
	s18 =	simm.s32 $0xFA00;
	s1 =	simm.s32 $0x3E80  }
0x7e: {  	[tilespmem:s18], [sflag:$0x7] =	stream.indirect.gather [spmem:s3], $0x1, s1, s6, $0xb8;
	[tilespmem:$0x1A5E0] =	vst v63  }
0x7f: {  	s18 =	rddreg [dreg:$0xf]  }
0x80: {  	s1 =	sadd.s32 s23, s18  }
0x81: {  	s1 =	sshrl.u32 s1, $0x3  }
0x82: {  	s18 =	sadd.s32 s7, s1  }
0x83: {  	[tilespmem:s10], [sflag:$0x2] =	stream.linear.gather [hbm4b:s18+s8], $0x1F40, $0x38;
	[tilespmem:$0x1A5E0] =	vst v63  }
0x84: {  	s18 =	sadd.s32 s15, s1  }
0x85: {  	[tilespmem:s14], [sflag:$0x2] =	stream.linear.gather [hbm4b:s18+s8], $0x1F40, $0x38;
	[tilespmem:$0x1A5E0] =	vst v63  }
0x86: {  	s1 =	sadd.s32 s29, s1;
	s18 =	simm.s32 $0xCB20  }
0x87: {  	[tilespmem:s18], [sflag:$0x2] =	stream.linear.gather [hbm4b:s1+s8], $0x1F40, $0x38;
	[tilespmem:$0x1A5E0] =	vst v63  }
0x88: {  	_ =	swait.ge [sflag:s20], $0xFA0  }
0x89: {  	[sflag:s20] =	ssyncset.done $0x0  }
0x8a: {  	s1 =	simm.s32 $0x0;
	[sflag:s20] =	ssyncadd.s32 $0xFFFFF060  }
0x8b: {  	v1 =	vld [tilespmem:s1+$0xEA60]  }
0x8c: {  	v2 =	vld [tilespmem:s1+$0xABE0];
	_ =	sdelay $0x1  }
0x8d: {  	s28 =	simm.s32 $0x40  }
.LBB2_5:
0x8e: {  	p0 =	sne.s32 s28, $0x3E40  }
.Ltmp1:
0x8f: {  	s18 =	sshra.s32 s28, $0x2;
	s28 =	sadd.s32 $0x40, s28;
	v3 =	vunpack.i.u.bf16.f32 v1;
	v4 =	vunpack.i.l.bf16.f32 v1;
	(pc) =	sbr.rel @p0 .LBB2_5-.Ltmp1, $4  }
0x90: {  	v1 =	vld [tilespmem:s18+$0xEA60];
	v4 =	vmul.f32 v2, v4;
	v3 =	vmul.f32 v2, v3  }
0x91: {  	v2 =	vld [tilespmem:s18+$0xABE0]  }
0x92: {  	[tilespmem:s1+$0x16760] =	vst v3  }
0x93: {  	[tilespmem:s1+$0x128E0] =	vst v4;
	s1 =	smov.u32 s18  }
0x94: {  	_ = 	snop  }
0x95: {  	v3 =	vunpack.i.u.bf16.f32 v1  }
0x96: {  	v1 =	vunpack.i.l.bf16.f32 v1;
	v3 =	vmul.f32 v2, v3  }
0x97: {  	v1 =	vmul.f32 v2, v1  }
0x98: {  	[tilespmem:s1+$0x16760] =	vst v3  }
0x99: {  	[tilespmem:s1+$0x128E0] =	vst v1  }
0x9a: {  	[spmem:s4] =	stream.indirect.scatter.add.f32 [tilespmem:s30], [sflag:$0x5], $0x1, s0, s6, $0xb8;
	[tilespmem:$0x1A5E0] =	vst v63  }
0x9b: {  	s18 =	simm.s32 $0x16760  }
0x9c: {  	[spmem:s5] =	stream.indirect.scatter.add.f32 [tilespmem:s18], [sflag:$0x5], $0x1, s0, s6, $0xb8;
	[tilespmem:$0x1A5E0] =	vst v63  }
0x9d: {  	_ =	swait.ge [sflag:s21], $0xFA0  }
0x9e: {  	[sflag:s21] =	ssyncset.done $0x0  }
0x9f: {  	s1 =	simm.s32 $0x0;
	[sflag:s21] =	ssyncadd.s32 $0xFFFFF060  }
0xa0: {  	v1 =	vld [tilespmem:s1+$0xFA00]  }
0xa1: {  	v2 =	vld [tilespmem:s1+$0xBB80];
	_ =	sdelay $0x1  }
0xa2: {  	s28 =	simm.s32 $0x40  }
.LBB2_7:
0xa3: {  	p0 =	sne.s32 s28, $0x3E40  }
.Ltmp2:
0xa4: {  	s18 =	sshra.s32 s28, $0x2;
	s28 =	sadd.s32 $0x40, s28;
	v3 =	vunpack.i.u.bf16.f32 v1;
	v4 =	vunpack.i.l.bf16.f32 v1;
	(pc) =	sbr.rel @p0 .LBB2_7-.Ltmp2, $4  }
0xa5: {  	v1 =	vld [tilespmem:s18+$0xFA00];
	v4 =	vmul.f32 v2, v4;
	v3 =	vmul.f32 v2, v3  }
0xa6: {  	v2 =	vld [tilespmem:s18+$0xBB80]  }
0xa7: {  	[tilespmem:s1+$0x17700] =	vst v3  }
0xa8: {  	[tilespmem:s1+$0x13880] =	vst v4;
	s1 =	smov.u32 s18  }
0xa9: {  	_ = 	snop  }
0xaa: {  	v3 =	vunpack.i.u.bf16.f32 v1  }
0xab: {  	v1 =	vunpack.i.l.bf16.f32 v1;
	v3 =	vmul.f32 v2, v3  }
0xac: {  	v1 =	vmul.f32 v2, v1  }
0xad: {  	[tilespmem:s1+$0x17700] =	vst v3  }
0xae: {  	s18 =	simm.s32 $0x13880;
	[tilespmem:s1+$0x13880] =	vst v1  }
0xaf: {  	[spmem:s4] =	stream.indirect.scatter.add.f32 [tilespmem:s18], [sflag:$0x9], $0x1, s22, s6, $0xb8;
	[tilespmem:$0x1A5E0] =	vst v63  }
0xb0: {  	s28 =	simm.s32 $0x17700  }
0xb1: {  	[spmem:s5] =	stream.indirect.scatter.add.f32 [tilespmem:s28], [sflag:$0x9], $0x1, s22, s6, $0xb8;
	[tilespmem:$0x1A5E0] =	vst v63  }
0xb2: {  	_ =	swait.ge [sflag:s17], $0xFA0  }
0xb3: {  	[sflag:s17] =	ssyncset.done $0x0  }
0xb4: {  	[sflag:s17] =	ssyncadd.s32 $0xFFFFF060  }
0xb5: {  	_ =	swait.ge [sflag:s17], $0xFA0  }
0xb6: {  	[sflag:s17] =	ssyncset.done $0x0  }
0xb7: {  	[sflag:s17] =	ssyncadd.s32 $0xFFFFF060  }
0xb8: {  	_ =	swait.ge [sflag:s11], $0xFA0  }
0xb9: {  	[sflag:s11] =	ssyncset.done $0x0  }
0xba: {  	[sflag:s11] =	ssyncadd.s32 $0xFFFFF060  }
0xbb: {  	_ =	swait.ge [sflag:s11], $0xFA0  }
0xbc: {  	[sflag:s11] =	ssyncset.done $0x0  }
0xbd: {  	[sflag:s11] =	ssyncadd.s32 $0xFFFFF060  }
0xbe: {  	_ =	swait.ge [sflag:s12], $0x1F40  }
0xbf: {  	[sflag:s12] =	ssyncset.done $0x0  }
0xc0: {  	[sflag:s12] =	ssyncadd.s32 $0xFFFFE0C0  }
0xc1: {  	_ =	swait.ge [sflag:s12], $0x1F40  }
0xc2: {  	[sflag:s12] =	ssyncset.done $0x0  }
0xc3: {  	[sflag:s12] =	ssyncadd.s32 $0xFFFFE0C0  }
0xc4: {  	_ =	swait.ge [sflag:s12], $0x1F40  }
0xc5: {  	[sflag:s12] =	ssyncset.done $0x0  }
0xc6: {  	s23 =	sadd.s32 s23, s19;
	s18 =	simm.s32 $0x109A0;
	[sflag:s12] =	ssyncadd.s32 $0xFFFFE0C0  }
0xc7: {  	[tilespmem:s18], [sflag:$0x4] =	stream.indirect.gather [spmem:s3], $0x1, s10, s6, $0xb8;
	[tilespmem:$0x1A5E0] =	vst v63  }
0xc8: {  	s1 =	sshrl.u32 s23, $0x3;
	s28 =	simm.s32 $0x5DC0;
	s18 =	simm.s32 $0x11940  }
0xc9: {  	[tilespmem:s18], [sflag:$0x8] =	stream.indirect.gather [spmem:s3], $0x1, s28, s6, $0xb8;
	[tilespmem:$0x1A5E0] =	vst v63  }
0xca: {  	s23 =	simm.s32 $0x0;
	s28 =	sadd.s32 s7, s1  }
0xcb: {  	[tilespmem:s31], [sflag:$0x1] =	stream.linear.gather [hbm4b:s28+s23], $0x1F40, $0x38;
	[tilespmem:$0x1A5E0] =	vst v63  }
0xcc: {  	s28 =	sadd.s32 s15, s1  }
0xcd: {  	[tilespmem:s0], [sflag:$0x1] =	stream.linear.gather [hbm4b:s28+s23], $0x1F40, $0x38;
	[tilespmem:$0x1A5E0] =	vst v63  }
0xce: {  	s1 =	sadd.s32 s29, s1;
	s28 =	simm.s32 $0xABE0  }
0xcf: {  	[tilespmem:s28], [sflag:$0x1] =	stream.linear.gather [hbm4b:s1+s23], $0x1F40, $0x38;
	[tilespmem:$0x1A5E0] =	vst v63  }
0xd0: {  	_ =	swait.ge [sflag:s9], $0xFA0  }
0xd1: {  	[sflag:s9] =	ssyncset.done $0x0  }
0xd2: {  	s1 =	simm.s32 $0x0;
	[sflag:s9] =	ssyncadd.s32 $0xFFFFF060  }
0xd3: {  	v1 =	vld [tilespmem:s1+$0x109A0]  }
0xd4: {  	v2 =	vld [tilespmem:s1+$0xCB20];
	_ =	sdelay $0x1  }
0xd5: {  	s23 =	simm.s32 $0x40  }
.LBB2_9:
0xd6: {  	p0 =	sne.s32 s23, $0x3E40  }
.Ltmp3:
0xd7: {  	s18 =	sshra.s32 s23, $0x2;
	s23 =	sadd.s32 $0x40, s23;
	v3 =	vunpack.i.u.bf16.f32 v1;
	v4 =	vunpack.i.l.bf16.f32 v1;
	(pc) =	sbr.rel @p0 .LBB2_9-.Ltmp3, $4  }
0xd8: {  	v1 =	vld [tilespmem:s18+$0x109A0];
	v4 =	vmul.f32 v2, v4;
	v3 =	vmul.f32 v2, v3  }
0xd9: {  	v2 =	vld [tilespmem:s18+$0xCB20]  }
0xda: {  	[tilespmem:s1+$0x186A0] =	vst v3  }
0xdb: {  	[tilespmem:s1+$0x14820] =	vst v4;
	s1 =	smov.u32 s18  }
0xdc: {  	_ = 	snop  }
0xdd: {  	v3 =	vunpack.i.u.bf16.f32 v1  }
0xde: {  	v1 =	vunpack.i.l.bf16.f32 v1;
	v3 =	vmul.f32 v2, v3  }
0xdf: {  	v1 =	vmul.f32 v2, v1  }
0xe0: {  	[tilespmem:s1+$0x186A0] =	vst v3  }
0xe1: {  	s23 =	simm.s32 $0x14820;
	[tilespmem:s1+$0x14820] =	vst v1  }
0xe2: {  	[spmem:s4] =	stream.indirect.scatter.add.f32 [tilespmem:s23], [sflag:$0x6], $0x1, s14, s6, $0xb8;
	[tilespmem:$0x1A5E0] =	vst v63  }
0xe3: {  	s28 =	simm.s32 $0x186A0  }
0xe4: {  	[spmem:s5] =	stream.indirect.scatter.add.f32 [tilespmem:s28], [sflag:$0x6], $0x1, s14, s6, $0xb8;
	[tilespmem:$0x1A5E0] =	vst v63  }
0xe5: {  	_ =	swait.ge [sflag:s24], $0xFA0  }
0xe6: {  	[sflag:s24] =	ssyncset.done $0x0  }
0xe7: {  	s1 =	simm.s32 $0x0;
	[sflag:s24] =	ssyncadd.s32 $0xFFFFF060  }
0xe8: {  	v1 =	vld [tilespmem:s1+$0x11940]  }
0xe9: {  	v2 =	vld [tilespmem:s1+$0xDAC0];
	_ =	sdelay $0x1  }
0xea: {  	s23 =	simm.s32 $0x40  }
.LBB2_11:
0xeb: {  	p0 =	sne.s32 s23, $0x3E40  }
.Ltmp4:
0xec: {  	s18 =	sshra.s32 s23, $0x2;
	s23 =	sadd.s32 $0x40, s23;
	v3 =	vunpack.i.u.bf16.f32 v1;
	v4 =	vunpack.i.l.bf16.f32 v1;
	(pc) =	sbr.rel @p0 .LBB2_11-.Ltmp4, $4  }
0xed: {  	v1 =	vld [tilespmem:s18+$0x11940];
	v4 =	vmul.f32 v2, v4;
	v3 =	vmul.f32 v2, v3  }
0xee: {  	v2 =	vld [tilespmem:s18+$0xDAC0]  }
0xef: {  	[tilespmem:s1+$0x19640] =	vst v3  }
0xf0: {  	[tilespmem:s1+$0x157C0] =	vst v4;
	s1 =	smov.u32 s18  }
0xf1: {  	_ = 	snop  }
0xf2: {  	v3 =	vunpack.i.u.bf16.f32 v1  }
0xf3: {  	v1 =	vunpack.i.l.bf16.f32 v1;
	v3 =	vmul.f32 v2, v3  }
0xf4: {  	v1 =	vmul.f32 v2, v1  }
0xf5: {  	[tilespmem:s1+$0x19640] =	vst v3  }
0xf6: {  	s23 =	simm.s32 $0x157C0;
	[tilespmem:s1+$0x157C0] =	vst v1  }
0xf7: {  	[spmem:s4] =	stream.indirect.scatter.add.f32 [tilespmem:s23], [sflag:$0xA], $0x1, s25, s6, $0xb8;
	[tilespmem:$0x1A5E0] =	vst v63  }
0xf8: {  	s28 =	simm.s32 $0x19640  }
0xf9: {  	[spmem:s5] =	stream.indirect.scatter.add.f32 [tilespmem:s28], [sflag:$0xA], $0x1, s25, s6, $0xb8;
	[tilespmem:$0x1A5E0] =	vst v63  }
0xfa: {  	_ =	swait.ge [sflag:s13], $0xFA0  }
0xfb: {  	[sflag:s13] =	ssyncset.done $0x0  }
0xfc: {  	[sflag:s13] =	ssyncadd.s32 $0xFFFFF060  }
0xfd: {  	_ =	swait.ge [sflag:s13], $0xFA0  }
0xfe: {  	[sflag:s13] =	ssyncset.done $0x0  }
0xff: {  	s16 =	sadd.s32 $0x1, s16;
	[sflag:s13] =	ssyncadd.s32 $0xFFFFF060  }
0x100: {  	p0 =	sne.s32 s16, $0x3;
	_ =	swait.ge [sflag:s26], $0xFA0  }
.Ltmp5:
0x101: {  	[sflag:s26] =	ssyncset.done $0x0;
	(pc) =	sbr.rel @p0 .LBB2_4-.Ltmp5, $4  }
0x102: {  	[sflag:s26] =	ssyncadd.s32 $0xFFFFF060  }
0x103: {  	_ =	swait.ge [sflag:s26], $0xFA0  }
0x104: {  	[sflag:s26] =	ssyncset.done $0x0  }
0x105: {  	[sflag:s26] =	ssyncadd.s32 $0xFFFFF060  }
0x106: {  	_ =	swait.ge [sflag:s2], $0x1F40  }
0x107: {  	[sflag:s2] =	ssyncset.done $0x0  }
0x108: {  	[sflag:s2] =	ssyncadd.s32 $0xFFFFE0C0  }
0x109: {  	_ =	swait.ge [sflag:s2], $0x1F40  }
0x10a: {  	[sflag:s2] =	ssyncset.done $0x0  }
0x10b: {  	[sflag:s2] =	ssyncadd.s32 $0xFFFFE0C0  }
0x10c: {  	_ =	swait.ge [sflag:s2], $0x1F40  }
0x10d: {  	[sflag:s2] =	ssyncset.done $0x0  }
0x10e: {  	s1 =	simm.s32 $0xEA60;
	[sflag:s2] =	ssyncadd.s32 $0xFFFFE0C0  }
0x10f: {  	[tilespmem:s1], [sflag:$0x3] =	stream.indirect.gather [spmem:s3], $0x1, s31, s6, $0xb8;
	[tilespmem:$0x1A5E0] =	vst v63  }
0x110: {  	s16 =	simm.s32 $0x3E80;
	s8 =	simm.s32 $0xFA00;
	s23 =	rddreg [dreg:$0x10]  }
0x111: {  	[tilespmem:s8], [sflag:$0x7] =	stream.indirect.gather [spmem:s3], $0x1, s16, s6, $0xb8;
	[tilespmem:$0x1A5E0] =	vst v63  }
0x112: {  	s18 =	simm.s32 $0x0;
	s28 =	rddreg [dreg:$0xe]  }
0x113: {  	[tilespmem:s10], [sflag:$0x2] =	stream.linear.gather [hbm4b:s23+s18], $0x1F40, $0x38;
	[tilespmem:$0x1A5E0] =	vst v63  }
0x114: {  	s8 =	sadd.s32 s28, s15  }
0x115: {  	[tilespmem:s14], [sflag:$0x2] =	stream.linear.gather [hbm4b:s8+s18], $0x1F40, $0x38;
	[tilespmem:$0x1A5E0] =	vst v63  }
0x116: {  	s29 =	rddreg [dreg:$0x11];
	s16 =	simm.s32 $0xCB20  }
0x117: {  	[tilespmem:s16], [sflag:$0x2] =	stream.linear.gather [hbm4b:s29+s18], $0x1F40, $0x38;
	[tilespmem:$0x1A5E0] =	vst v63  }
0x118: {  	_ =	swait.ge [sflag:s20], $0xFA0  }
0x119: {  	[sflag:s20] =	ssyncset.done $0x0  }
0x11a: {  	s1 =	simm.s32 $0x0;
	[sflag:s20] =	ssyncadd.s32 $0xFFFFF060  }
0x11b: {  	v1 =	vld [tilespmem:s1+$0xEA60]  }
0x11c: {  	v2 =	vld [tilespmem:s1+$0xABE0];
	_ =	sdelay $0x1  }
0x11d: {  	s8 =	simm.s32 $0x40  }
.LBB2_14:
0x11e: {  	p0 =	sne.s32 s8, $0x3E40  }
.Ltmp6:
0x11f: {  	s16 =	sshra.s32 s8, $0x2;
	s8 =	sadd.s32 $0x40, s8;
	v3 =	vunpack.i.u.bf16.f32 v1;
	v4 =	vunpack.i.l.bf16.f32 v1;
	(pc) =	sbr.rel @p0 .LBB2_14-.Ltmp6, $4  }
0x120: {  	v1 =	vld [tilespmem:s16+$0xEA60];
	v4 =	vmul.f32 v2, v4;
	v3 =	vmul.f32 v2, v3  }
0x121: {  	v2 =	vld [tilespmem:s16+$0xABE0]  }
0x122: {  	[tilespmem:s1+$0x16760] =	vst v3  }
0x123: {  	[tilespmem:s1+$0x128E0] =	vst v4;
	s1 =	smov.u32 s16  }
0x124: {  	_ = 	snop  }
0x125: {  	v3 =	vunpack.i.u.bf16.f32 v1  }
0x126: {  	v1 =	vunpack.i.l.bf16.f32 v1;
	v3 =	vmul.f32 v2, v3  }
0x127: {  	v1 =	vmul.f32 v2, v1  }
0x128: {  	[tilespmem:s1+$0x16760] =	vst v3  }
0x129: {  	[tilespmem:s1+$0x128E0] =	vst v1  }
0x12a: {  	[spmem:s4] =	stream.indirect.scatter.add.f32 [tilespmem:s30], [sflag:$0x5], $0x1, s0, s6, $0xb8;
	[tilespmem:$0x1A5E0] =	vst v63  }
0x12b: {  	s30 =	simm.s32 $0x16760  }
0x12c: {  	[spmem:s5] =	stream.indirect.scatter.add.f32 [tilespmem:s30], [sflag:$0x5], $0x1, s0, s6, $0xb8;
	[tilespmem:$0x1A5E0] =	vst v63  }
0x12d: {  	_ =	swait.ge [sflag:s21], $0xFA0  }
0x12e: {  	[sflag:s21] =	ssyncset.done $0x0  }
0x12f: {  	s1 =	simm.s32 $0x0;
	[sflag:s21] =	ssyncadd.s32 $0xFFFFF060  }
0x130: {  	v1 =	vld [tilespmem:s1+$0xFA00]  }
0x131: {  	v2 =	vld [tilespmem:s1+$0xBB80];
	_ =	sdelay $0x1  }
0x132: {  	s8 =	simm.s32 $0x40;
	s18 =	simm.s32 $0xB;
	s23 =	rddreg [dreg:$0xa]  }
.LBB2_16:
0x133: {  	p0 =	sne.s32 s8, $0x3E40  }
.Ltmp7:
0x134: {  	s16 =	sshra.s32 s8, $0x2;
	s8 =	sadd.s32 $0x40, s8;
	v3 =	vunpack.i.u.bf16.f32 v1;
	v4 =	vunpack.i.l.bf16.f32 v1;
	(pc) =	sbr.rel @p0 .LBB2_16-.Ltmp7, $4  }
0x135: {  	v1 =	vld [tilespmem:s16+$0xFA00];
	v4 =	vmul.f32 v2, v4;
	v3 =	vmul.f32 v2, v3  }
0x136: {  	v2 =	vld [tilespmem:s16+$0xBB80]  }
0x137: {  	[tilespmem:s1+$0x17700] =	vst v3  }
0x138: {  	[tilespmem:s1+$0x13880] =	vst v4;
	s1 =	smov.u32 s16  }
0x139: {  	_ = 	snop  }
0x13a: {  	v3 =	vunpack.i.u.bf16.f32 v1  }
0x13b: {  	v1 =	vunpack.i.l.bf16.f32 v1;
	v3 =	vmul.f32 v2, v3  }
0x13c: {  	v1 =	vmul.f32 v2, v1  }
0x13d: {  	[tilespmem:s1+$0x17700] =	vst v3  }
0x13e: {  	s16 =	simm.s32 $0x13880;
	[tilespmem:s1+$0x13880] =	vst v1  }
0x13f: {  	[spmem:s4] =	stream.indirect.scatter.add.f32 [tilespmem:s16], [sflag:$0x9], $0x1, s22, s6, $0xb8;
	[tilespmem:$0x1A5E0] =	vst v63  }
0x140: {  	s28 =	simm.s32 $0x17700  }
0x141: {  	[spmem:s5] =	stream.indirect.scatter.add.f32 [tilespmem:s28], [sflag:$0x9], $0x1, s22, s6, $0xb8;
	[tilespmem:$0x1A5E0] =	vst v63  }
0x142: {  	_ =	swait.ge [sflag:s17], $0xFA0  }
0x143: {  	[sflag:s17] =	ssyncset.done $0x0  }
0x144: {  	[sflag:s17] =	ssyncadd.s32 $0xFFFFF060  }
0x145: {  	_ =	swait.ge [sflag:s17], $0xFA0  }
0x146: {  	[sflag:s17] =	ssyncset.done $0x0  }
0x147: {  	[sflag:s17] =	ssyncadd.s32 $0xFFFFF060  }
0x148: {  	_ =	swait.ge [sflag:s11], $0xFA0  }
0x149: {  	[sflag:s11] =	ssyncset.done $0x0  }
0x14a: {  	[sflag:s11] =	ssyncadd.s32 $0xFFFFF060  }
0x14b: {  	_ =	swait.ge [sflag:s11], $0xFA0  }
0x14c: {  	[sflag:s11] =	ssyncset.done $0x0  }
0x14d: {  	[sflag:s11] =	ssyncadd.s32 $0xFFFFF060  }
0x14e: {  	_ =	swait.ge [sflag:s12], $0x1F40  }
0x14f: {  	[sflag:s12] =	ssyncset.done $0x0  }
0x150: {  	[sflag:s12] =	ssyncadd.s32 $0xFFFFE0C0  }
0x151: {  	_ =	swait.ge [sflag:s12], $0x1F40  }
0x152: {  	[sflag:s12] =	ssyncset.done $0x0  }
0x153: {  	[sflag:s12] =	ssyncadd.s32 $0xFFFFE0C0  }
0x154: {  	_ =	swait.ge [sflag:s12], $0x1F40  }
0x155: {  	[sflag:s12] =	ssyncset.done $0x0  }
0x156: {  	s29 =	simm.s32 $0x109A0;
	[sflag:s12] =	ssyncadd.s32 $0xFFFFE0C0  }
0x157: {  	[tilespmem:s29], [sflag:$0x4] =	stream.indirect.gather [spmem:s3], $0x1, s10, s6, $0xb8;
	[tilespmem:$0x1A5E0] =	vst v63  }
0x158: {  	s30 =	simm.s32 $0x5DC0;
	s8 =	simm.s32 $0x11940  }
0x159: {  	[tilespmem:s8], [sflag:$0x8] =	stream.indirect.gather [spmem:s3], $0x1, s30, s6, $0xb8;
	[tilespmem:$0x1A5E0] =	vst v63  }
0x15a: {  	_ =	swait.ge [sflag:s9], $0xFA0  }
0x15b: {  	[sflag:s9] =	ssyncset.done $0x0  }
0x15c: {  	s1 =	simm.s32 $0x0;
	[sflag:s9] =	ssyncadd.s32 $0xFFFFF060  }
0x15d: {  	v1 =	vld [tilespmem:s1+$0x109A0]  }
0x15e: {  	v2 =	vld [tilespmem:s1+$0xCB20];
	_ =	sdelay $0x1  }
0x15f: {  	s8 =	simm.s32 $0x40  }
.LBB2_18:
0x160: {  	p0 =	sne.s32 s8, $0x3E40  }
.Ltmp8:
0x161: {  	s16 =	sshra.s32 s8, $0x2;
	s8 =	sadd.s32 $0x40, s8;
	v3 =	vunpack.i.u.bf16.f32 v1;
	v4 =	vunpack.i.l.bf16.f32 v1;
	(pc) =	sbr.rel @p0 .LBB2_18-.Ltmp8, $4  }
0x162: {  	v1 =	vld [tilespmem:s16+$0x109A0];
	v4 =	vmul.f32 v2, v4;
	v3 =	vmul.f32 v2, v3  }
0x163: {  	v2 =	vld [tilespmem:s16+$0xCB20]  }
0x164: {  	[tilespmem:s1+$0x186A0] =	vst v3  }
0x165: {  	[tilespmem:s1+$0x14820] =	vst v4;
	s1 =	smov.u32 s16  }
0x166: {  	_ = 	snop  }
0x167: {  	v3 =	vunpack.i.u.bf16.f32 v1  }
0x168: {  	v1 =	vunpack.i.l.bf16.f32 v1;
	v3 =	vmul.f32 v2, v3  }
0x169: {  	v1 =	vmul.f32 v2, v1  }
0x16a: {  	[tilespmem:s1+$0x186A0] =	vst v3  }
0x16b: {  	s29 =	simm.s32 $0x14820;
	[tilespmem:s1+$0x14820] =	vst v1  }
0x16c: {  	[spmem:s4] =	stream.indirect.scatter.add.f32 [tilespmem:s29], [sflag:$0x6], $0x1, s14, s6, $0xb8;
	[tilespmem:$0x1A5E0] =	vst v63  }
0x16d: {  	s30 =	simm.s32 $0x186A0  }
0x16e: {  	[spmem:s5] =	stream.indirect.scatter.add.f32 [tilespmem:s30], [sflag:$0x6], $0x1, s14, s6, $0xb8;
	[tilespmem:$0x1A5E0] =	vst v63  }
0x16f: {  	_ =	swait.ge [sflag:s24], $0xFA0  }
0x170: {  	[sflag:s24] =	ssyncset.done $0x0  }
0x171: {  	s1 =	simm.s32 $0x0;
	[sflag:s24] =	ssyncadd.s32 $0xFFFFF060  }
0x172: {  	v1 =	vld [tilespmem:s1+$0x11940]  }
0x173: {  	v2 =	vld [tilespmem:s1+$0xDAC0];
	_ =	sdelay $0x1  }
0x174: {  	s8 =	simm.s32 $0x40  }
.LBB2_20:
0x175: {  	p0 =	sne.s32 s8, $0x3E40  }
.Ltmp9:
0x176: {  	s16 =	sshra.s32 s8, $0x2;
	s8 =	sadd.s32 $0x40, s8;
	v3 =	vunpack.i.u.bf16.f32 v1;
	v4 =	vunpack.i.l.bf16.f32 v1;
	(pc) =	sbr.rel @p0 .LBB2_20-.Ltmp9, $4  }
0x177: {  	v1 =	vld [tilespmem:s16+$0x11940];
	v4 =	vmul.f32 v2, v4;
	v3 =	vmul.f32 v2, v3  }
0x178: {  	v2 =	vld [tilespmem:s16+$0xDAC0]  }
0x179: {  	[tilespmem:s1+$0x19640] =	vst v3  }
0x17a: {  	[tilespmem:s1+$0x157C0] =	vst v4;
	s1 =	smov.u32 s16  }
0x17b: {  	_ = 	snop  }
0x17c: {  	v3 =	vunpack.i.u.bf16.f32 v1  }
0x17d: {  	v1 =	vunpack.i.l.bf16.f32 v1;
	v3 =	vmul.f32 v2, v3  }
0x17e: {  	v1 =	vmul.f32 v2, v1  }
0x17f: {  	[tilespmem:s1+$0x19640] =	vst v3  }
0x180: {  	s30 =	simm.s32 $0x157C0;
	[tilespmem:s1+$0x157C0] =	vst v1  }
0x181: {  	[spmem:s4] =	stream.indirect.scatter.add.f32 [tilespmem:s30], [sflag:$0xA], $0x1, s25, s6, $0xb8;
	[tilespmem:$0x1A5E0] =	vst v63  }
0x182: {  	s8 =	simm.s32 $0x19640  }
0x183: {  	[spmem:s5] =	stream.indirect.scatter.add.f32 [tilespmem:s8], [sflag:$0xA], $0x1, s25, s6, $0xb8;
	[tilespmem:$0x1A5E0] =	vst v63  }
0x184: {  	_ =	swait.ge [sflag:s13], $0xFA0  }
0x185: {  	[sflag:s13] =	ssyncset.done $0x0  }
0x186: {  	[sflag:s13] =	ssyncadd.s32 $0xFFFFF060  }
0x187: {  	_ =	swait.ge [sflag:s13], $0xFA0  }
0x188: {  	[sflag:s13] =	ssyncset.done $0x0  }
0x189: {  	[sflag:s13] =	ssyncadd.s32 $0xFFFFF060  }
0x18a: {  	_ =	swait.ge [sflag:s26], $0xFA0  }
0x18b: {  	[sflag:s26] =	ssyncset.done $0x0  }
0x18c: {  	[sflag:s26] =	ssyncadd.s32 $0xFFFFF060  }
0x18d: {  	_ =	swait.ge [sflag:s26], $0xFA0  }
0x18e: {  	[sflag:s26] =	ssyncset.done $0x0  }
0x18f: {  	s16 =	stileid.u32;
	[sflag:s26] =	ssyncadd.s32 $0xFFFFF060  }
0x190: {  	s1 =	sshll.u32 s16, $0x6;
	[bflag:$0x0] =	sbarrier.arrive $0xFFFF  }
0x191: {  	s1 =	sor.u32 $0x1C0B, s1;
	s8 =	sshrl.u32 s23, $0x3;
	s16 =	rddreg [dreg:$0x12]  }
0x192: {  	[hbm:s16], [sflag:s1] =	dma.local [spmem:s8], $0x1F4  }
0x193: {  	_ =	swait.ge [sflag:s18], $0x1F4  }
0x194: {  	[sflag:s18] =	ssyncset.done $0x0;
	s23 =	rddreg [dreg:$0xb]  }
0x195: {  	s28 =	rddreg [dreg:$0x13];
	[sflag:s18] =	ssyncadd.s32 $0xFFFFFE0C;
	s8 =	sshrl.u32 s23, $0x3  }
0x196: {  	[hbm:s28], [sflag:s1] =	dma.local [spmem:s8], $0x1F4  }
0x197: {  	_ =	swait.ge [sflag:s18], $0x1F4  }
0x198: {  	s29 =	rddreg [dreg:$0x15]  }
0x199: {  	s30 =	rddreg [dreg:$0x14];
	s8 =	sadd.s32 $0x1, s29  }
0x19a: {  	p0 =	sne.s32 s8, s30  }
.Ltmp10:
0x19b: {  	_ = 	snop;
	(pc) =	sbr.rel @p0 .LBB2_1-.Ltmp10, $3  }
0x19c: {  	_ =	sdelay $0x1  }
0x19d: {  	[sflag:s18] =	ssyncset.done $0x0  }
0x19e: {  	[sflag:s18] =	ssyncadd.s32 $0xFFFFFE0C  }
0x19f: {  	_ =	sfence.sel $0x180000  }
0x1a0: {  	[bflag:$0x0] =	sbarrier.arrive $0xFFFF  }
0x1a1: {  	_ =	strace $0x90000047  }
0x1a2: {  	s0 =	stileid.u32;
	[bflag:$0x2] =	sbarrier.arrive $0xFFFF  }
0x1a3: {  	p0 =	sne.s32 s0, $0x0;
	s0 =	rddreg [dreg:$0x5]  }
0x1a4: {  	s0 =	sadd.s32 @!p0 $0x100000, s0  }
0x1a5: {  	[sflag:s0] =	ssyncadd.tile.s32 @!p0 $0x1;
	_ =	shalt  }
.Lfunc_end2:
_tile_overlayer_lowered:
.L_overlay_start_2:
0x1a6: {  	(tag) =	ssettag $0x2  }
0x1a7: {  	s0 =	rddreg [dreg:$0x0];
	s2 =	stileid.u32  }
0x1a8: {  	s1 =	rddreg [dreg:$0x1];
	p0 =	sne.s32 s2, $0x0  }
0x1a9: {  	s3 =	rddreg [dreg:$0x2];
	[bflag:$0x3] =	sbarrier.arrive $0xFFFF;
	s2 =	simm.s32 @!p0 $0x1C0B  }
0x1aa: {  	[timem:s3], [sflag:s2] =	dma.local @!p0 [hbm:s0], s1  }
0x1ab: {  	s0 =	simm.s32 @!p0 $0xB  }
0x1ac: {  	_ =	swait.ge @!p0 [sflag:s0], s1  }
0x1ad: {  	s1 =	ssub.s32 @!p0 $0x0, s1;
	[sflag:s0] =	ssyncset.done @!p0 $0x0  }
0x1ae: {  	[sflag:s0] =	ssyncadd.s32 @!p0 s1  }
0x1af: {  	[bflag:$0x3] =	sbarrier.arrive $0xFFFF  }
0x1b0: {  	_ =	shalt  }

</sc_bundles>
